<compile_context>
chip_gen: v7x
topology: tpu7x:2x2x1
jax: 0.10.2.dev20260603
libtpu: 0.0.44.dev20260713+nightly
codegen_flags: <defaults>
</compile_context>

<pallas_src>
import functools

import jax
import jax.numpy as jnp
from jax import lax
from jax.experimental import pallas as pl
from jax.experimental.pallas import tpu as pltpu
from jax.experimental.pallas import tpu_sc as plsc


def _proj_body(f_ref, wkT_ref, bk_ref, wqT_ref, bq_ref, tab_ref):
    f = f_ref[...]
    for t, (w_ref, b_ref) in enumerate(((wkT_ref, bk_ref), (wqT_ref, bq_ref))):
        v = jnp.dot(f, w_ref[...], preferred_element_type=jnp.float32) + b_ref[...]
        d = v.shape[1]
        lo = lax.bitcast_convert_type(v[:, : d // 2].astype(jnp.bfloat16), jnp.uint16)
        hi = lax.bitcast_convert_type(v[:, d // 2 :].astype(jnp.bfloat16), jnp.uint16)
        w32 = lo.astype(jnp.uint32) | (hi.astype(jnp.uint32) << 16)
        tab_ref[t, :, :] = w32.astype(jnp.int32)


def _project_packed(feats, wkT, bk2, wqT, bq2, blk):
    n, latent = feats.shape
    d = wkT.shape[1]
    grid = n // blk
    return pl.pallas_call(
        _proj_body,
        grid=(grid,),
        in_specs=[
            pl.BlockSpec((blk, latent), lambda i: (i, 0)),
            pl.BlockSpec((latent, d), lambda i: (0, 0)),
            pl.BlockSpec((1, d), lambda i: (0, 0)),
            pl.BlockSpec((latent, d), lambda i: (0, 0)),
            pl.BlockSpec((1, d), lambda i: (0, 0)),
        ],
        out_specs=pl.BlockSpec((2, blk, d // 2), lambda i: (0, i, 0)),
        out_shape=jax.ShapeDtypeStruct((2, n, d // 2), jnp.int32),
    )(feats, wkT, bk2, wqT, bq2)


def _make_sc_affinity(nk, n_rows, w, nw, e_blk):
    c_per_w = nk // nw
    n_blocks = c_per_w // e_blk
    n_groups = e_blk // 16
    ch_b = 5 if n_blocks % 5 == 0 else 1
    n_chunks = n_blocks // ch_b

    mesh = plsc.VectorSubcoreMesh(core_axis_name="c", subcore_axis_name="s")
    nc = mesh.num_cores

    @functools.partial(
        pl.kernel,
        mesh=mesh,
        out_type=jax.ShapeDtypeStruct((nk,), jnp.float32),
        scratch_types=[
            pltpu.VMEM((ch_b * e_blk,), jnp.int32),
            pltpu.VMEM((ch_b * e_blk,), jnp.int32),
            [pltpu.VMEM((e_blk, w), jnp.int32) for _ in range(2)],
            [pltpu.VMEM((e_blk, w), jnp.int32) for _ in range(2)],
            pltpu.VMEM((e_blk,), jnp.float32),
            [pltpu.SemaphoreType.DMA for _ in range(2)],
            pltpu.VMEM_SHARED((n_rows, w), jnp.int32),
            pltpu.VMEM_SHARED((n_rows, w), jnp.int32),
        ],
        compiler_params=pltpu.CompilerParams(
            needs_layout_passes=False, use_tc_tiling_on_sc=False
        ),
    )
    def sc_kernel(tab_hbm, idx3_hbm, out_hbm,
                  xidx_v, yidx_v, xrows, yrows, out_v, sems, ksh, qsh):
        sid = lax.axis_index("s")
        wid = sid * nc + lax.axis_index("c")
        base_w = wid * c_per_w

        @pl.when(sid == 0)
        def _stage_k():
            pltpu.sync_copy(tab_hbm.at[0], ksh)

        @pl.when(sid == 1)
        def _stage_q():
            pltpu.sync_copy(tab_hbm.at[1], qsh)

        plsc.subcore_barrier()

        def issue(bb, i):
            xslice = xidx_v.at[pl.ds(bb * e_blk, e_blk)]
            yslice = yidx_v.at[pl.ds(bb * e_blk, e_blk)]
            pltpu.make_async_copy(ksh.at[xslice], xrows[i], sems[i]).start()
            pltpu.make_async_copy(qsh.at[yslice], yrows[i], sems[i]).start()

        def compute(bb, i):
            xslice = xidx_v.at[pl.ds(bb * e_blk, e_blk)]
            yslice = yidx_v.at[pl.ds(bb * e_blk, e_blk)]
            pltpu.make_async_copy(ksh.at[xslice], xrows[i], sems[i]).wait()
            pltpu.make_async_copy(qsh.at[yslice], yrows[i], sems[i]).wait()
            lane = lax.iota(jnp.int32, 16)

            def group_body(g, carry2):
                rowv = g * 16 + lane
                accs = [jnp.zeros((16,), jnp.float32) for _ in range(4)]
                for j in range(w):
                    colv = (lane + j) % w
                    xw = plsc.load_gather(xrows[i], [rowv, colv])
                    yw = plsc.load_gather(yrows[i], [rowv, colv])
                    xb = plsc.bitcast(xw, jnp.bfloat16)
                    yb = plsc.bitcast(yw, jnp.bfloat16)
                    pa, pb = plsc.unpack(xb * yb, format=plsc.PackFormat.INTERLEAVED)
                    accs[j % 4] = accs[j % 4] + pa + pb
                acc = (accs[0] + accs[1]) + (accs[2] + accs[3])
                out_v[pl.ds(g * 16, 16)] = acc
                return carry2

            lax.fori_loop(0, n_groups, group_body, 0, unroll=False)

        def chunk_body(ch, carry):
            chbase = base_w + ch * (ch_b * e_blk)

            def compute_store(bb, i):
                compute(bb, i)
                pltpu.sync_copy(out_v, out_hbm.at[pl.ds(chbase + bb * e_blk, e_blk)])
            pltpu.sync_copy(idx3_hbm.at[1, pl.ds(chbase, ch_b * e_blk)], xidx_v)
            pltpu.sync_copy(idx3_hbm.at[2, pl.ds(chbase, ch_b * e_blk)], yidx_v)

            issue(0, 0)

            def pipe_body(t, carry2):
                issue(2 * t + 1, 1)
                compute_store(2 * t, 0)
                issue(2 * t + 2, 0)
                compute_store(2 * t + 1, 1)
                return carry2

            lax.fori_loop(0, (ch_b - 1) // 2, pipe_body, 0, unroll=False)
            compute_store(ch_b - 1, 0)
            return carry

        lax.fori_loop(0, n_chunks, chunk_body, 0, unroll=False)

    return sc_kernel


def kernel(features, Wk, bk, Wq, bq, img, indices):
    del img
    b, n, latent = features.shape
    _, _, _, k = indices.shape
    d = Wk.shape[0]
    feats = features.reshape(b * n, latent)
    scale = jnp.float32(d) ** jnp.float32(-0.5)

    wkT = (Wk.T * scale).astype(jnp.float32)
    wqT = Wq.T.astype(jnp.float32)
    bk2 = (bk * scale).reshape(1, d).astype(jnp.float32)
    bq2 = bq.reshape(1, d).astype(jnp.float32)

    blk = 2000 if (b * n) % 2000 == 0 else 8
    tab = _project_packed(feats, wkT, bk2, wqT, bq2, blk)

    nk = b * n * k
    if b > 1:
        off = (jnp.arange(b, dtype=jnp.int32) * n)[None, :, None]
        idx3 = (indices.reshape(3, b, n * k) + off).reshape(3, nk)
    else:
        idx3 = indices.reshape(3, nk)
    idx3 = idx3.astype(jnp.int32)
    nw = 32
    e_blk = 400
    if (nk % nw) or ((nk // nw) % e_blk) or (e_blk % 16):
        e_blk = 16
    sc_fn = _make_sc_affinity(nk, b * n, d // 2, nw, e_blk)
    logits = sc_fn(tab, idx3)
    return logits.reshape(b, n, k)

# --- scband reference (transcript-rebuilt; emitter-appended) ---
"""Pipeline reference for scband-general-affinity-calculator-55697135894755 (READ-ONLY COPY).

The authoritative reference and input builder live on the scoring server;
editing this copy changes nothing except your own understanding.
"""

import jax, jax.numpy as jnp
import numpy as np

B, N, K = 1, 50000, 32
LATENT, D = 128, 32


def setup_inputs(seed: int = 0) -> dict:
    key = jax.random.key(seed)
    k0, k1, k2, k3, k4, k5, k6, k7 = jax.random.split(key, 8)
    features = jax.random.normal(k0, (B, N, LATENT), dtype=jnp.float32)
    indices = jax.random.randint(k1, (3, B, N, K), 0, N)
    img = jax.random.normal(k2, (1, 3, 224, 224), dtype=jnp.float32)
    bound = 1.0 / np.sqrt(LATENT)
    Wk = jax.random.uniform(k3, (D, LATENT), minval=-bound, maxval=bound, dtype=jnp.float32)
    bk = jax.random.uniform(k4, (D,), minval=-bound, maxval=bound, dtype=jnp.float32)
    Wq = jax.random.uniform(k5, (D, LATENT), minval=-bound, maxval=bound, dtype=jnp.float32)
    bq = jax.random.uniform(k6, (D,), minval=-bound, maxval=bound, dtype=jnp.float32)
    return {"features": features, "Wk": Wk, "bk": bk, "Wq": Wq, "bq": bq, "img": img, "indices": indices}


def reference(features, Wk, bk, Wq, bq, img, indices):
    # faithful port of GeneralAffinityCalculator.calculate_affinity_logits
    _, b, n, k = indices.shape
    feats = features.reshape(b, n, -1)
    flatten_ks = feats @ Wk.T + bk  # [B, N, D]
    flatten_qs = feats @ Wq.T + bq  # [B, N, D]
    d = flatten_ks.shape[-1]
    # indices[[0,1]][-1] == indices[1]; indices[[0,2]][-1] == indices[2]
    x_indices = indices[1].reshape(b, n * k)
    y_indices = indices[2].reshape(b, n * k)
    x_idx = jnp.broadcast_to(x_indices[:, :, None], (b, n * k, d))
    y_idx = jnp.broadcast_to(y_indices[:, :, None], (b, n * k, d))
    x_features = jnp.take_along_axis(flatten_ks, x_idx, axis=1).reshape(b, n, k, d)
    y_features = jnp.take_along_axis(flatten_qs, y_idx, axis=1).reshape(b, n, k, d)
    logits = (x_features * y_features).sum(axis=-1) * (d ** (-0.5))
    logits = logits.reshape(b, n, k)
    return logits

if __name__ == "__main__":
    import jax
    _d = setup_inputs()
    print(jax.jit(kernel)(*tuple(_d.values())))

</pallas_src>

<mosaic_0001>
#map = affine_map<(d0, d1) -> (0, 0, 0)>
#map1 = affine_map<(d0, d1) -> (0, 0)>
#map2 = affine_map<(d0, d1) -> (0)>
module attributes {stable_mosaic.version = 14 : i64} {
  func.func @sc_kernel(%arg0: i32, %arg1: i32, %arg2: memref<2x50000x16xi32, #tpu.memory_space<hbm>>, %arg3: memref<3x1600000xi32, #tpu.memory_space<hbm>>, %arg4: memref<1600000xf32, #tpu.memory_space<hbm>>, %arg5: memref<2000xi32, #tpu.memory_space<vmem>>, %arg6: memref<2000xi32, #tpu.memory_space<vmem>>, %arg7: memref<400x16xi32, #tpu.memory_space<vmem>>, %arg8: memref<400x16xi32, #tpu.memory_space<vmem>>, %arg9: memref<400x16xi32, #tpu.memory_space<vmem>>, %arg10: memref<400x16xi32, #tpu.memory_space<vmem>>, %arg11: memref<400xf32, #tpu.memory_space<vmem>>, %arg12: memref<!tpu.dma_semaphore, #tpu.memory_space<semaphore_mem>>, %arg13: memref<!tpu.dma_semaphore, #tpu.memory_space<semaphore_mem>>, %arg14: memref<50000x16xi32, #tpu.memory_space<vmem_shared>>, %arg15: memref<50000x16xi32, #tpu.memory_space<vmem_shared>>) attributes {dimension_semantics = [#tpu.dimension_semantics<core_parallel>, #tpu.dimension_semantics<subcore_parallel>], iteration_bounds = array<i64: 2, 16>, scalar_prefetch = 0 : i64, scratch_operands = 11 : i64, tpu.core_type = #tpu.core_type<sc_vector_subcore>, window_params = [{transform_indices = #map}, {transform_indices = #map1}, {transform_indices = #map2}]} {
    %mul3A = arith.constant 2 : i32
    %mul3A_0 = arith.muli %arg1, %mul3A : i32
    %add3A = arith.addi %mul3A_0, %arg0 : i32
    %mul3A_1 = arith.constant 50000 : i32
    %mul3A_2 = arith.muli %add3A, %mul3A_1 : i32
    %eq3A = arith.constant 0 : i32
    %eq3A_3 = arith.cmpi eq, %arg1, %eq3A : i32
    %convert_element_type3A = arith.extui %eq3A_3 : i1 to i32
    %cond3A = arith.constant 0 : i32
    %cond3A_4 = arith.cmpi ne, %convert_element_type3A, %cond3A : i32
    scf.if %cond3A_4 {
      %run_scoped3A = arith.constant 0 : i32
      "tpu.region"() ({
        %run_scoped3A_15 = tpu.sem_alloc : memref<!tpu.dma_semaphore, #tpu.memory_space<semaphore_mem>>
        %dma_start3A = arith.constant 0 : i32
        %dma_start3A_16 = arith.constant 0 : i32
        %dma_start3A_17 = tpu.memref_slice %arg2[%run_scoped3A, %dma_start3A, %dma_start3A_16] : memref<2x50000x16xi32, #tpu.memory_space<hbm>> -> memref<1x50000x16xi32, #tpu.memory_space<hbm>>
        %dma_start3A_18 = tpu.memref_squeeze %dma_start3A_17 : memref<1x50000x16xi32, #tpu.memory_space<hbm>> -> memref<50000x16xi32, #tpu.memory_space<hbm>>
        tpu.enqueue_dma source(%dma_start3A_18 : memref<50000x16xi32, #tpu.memory_space<hbm>>) target(%arg14 : memref<50000x16xi32, #tpu.memory_space<vmem_shared>>) target_semaphore(%run_scoped3A_15 : memref<!tpu.dma_semaphore, #tpu.memory_space<semaphore_mem>>)
        %dma_wait3A = arith.constant 0 : i32
        %dma_wait3A_19 = arith.constant 0 : i32
        %dma_wait3A_20 = tpu.memref_slice %arg2[%run_scoped3A, %dma_wait3A, %dma_wait3A_19] : memref<2x50000x16xi32, #tpu.memory_space<hbm>> -> memref<1x50000x16xi32, #tpu.memory_space<hbm>>
        %dma_wait3A_21 = tpu.memref_squeeze %dma_wait3A_20 : memref<1x50000x16xi32, #tpu.memory_space<hbm>> -> memref<50000x16xi32, #tpu.memory_space<hbm>>
        tpu.wait_dma2 semaphore(%run_scoped3A_15 : memref<!tpu.dma_semaphore, #tpu.memory_space<semaphore_mem>>) src(%dma_wait3A_21 : memref<50000x16xi32, #tpu.memory_space<hbm>>) dst(%arg14 : memref<50000x16xi32, #tpu.memory_space<vmem_shared>>)
        tpu.yield
      }) : () -> ()
    } else {
    }
    %eq3A_5 = arith.constant 1 : i32
    %eq3A_6 = arith.cmpi eq, %arg1, %eq3A_5 : i32
    %convert_element_type3A_7 = arith.extui %eq3A_6 : i1 to i32
    %cond3A_8 = arith.constant 0 : i32
    %cond3A_9 = arith.cmpi ne, %convert_element_type3A_7, %cond3A_8 : i32
    scf.if %cond3A_9 {
      %run_scoped3A = arith.constant 1 : i32
      "tpu.region"() ({
        %run_scoped3A_15 = tpu.sem_alloc : memref<!tpu.dma_semaphore, #tpu.memory_space<semaphore_mem>>
        %dma_start3A = arith.constant 0 : i32
        %dma_start3A_16 = arith.constant 0 : i32
        %dma_start3A_17 = tpu.memref_slice %arg2[%run_scoped3A, %dma_start3A, %dma_start3A_16] : memref<2x50000x16xi32, #tpu.memory_space<hbm>> -> memref<1x50000x16xi32, #tpu.memory_space<hbm>>
        %dma_start3A_18 = tpu.memref_squeeze %dma_start3A_17 : memref<1x50000x16xi32, #tpu.memory_space<hbm>> -> memref<50000x16xi32, #tpu.memory_space<hbm>>
        tpu.enqueue_dma source(%dma_start3A_18 : memref<50000x16xi32, #tpu.memory_space<hbm>>) target(%arg15 : memref<50000x16xi32, #tpu.memory_space<vmem_shared>>) target_semaphore(%run_scoped3A_15 : memref<!tpu.dma_semaphore, #tpu.memory_space<semaphore_mem>>)
        %dma_wait3A = arith.constant 0 : i32
        %dma_wait3A_19 = arith.constant 0 : i32
        %dma_wait3A_20 = tpu.memref_slice %arg2[%run_scoped3A, %dma_wait3A, %dma_wait3A_19] : memref<2x50000x16xi32, #tpu.memory_space<hbm>> -> memref<1x50000x16xi32, #tpu.memory_space<hbm>>
        %dma_wait3A_21 = tpu.memref_squeeze %dma_wait3A_20 : memref<1x50000x16xi32, #tpu.memory_space<hbm>> -> memref<50000x16xi32, #tpu.memory_space<hbm>>
        tpu.wait_dma2 semaphore(%run_scoped3A_15 : memref<!tpu.dma_semaphore, #tpu.memory_space<semaphore_mem>>) src(%dma_wait3A_21 : memref<50000x16xi32, #tpu.memory_space<hbm>>) dst(%arg15 : memref<50000x16xi32, #tpu.memory_space<vmem_shared>>)
        tpu.yield
      }) : () -> ()
    } else {
    }
    %barrier3A = arith.constant 0 : index
    tpu.barrier barrier_id(%barrier3A)
    %scan3A = arith.constant 0 : i32
    %scan3A_10 = arith.constant 0 : i32
    %scan3A_11 = arith.constant 25 : i32
    %scan3A_12 = arith.addi %scan3A_10, %scan3A_11 : i32
    %scan3A_13 = arith.constant 1 : i32
    scf.for %scan3A_15 = %scan3A_10 to %scan3A_12 step %scan3A_13  : i32 {
      %mul3A_16 = arith.constant 2000 : i32
      %mul3A_17 = arith.muli %scan3A_15, %mul3A_16 : i32
      %add3A_18 = arith.addi %mul3A_2, %mul3A_17 : i32
      %run_scoped3A = arith.constant 1 : i32
      "tpu.region"() ({
        %run_scoped3A_52 = tpu.sem_alloc : memref<!tpu.dma_semaphore, #tpu.memory_space<semaphore_mem>>
        %dma_start3A_53 = tpu.memref_slice %arg3[%run_scoped3A, %add3A_18] : memref<3x1600000xi32, #tpu.memory_space<hbm>> -> memref<1x2000xi32, #tpu.memory_space<hbm>>
        %dma_start3A_54 = tpu.memref_squeeze %dma_start3A_53 : memref<1x2000xi32, #tpu.memory_space<hbm>> -> memref<2000xi32, #tpu.memory_space<hbm>>
        %dma_start3A_55 = tpu.memref_slice %arg3[%run_scoped3A, %add3A_18] : memref<3x1600000xi32, #tpu.memory_space<hbm>> -> memref<1x2000xi32, #tpu.memory_space<hbm>>
        %dma_start3A_56 = tpu.memref_squeeze %dma_start3A_55 : memref<1x2000xi32, #tpu.memory_space<hbm>> -> memref<2000xi32, #tpu.memory_space<hbm>>
        tpu.enqueue_dma source(%dma_start3A_56 : memref<2000xi32, #tpu.memory_space<hbm>>) target(%arg5 : memref<2000xi32, #tpu.memory_space<vmem>>) target_semaphore(%run_scoped3A_52 : memref<!tpu.dma_semaphore, #tpu.memory_space<semaphore_mem>>)
        %dma_wait3A_57 = tpu.memref_slice %arg3[%run_scoped3A, %add3A_18] : memref<3x1600000xi32, #tpu.memory_space<hbm>> -> memref<1x2000xi32, #tpu.memory_space<hbm>>
        %dma_wait3A_58 = tpu.memref_squeeze %dma_wait3A_57 : memref<1x2000xi32, #tpu.memory_space<hbm>> -> memref<2000xi32, #tpu.memory_space<hbm>>
        %dma_wait3A_59 = tpu.memref_slice %arg3[%run_scoped3A, %add3A_18] : memref<3x1600000xi32, #tpu.memory_space<hbm>> -> memref<1x2000xi32, #tpu.memory_space<hbm>>
        %dma_wait3A_60 = tpu.memref_squeeze %dma_wait3A_59 : memref<1x2000xi32, #tpu.memory_space<hbm>> -> memref<2000xi32, #tpu.memory_space<hbm>>
        tpu.wait_dma2 semaphore(%run_scoped3A_52 : memref<!tpu.dma_semaphore, #tpu.memory_space<semaphore_mem>>) src(%dma_wait3A_60 : memref<2000xi32, #tpu.memory_space<hbm>>) dst(%arg5 : memref<2000xi32, #tpu.memory_space<vmem>>)
        tpu.yield
      }) : () -> ()
      %run_scoped3A_19 = arith.constant 2 : i32
      "tpu.region"() ({
        %run_scoped3A_52 = tpu.sem_alloc : memref<!tpu.dma_semaphore, #tpu.memory_space<semaphore_mem>>
        %dma_start3A_53 = tpu.memref_slice %arg3[%run_scoped3A_19, %add3A_18] : memref<3x1600000xi32, #tpu.memory_space<hbm>> -> memref<1x2000xi32, #tpu.memory_space<hbm>>
        %dma_start3A_54 = tpu.memref_squeeze %dma_start3A_53 : memref<1x2000xi32, #tpu.memory_space<hbm>> -> memref<2000xi32, #tpu.memory_space<hbm>>
        %dma_start3A_55 = tpu.memref_slice %arg3[%run_scoped3A_19, %add3A_18] : memref<3x1600000xi32, #tpu.memory_space<hbm>> -> memref<1x2000xi32, #tpu.memory_space<hbm>>
        %dma_start3A_56 = tpu.memref_squeeze %dma_start3A_55 : memref<1x2000xi32, #tpu.memory_space<hbm>> -> memref<2000xi32, #tpu.memory_space<hbm>>
        tpu.enqueue_dma source(%dma_start3A_56 : memref<2000xi32, #tpu.memory_space<hbm>>) target(%arg6 : memref<2000xi32, #tpu.memory_space<vmem>>) target_semaphore(%run_scoped3A_52 : memref<!tpu.dma_semaphore, #tpu.memory_space<semaphore_mem>>)
        %dma_wait3A_57 = tpu.memref_slice %arg3[%run_scoped3A_19, %add3A_18] : memref<3x1600000xi32, #tpu.memory_space<hbm>> -> memref<1x2000xi32, #tpu.memory_space<hbm>>
        %dma_wait3A_58 = tpu.memref_squeeze %dma_wait3A_57 : memref<1x2000xi32, #tpu.memory_space<hbm>> -> memref<2000xi32, #tpu.memory_space<hbm>>
        %dma_wait3A_59 = tpu.memref_slice %arg3[%run_scoped3A_19, %add3A_18] : memref<3x1600000xi32, #tpu.memory_space<hbm>> -> memref<1x2000xi32, #tpu.memory_space<hbm>>
        %dma_wait3A_60 = tpu.memref_squeeze %dma_wait3A_59 : memref<1x2000xi32, #tpu.memory_space<hbm>> -> memref<2000xi32, #tpu.memory_space<hbm>>
        tpu.wait_dma2 semaphore(%run_scoped3A_52 : memref<!tpu.dma_semaphore, #tpu.memory_space<semaphore_mem>>) src(%dma_wait3A_60 : memref<2000xi32, #tpu.memory_space<hbm>>) dst(%arg6 : memref<2000xi32, #tpu.memory_space<vmem>>)
        tpu.yield
      }) : () -> ()
      %dma_start3A = arith.constant 0 : i32
      %dma_start3A_20 = tpu.memref_slice %arg5[%dma_start3A] : memref<2000xi32, #tpu.memory_space<vmem>> -> memref<400xi32, #tpu.memory_space<vmem>>
      %dma_start3A_21 = arith.constant 0 : i32
      %dma_start3A_22 = arith.constant 0 : i32
      %dma_start3A_23 = tpu.memref_slice %arg14[%dma_start3A_21, %dma_start3A_22] : memref<50000x16xi32, #tpu.memory_space<vmem_shared>> -> memref<50000x16xi32, #tpu.memory_space<vmem_shared>>
      tpu.enqueue_indirect_dma source(%dma_start3A_23 : memref<50000x16xi32, #tpu.memory_space<vmem_shared>>) target(%arg7 : memref<400x16xi32, #tpu.memory_space<vmem>>) offsets(%dma_start3A_20 : memref<400xi32, #tpu.memory_space<vmem>>) semaphore(%arg12 : memref<!tpu.dma_semaphore, #tpu.memory_space<semaphore_mem>>)
      %dma_start3A_24 = arith.constant 0 : i32
      %dma_start3A_25 = tpu.memref_slice %arg6[%dma_start3A_24] : memref<2000xi32, #tpu.memory_space<vmem>> -> memref<400xi32, #tpu.memory_space<vmem>>
      %dma_start3A_26 = arith.constant 0 : i32
      %dma_start3A_27 = arith.constant 0 : i32
      %dma_start3A_28 = tpu.memref_slice %arg15[%dma_start3A_26, %dma_start3A_27] : memref<50000x16xi32, #tpu.memory_space<vmem_shared>> -> memref<50000x16xi32, #tpu.memory_space<vmem_shared>>
      tpu.enqueue_indirect_dma source(%dma_start3A_28 : memref<50000x16xi32, #tpu.memory_space<vmem_shared>>) target(%arg9 : memref<400x16xi32, #tpu.memory_space<vmem>>) offsets(%dma_start3A_25 : memref<400xi32, #tpu.memory_space<vmem>>) semaphore(%arg12 : memref<!tpu.dma_semaphore, #tpu.memory_space<semaphore_mem>>)
      %scan3A_29 = arith.constant 0 : i32
      %scan3A_30 = arith.constant 0 : i32
      %scan3A_31 = arith.constant 2 : i32
      %scan3A_32 = arith.addi %scan3A_30, %scan3A_31 : i32
      %scan3A_33 = arith.constant 1 : i32
      scf.for %scan3A_52 = %scan3A_30 to %scan3A_32 step %scan3A_33  : i32 {
        %mul3A_53 = arith.constant 2 : i32
        %mul3A_54 = arith.muli %mul3A_53, %scan3A_52 : i32
        %add3A_55 = arith.constant 1 : i32
        %add3A_56 = arith.addi %mul3A_54, %add3A_55 : i32
        %mul3A_57 = arith.constant 400 : i32
        %mul3A_58 = arith.muli %add3A_56, %mul3A_57 : i32
        %mul3A_59 = arith.constant 400 : i32
        %mul3A_60 = arith.muli %add3A_56, %mul3A_59 : i32
        %dma_start3A_61 = tpu.memref_slice %arg5[%mul3A_58] : memref<2000xi32, #tpu.memory_space<vmem>> -> memref<400xi32, #tpu.memory_space<vmem>>
        %dma_start3A_62 = arith.constant 0 : i32
        %dma_start3A_63 = arith.constant 0 : i32
        %dma_start3A_64 = tpu.memref_slice %arg14[%dma_start3A_62, %dma_start3A_63] : memref<50000x16xi32, #tpu.memory_space<vmem_shared>> -> memref<50000x16xi32, #tpu.memory_space<vmem_shared>>
        tpu.enqueue_indirect_dma source(%dma_start3A_64 : memref<50000x16xi32, #tpu.memory_space<vmem_shared>>) target(%arg8 : memref<400x16xi32, #tpu.memory_space<vmem>>) offsets(%dma_start3A_61 : memref<400xi32, #tpu.memory_space<vmem>>) semaphore(%arg13 : memref<!tpu.dma_semaphore, #tpu.memory_space<semaphore_mem>>)
        %dma_start3A_65 = tpu.memref_slice %arg6[%mul3A_60] : memref<2000xi32, #tpu.memory_space<vmem>> -> memref<400xi32, #tpu.memory_space<vmem>>
        %dma_start3A_66 = arith.constant 0 : i32
        %dma_start3A_67 = arith.constant 0 : i32
        %dma_start3A_68 = tpu.memref_slice %arg15[%dma_start3A_66, %dma_start3A_67] : memref<50000x16xi32, #tpu.memory_space<vmem_shared>> -> memref<50000x16xi32, #tpu.memory_space<vmem_shared>>
        tpu.enqueue_indirect_dma source(%dma_start3A_68 : memref<50000x16xi32, #tpu.memory_space<vmem_shared>>) target(%arg10 : memref<400x16xi32, #tpu.memory_space<vmem>>) offsets(%dma_start3A_65 : memref<400xi32, #tpu.memory_space<vmem>>) semaphore(%arg13 : memref<!tpu.dma_semaphore, #tpu.memory_space<semaphore_mem>>)
        %mul3A_69 = arith.constant 2 : i32
        %mul3A_70 = arith.muli %mul3A_69, %scan3A_52 : i32
        %mul3A_71 = arith.constant 400 : i32
        %mul3A_72 = arith.muli %mul3A_70, %mul3A_71 : i32
        %mul3A_73 = arith.constant 400 : i32
        %mul3A_74 = arith.muli %mul3A_70, %mul3A_73 : i32
        %dma_wait3A_75 = tpu.memref_slice %arg5[%mul3A_72] : memref<2000xi32, #tpu.memory_space<vmem>> -> memref<400xi32, #tpu.memory_space<vmem>>
        %dma_wait3A_76 = arith.constant 0 : i32
        %dma_wait3A_77 = arith.constant 0 : i32
        %dma_wait3A_78 = tpu.memref_slice %arg14[%dma_wait3A_76, %dma_wait3A_77] : memref<50000x16xi32, #tpu.memory_space<vmem_shared>> -> memref<50000x16xi32, #tpu.memory_space<vmem_shared>>
        tpu.wait_indirect_dma semaphore(%arg12 : memref<!tpu.dma_semaphore, #tpu.memory_space<semaphore_mem>>) src(%dma_wait3A_78 : memref<50000x16xi32, #tpu.memory_space<vmem_shared>>) dst(%arg7 : memref<400x16xi32, #tpu.memory_space<vmem>>)
        %dma_wait3A_79 = tpu.memref_slice %arg6[%mul3A_74] : memref<2000xi32, #tpu.memory_space<vmem>> -> memref<400xi32, #tpu.memory_space<vmem>>
        %dma_wait3A_80 = arith.constant 0 : i32
        %dma_wait3A_81 = arith.constant 0 : i32
        %dma_wait3A_82 = tpu.memref_slice %arg15[%dma_wait3A_80, %dma_wait3A_81] : memref<50000x16xi32, #tpu.memory_space<vmem_shared>> -> memref<50000x16xi32, #tpu.memory_space<vmem_shared>>
        tpu.wait_indirect_dma semaphore(%arg12 : memref<!tpu.dma_semaphore, #tpu.memory_space<semaphore_mem>>) src(%dma_wait3A_82 : memref<50000x16xi32, #tpu.memory_space<vmem_shared>>) dst(%arg9 : memref<400x16xi32, #tpu.memory_space<vmem>>)
        %iota3A_83 = tpu.iota {dimensions = array<i32: 0>} : vector<16xi32>
        %scan3A_84 = arith.constant 0 : i32
        %scan3A_85 = arith.constant 0 : i32
        %scan3A_86 = arith.constant 25 : i32
        %scan3A_87 = arith.addi %scan3A_85, %scan3A_86 : i32
        %scan3A_88 = arith.constant 1 : i32
        scf.for %scan3A_135 = %scan3A_85 to %scan3A_87 step %scan3A_88  : i32 {
          %mul3A_136 = arith.constant 16 : i32
          %mul3A_137 = arith.muli %scan3A_135, %mul3A_136 : i32
          %add3A_138 = vector.broadcast %mul3A_137 : i32 to vector<16xi32>
          %add3A_139 = arith.addi %add3A_138, %iota3A_83 : vector<16xi32>
          %broadcast_in_dim3A = arith.constant 0.000000e+00 : f32
          %broadcast_in_dim3A_140 = vector.broadcast %broadcast_in_dim3A : f32 to vector<16xf32>
          %broadcast_in_dim3A_141 = arith.constant 0.000000e+00 : f32
          %broadcast_in_dim3A_142 = vector.broadcast %broadcast_in_dim3A_141 : f32 to vector<16xf32>
          %broadcast_in_dim3A_143 = arith.constant 0.000000e+00 : f32
          %broadcast_in_dim3A_144 = vector.broadcast %broadcast_in_dim3A_143 : f32 to vector<16xf32>
          %broadcast_in_dim3A_145 = arith.constant 0.000000e+00 : f32
          %broadcast_in_dim3A_146 = vector.broadcast %broadcast_in_dim3A_145 : f32 to vector<16xf32>
          %add3A_147 = arith.constant 0 : i32
          %add3A_148 = vector.broadcast %add3A_147 : i32 to vector<16xi32>
          %add3A_149 = arith.addi %iota3A_83, %add3A_148 : vector<16xi32>
          %jit3A = arith.constant 16 : i32
          %eq3A_150 = arith.constant 0 : i32
          %eq3A_151 = arith.cmpi eq, %jit3A, %eq3A_150 : i32
          %jit3A_152 = arith.constant 1 : i32
          %select_n3A = arith.select %eq3A_151, %jit3A_152, %jit3A : i32
          %rem3A = vector.broadcast %select_n3A : i32 to vector<16xi32>
          %rem3A_153 = arith.remsi %add3A_149, %rem3A : vector<16xi32>
          %ne3A = arith.constant 0 : i32
          %ne3A_154 = vector.broadcast %ne3A : i32 to vector<16xi32>
          %ne3A_155 = arith.cmpi ne, %rem3A_153, %ne3A_154 : vector<16xi32>
          %lt3A = arith.constant 0 : i32
          %lt3A_156 = vector.broadcast %lt3A : i32 to vector<16xi32>
          %lt3A_157 = arith.cmpi slt, %rem3A_153, %lt3A_156 : vector<16xi32>
          %lt3A_158 = arith.constant 0 : i32
          %lt3A_159 = arith.cmpi slt, %select_n3A, %lt3A_158 : i32
          %ne3A_160 = vector.broadcast %lt3A_159 : i1 to vector<16xi1>
          %ne3A_161 = vector.broadcast %ne3A_160 : vector<16xi1> to vector<16xi1>
          %ne3A_162 = arith.xori %lt3A_157, %ne3A_161 : vector<16xi1>
          %and3A = arith.andi %ne3A_162, %ne3A_155 : vector<16xi1>
          %add3A_163 = vector.broadcast %select_n3A : i32 to vector<16xi32>
          %add3A_164 = arith.addi %rem3A_153, %add3A_163 : vector<16xi32>
          %select_n3A_165 = arith.select %and3A, %add3A_164, %rem3A_153 : vector<16xi1>, vector<16xi32>
          %gather3A = tpu.vector_load_idx %arg7[%add3A_139, %select_n3A_165] : memref<400x16xi32, #tpu.memory_space<vmem>>[vector<16xi32>, vector<16xi32>], vector<16xi32>,
          %gather3A_166 = tpu.vector_load_idx %arg9[%add3A_139, %select_n3A_165] : memref<400x16xi32, #tpu.memory_space<vmem>>[vector<16xi32>, vector<16xi32>], vector<16xi32>,
          %bitcast3A = vector.bitcast %gather3A : vector<16xi32> to vector<32xbf16>
          %bitcast3A_167 = vector.bitcast %gather3A_166 : vector<16xi32> to vector<32xbf16>
          %mul3A_168 = arith.mulf %bitcast3A, %bitcast3A_167 : vector<32xbf16>
          %unpack3A = tpu.unpack_subelements %mul3A_168, 0 {pack_format = #tpu.pack_format<interleaved>} : vector<32xbf16> -> vector<16xf32>
          %unpack3A_169 = tpu.unpack_subelements %mul3A_168, 1 {pack_format = #tpu.pack_format<interleaved>} : vector<32xbf16> -> vector<16xf32>
          %add3A_170 = arith.addf %broadcast_in_dim3A_140, %unpack3A : vector<16xf32>
          %add3A_171 = arith.addf %add3A_170, %unpack3A_169 : vector<16xf32>
          %add3A_172 = arith.constant 1 : i32
          %add3A_173 = vector.broadcast %add3A_172 : i32 to vector<16xi32>
          %add3A_174 = arith.addi %iota3A_83, %add3A_173 : vector<16xi32>
          %jit3A_175 = arith.constant 16 : i32
          %eq3A_176 = arith.constant 0 : i32
          %eq3A_177 = arith.cmpi eq, %jit3A_175, %eq3A_176 : i32
          %jit3A_178 = arith.constant 1 : i32
          %select_n3A_179 = arith.select %eq3A_177, %jit3A_178, %jit3A_175 : i32
          %rem3A_180 = vector.broadcast %select_n3A_179 : i32 to vector<16xi32>
          %rem3A_181 = arith.remsi %add3A_174, %rem3A_180 : vector<16xi32>
          %ne3A_182 = arith.constant 0 : i32
          %ne3A_183 = vector.broadcast %ne3A_182 : i32 to vector<16xi32>
          %ne3A_184 = arith.cmpi ne, %rem3A_181, %ne3A_183 : vector<16xi32>
          %lt3A_185 = arith.constant 0 : i32
          %lt3A_186 = vector.broadcast %lt3A_185 : i32 to vector<16xi32>
          %lt3A_187 = arith.cmpi slt, %rem3A_181, %lt3A_186 : vector<16xi32>
          %lt3A_188 = arith.constant 0 : i32
          %lt3A_189 = arith.cmpi slt, %select_n3A_179, %lt3A_188 : i32
          %ne3A_190 = vector.broadcast %lt3A_189 : i1 to vector<16xi1>
          %ne3A_191 = vector.broadcast %ne3A_190 : vector<16xi1> to vector<16xi1>
          %ne3A_192 = arith.xori %lt3A_187, %ne3A_191 : vector<16xi1>
          %and3A_193 = arith.andi %ne3A_192, %ne3A_184 : vector<16xi1>
          %add3A_194 = vector.broadcast %select_n3A_179 : i32 to vector<16xi32>
          %add3A_195 = arith.addi %rem3A_181, %add3A_194 : vector<16xi32>
          %select_n3A_196 = arith.select %and3A_193, %add3A_195, %rem3A_181 : vector<16xi1>, vector<16xi32>
          %gather3A_197 = tpu.vector_load_idx %arg7[%add3A_139, %select_n3A_196] : memref<400x16xi32, #tpu.memory_space<vmem>>[vector<16xi32>, vector<16xi32>], vector<16xi32>,
          %gather3A_198 = tpu.vector_load_idx %arg9[%add3A_139, %select_n3A_196] : memref<400x16xi32, #tpu.memory_space<vmem>>[vector<16xi32>, vector<16xi32>], vector<16xi32>,
          %bitcast3A_199 = vector.bitcast %gather3A_197 : vector<16xi32> to vector<32xbf16>
          %bitcast3A_200 = vector.bitcast %gather3A_198 : vector<16xi32> to vector<32xbf16>
          %mul3A_201 = arith.mulf %bitcast3A_199, %bitcast3A_200 : vector<32xbf16>
          %unpack3A_202 = tpu.unpack_subelements %mul3A_201, 0 {pack_format = #tpu.pack_format<interleaved>} : vector<32xbf16> -> vector<16xf32>
          %unpack3A_203 = tpu.unpack_subelements %mul3A_201, 1 {pack_format = #tpu.pack_format<interleaved>} : vector<32xbf16> -> vector<16xf32>
          %add3A_204 = arith.addf %broadcast_in_dim3A_142, %unpack3A_202 : vector<16xf32>
          %add3A_205 = arith.addf %add3A_204, %unpack3A_203 : vector<16xf32>
          %add3A_206 = arith.constant 2 : i32
          %add3A_207 = vector.broadcast %add3A_206 : i32 to vector<16xi32>
          %add3A_208 = arith.addi %iota3A_83, %add3A_207 : vector<16xi32>
          %jit3A_209 = arith.constant 16 : i32
          %eq3A_210 = arith.constant 0 : i32
          %eq3A_211 = arith.cmpi eq, %jit3A_209, %eq3A_210 : i32
          %jit3A_212 = arith.constant 1 : i32
          %select_n3A_213 = arith.select %eq3A_211, %jit3A_212, %jit3A_209 : i32
          %rem3A_214 = vector.broadcast %select_n3A_213 : i32 to vector<16xi32>
          %rem3A_215 = arith.remsi %add3A_208, %rem3A_214 : vector<16xi32>
          %ne3A_216 = arith.constant 0 : i32
          %ne3A_217 = vector.broadcast %ne3A_216 : i32 to vector<16xi32>
          %ne3A_218 = arith.cmpi ne, %rem3A_215, %ne3A_217 : vector<16xi32>
          %lt3A_219 = arith.constant 0 : i32
          %lt3A_220 = vector.broadcast %lt3A_219 : i32 to vector<16xi32>
          %lt3A_221 = arith.cmpi slt, %rem3A_215, %lt3A_220 : vector<16xi32>
          %lt3A_222 = arith.constant 0 : i32
          %lt3A_223 = arith.cmpi slt, %select_n3A_213, %lt3A_222 : i32
          %ne3A_224 = vector.broadcast %lt3A_223 : i1 to vector<16xi1>
          %ne3A_225 = vector.broadcast %ne3A_224 : vector<16xi1> to vector<16xi1>
          %ne3A_226 = arith.xori %lt3A_221, %ne3A_225 : vector<16xi1>
          %and3A_227 = arith.andi %ne3A_226, %ne3A_218 : vector<16xi1>
          %add3A_228 = vector.broadcast %select_n3A_213 : i32 to vector<16xi32>
          %add3A_229 = arith.addi %rem3A_215, %add3A_228 : vector<16xi32>
          %select_n3A_230 = arith.select %and3A_227, %add3A_229, %rem3A_215 : vector<16xi1>, vector<16xi32>
          %gather3A_231 = tpu.vector_load_idx %arg7[%add3A_139, %select_n3A_230] : memref<400x16xi32, #tpu.memory_space<vmem>>[vector<16xi32>, vector<16xi32>], vector<16xi32>,
          %gather3A_232 = tpu.vector_load_idx %arg9[%add3A_139, %select_n3A_230] : memref<400x16xi32, #tpu.memory_space<vmem>>[vector<16xi32>, vector<16xi32>], vector<16xi32>,
          %bitcast3A_233 = vector.bitcast %gather3A_231 : vector<16xi32> to vector<32xbf16>
          %bitcast3A_234 = vector.bitcast %gather3A_232 : vector<16xi32> to vector<32xbf16>
          %mul3A_235 = arith.mulf %bitcast3A_233, %bitcast3A_234 : vector<32xbf16>
          %unpack3A_236 = tpu.unpack_subelements %mul3A_235, 0 {pack_format = #tpu.pack_format<interleaved>} : vector<32xbf16> -> vector<16xf32>
          %unpack3A_237 = tpu.unpack_subelements %mul3A_235, 1 {pack_format = #tpu.pack_format<interleaved>} : vector<32xbf16> -> vector<16xf32>
          %add3A_238 = arith.addf %broadcast_in_dim3A_144, %unpack3A_236 : vector<16xf32>
          %add3A_239 = arith.addf %add3A_238, %unpack3A_237 : vector<16xf32>
          %add3A_240 = arith.constant 3 : i32
          %add3A_241 = vector.broadcast %add3A_240 : i32 to vector<16xi32>
          %add3A_242 = arith.addi %iota3A_83, %add3A_241 : vector<16xi32>
          %jit3A_243 = arith.constant 16 : i32
          %eq3A_244 = arith.constant 0 : i32
          %eq3A_245 = arith.cmpi eq, %jit3A_243, %eq3A_244 : i32
          %jit3A_246 = arith.constant 1 : i32
          %select_n3A_247 = arith.select %eq3A_245, %jit3A_246, %jit3A_243 : i32
          %rem3A_248 = vector.broadcast %select_n3A_247 : i32 to vector<16xi32>
          %rem3A_249 = arith.remsi %add3A_242, %rem3A_248 : vector<16xi32>
          %ne3A_250 = arith.constant 0 : i32
          %ne3A_251 = vector.broadcast %ne3A_250 : i32 to vector<16xi32>
          %ne3A_252 = arith.cmpi ne, %rem3A_249, %ne3A_251 : vector<16xi32>
          %lt3A_253 = arith.constant 0 : i32
          %lt3A_254 = vector.broadcast %lt3A_253 : i32 to vector<16xi32>
          %lt3A_255 = arith.cmpi slt, %rem3A_249, %lt3A_254 : vector<16xi32>
          %lt3A_256 = arith.constant 0 : i32
          %lt3A_257 = arith.cmpi slt, %select_n3A_247, %lt3A_256 : i32
          %ne3A_258 = vector.broadcast %lt3A_257 : i1 to vector<16xi1>
          %ne3A_259 = vector.broadcast %ne3A_258 : vector<16xi1> to vector<16xi1>
          %ne3A_260 = arith.xori %lt3A_255, %ne3A_259 : vector<16xi1>
          %and3A_261 = arith.andi %ne3A_260, %ne3A_252 : vector<16xi1>
          %add3A_262 = vector.broadcast %select_n3A_247 : i32 to vector<16xi32>
          %add3A_263 = arith.addi %rem3A_249, %add3A_262 : vector<16xi32>
          %select_n3A_264 = arith.select %and3A_261, %add3A_263, %rem3A_249 : vector<16xi1>, vector<16xi32>
          %gather3A_265 = tpu.vector_load_idx %arg7[%add3A_139, %select_n3A_264] : memref<400x16xi32, #tpu.memory_space<vmem>>[vector<16xi32>, vector<16xi32>], vector<16xi32>,
          %gather3A_266 = tpu.vector_load_idx %arg9[%add3A_139, %select_n3A_264] : memref<400x16xi32, #tpu.memory_space<vmem>>[vector<16xi32>, vector<16xi32>], vector<16xi32>,
          %bitcast3A_267 = vector.bitcast %gather3A_265 : vector<16xi32> to vector<32xbf16>
          %bitcast3A_268 = vector.bitcast %gather3A_266 : vector<16xi32> to vector<32xbf16>
          %mul3A_269 = arith.mulf %bitcast3A_267, %bitcast3A_268 : vector<32xbf16>
          %unpack3A_270 = tpu.unpack_subelements %mul3A_269, 0 {pack_format = #tpu.pack_format<interleaved>} : vector<32xbf16> -> vector<16xf32>
          %unpack3A_271 = tpu.unpack_subelements %mul3A_269, 1 {pack_format = #tpu.pack_format<interleaved>} : vector<32xbf16> -> vector<16xf32>
          %add3A_272 = arith.addf %broadcast_in_dim3A_146, %unpack3A_270 : vector<16xf32>
          %add3A_273 = arith.addf %add3A_272, %unpack3A_271 : vector<16xf32>
          %add3A_274 = arith.constant 4 : i32
          %add3A_275 = vector.broadcast %add3A_274 : i32 to vector<16xi32>
          %add3A_276 = arith.addi %iota3A_83, %add3A_275 : vector<16xi32>
          %jit3A_277 = arith.constant 16 : i32
          %eq3A_278 = arith.constant 0 : i32
          %eq3A_279 = arith.cmpi eq, %jit3A_277, %eq3A_278 : i32
          %jit3A_280 = arith.constant 1 : i32
          %select_n3A_281 = arith.select %eq3A_279, %jit3A_280, %jit3A_277 : i32
          %rem3A_282 = vector.broadcast %select_n3A_281 : i32 to vector<16xi32>
          %rem3A_283 = arith.remsi %add3A_276, %rem3A_282 : vector<16xi32>
          %ne3A_284 = arith.constant 0 : i32
          %ne3A_285 = vector.broadcast %ne3A_284 : i32 to vector<16xi32>
          %ne3A_286 = arith.cmpi ne, %rem3A_283, %ne3A_285 : vector<16xi32>
          %lt3A_287 = arith.constant 0 : i32
          %lt3A_288 = vector.broadcast %lt3A_287 : i32 to vector<16xi32>
          %lt3A_289 = arith.cmpi slt, %rem3A_283, %lt3A_288 : vector<16xi32>
          %lt3A_290 = arith.constant 0 : i32
          %lt3A_291 = arith.cmpi slt, %select_n3A_281, %lt3A_290 : i32
          %ne3A_292 = vector.broadcast %lt3A_291 : i1 to vector<16xi1>
          %ne3A_293 = vector.broadcast %ne3A_292 : vector<16xi1> to vector<16xi1>
          %ne3A_294 = arith.xori %lt3A_289, %ne3A_293 : vector<16xi1>
          %and3A_295 = arith.andi %ne3A_294, %ne3A_286 : vector<16xi1>
          %add3A_296 = vector.broadcast %select_n3A_281 : i32 to vector<16xi32>
          %add3A_297 = arith.addi %rem3A_283, %add3A_296 : vector<16xi32>
          %select_n3A_298 = arith.select %and3A_295, %add3A_297, %rem3A_283 : vector<16xi1>, vector<16xi32>
          %gather3A_299 = tpu.vector_load_idx %arg7[%add3A_139, %select_n3A_298] : memref<400x16xi32, #tpu.memory_space<vmem>>[vector<16xi32>, vector<16xi32>], vector<16xi32>,
          %gather3A_300 = tpu.vector_load_idx %arg9[%add3A_139, %select_n3A_298] : memref<400x16xi32, #tpu.memory_space<vmem>>[vector<16xi32>, vector<16xi32>], vector<16xi32>,
          %bitcast3A_301 = vector.bitcast %gather3A_299 : vector<16xi32> to vector<32xbf16>
          %bitcast3A_302 = vector.bitcast %gather3A_300 : vector<16xi32> to vector<32xbf16>
          %mul3A_303 = arith.mulf %bitcast3A_301, %bitcast3A_302 : vector<32xbf16>
          %unpack3A_304 = tpu.unpack_subelements %mul3A_303, 0 {pack_format = #tpu.pack_format<interleaved>} : vector<32xbf16> -> vector<16xf32>
          %unpack3A_305 = tpu.unpack_subelements %mul3A_303, 1 {pack_format = #tpu.pack_format<interleaved>} : vector<32xbf16> -> vector<16xf32>
          %add3A_306 = arith.addf %add3A_171, %unpack3A_304 : vector<16xf32>
          %add3A_307 = arith.addf %add3A_306, %unpack3A_305 : vector<16xf32>
          %add3A_308 = arith.constant 5 : i32
          %add3A_309 = vector.broadcast %add3A_308 : i32 to vector<16xi32>
          %add3A_310 = arith.addi %iota3A_83, %add3A_309 : vector<16xi32>
          %jit3A_311 = arith.constant 16 : i32
          %eq3A_312 = arith.constant 0 : i32
          %eq3A_313 = arith.cmpi eq, %jit3A_311, %eq3A_312 : i32
          %jit3A_314 = arith.constant 1 : i32
          %select_n3A_315 = arith.select %eq3A_313, %jit3A_314, %jit3A_311 : i32
          %rem3A_316 = vector.broadcast %select_n3A_315 : i32 to vector<16xi32>
          %rem3A_317 = arith.remsi %add3A_310, %rem3A_316 : vector<16xi32>
          %ne3A_318 = arith.constant 0 : i32
          %ne3A_319 = vector.broadcast %ne3A_318 : i32 to vector<16xi32>
          %ne3A_320 = arith.cmpi ne, %rem3A_317, %ne3A_319 : vector<16xi32>
          %lt3A_321 = arith.constant 0 : i32
          %lt3A_322 = vector.broadcast %lt3A_321 : i32 to vector<16xi32>
          %lt3A_323 = arith.cmpi slt, %rem3A_317, %lt3A_322 : vector<16xi32>
          %lt3A_324 = arith.constant 0 : i32
          %lt3A_325 = arith.cmpi slt, %select_n3A_315, %lt3A_324 : i32
          %ne3A_326 = vector.broadcast %lt3A_325 : i1 to vector<16xi1>
          %ne3A_327 = vector.broadcast %ne3A_326 : vector<16xi1> to vector<16xi1>
          %ne3A_328 = arith.xori %lt3A_323, %ne3A_327 : vector<16xi1>
          %and3A_329 = arith.andi %ne3A_328, %ne3A_320 : vector<16xi1>
          %add3A_330 = vector.broadcast %select_n3A_315 : i32 to vector<16xi32>
          %add3A_331 = arith.addi %rem3A_317, %add3A_330 : vector<16xi32>
          %select_n3A_332 = arith.select %and3A_329, %add3A_331, %rem3A_317 : vector<16xi1>, vector<16xi32>
          %gather3A_333 = tpu.vector_load_idx %arg7[%add3A_139, %select_n3A_332] : memref<400x16xi32, #tpu.memory_space<vmem>>[vector<16xi32>, vector<16xi32>], vector<16xi32>,
          %gather3A_334 = tpu.vector_load_idx %arg9[%add3A_139, %select_n3A_332] : memref<400x16xi32, #tpu.memory_space<vmem>>[vector<16xi32>, vector<16xi32>], vector<16xi32>,
          %bitcast3A_335 = vector.bitcast %gather3A_333 : vector<16xi32> to vector<32xbf16>
          %bitcast3A_336 = vector.bitcast %gather3A_334 : vector<16xi32> to vector<32xbf16>
          %mul3A_337 = arith.mulf %bitcast3A_335, %bitcast3A_336 : vector<32xbf16>
          %unpack3A_338 = tpu.unpack_subelements %mul3A_337, 0 {pack_format = #tpu.pack_format<interleaved>} : vector<32xbf16> -> vector<16xf32>
          %unpack3A_339 = tpu.unpack_subelements %mul3A_337, 1 {pack_format = #tpu.pack_format<interleaved>} : vector<32xbf16> -> vector<16xf32>
          %add3A_340 = arith.addf %add3A_205, %unpack3A_338 : vector<16xf32>
          %add3A_341 = arith.addf %add3A_340, %unpack3A_339 : vector<16xf32>
          %add3A_342 = arith.constant 6 : i32
          %add3A_343 = vector.broadcast %add3A_342 : i32 to vector<16xi32>
          %add3A_344 = arith.addi %iota3A_83, %add3A_343 : vector<16xi32>
          %jit3A_345 = arith.constant 16 : i32
          %eq3A_346 = arith.constant 0 : i32
          %eq3A_347 = arith.cmpi eq, %jit3A_345, %eq3A_346 : i32
          %jit3A_348 = arith.constant 1 : i32
          %select_n3A_349 = arith.select %eq3A_347, %jit3A_348, %jit3A_345 : i32
          %rem3A_350 = vector.broadcast %select_n3A_349 : i32 to vector<16xi32>
          %rem3A_351 = arith.remsi %add3A_344, %rem3A_350 : vector<16xi32>
          %ne3A_352 = arith.constant 0 : i32
          %ne3A_353 = vector.broadcast %ne3A_352 : i32 to vector<16xi32>
          %ne3A_354 = arith.cmpi ne, %rem3A_351, %ne3A_353 : vector<16xi32>
          %lt3A_355 = arith.constant 0 : i32
          %lt3A_356 = vector.broadcast %lt3A_355 : i32 to vector<16xi32>
          %lt3A_357 = arith.cmpi slt, %rem3A_351, %lt3A_356 : vector<16xi32>
          %lt3A_358 = arith.constant 0 : i32
          %lt3A_359 = arith.cmpi slt, %select_n3A_349, %lt3A_358 : i32
          %ne3A_360 = vector.broadcast %lt3A_359 : i1 to vector<16xi1>
          %ne3A_361 = vector.broadcast %ne3A_360 : vector<16xi1> to vector<16xi1>
          %ne3A_362 = arith.xori %lt3A_357, %ne3A_361 : vector<16xi1>
          %and3A_363 = arith.andi %ne3A_362, %ne3A_354 : vector<16xi1>
          %add3A_364 = vector.broadcast %select_n3A_349 : i32 to vector<16xi32>
          %add3A_365 = arith.addi %rem3A_351, %add3A_364 : vector<16xi32>
          %select_n3A_366 = arith.select %and3A_363, %add3A_365, %rem3A_351 : vector<16xi1>, vector<16xi32>
          %gather3A_367 = tpu.vector_load_idx %arg7[%add3A_139, %select_n3A_366] : memref<400x16xi32, #tpu.memory_space<vmem>>[vector<16xi32>, vector<16xi32>], vector<16xi32>,
          %gather3A_368 = tpu.vector_load_idx %arg9[%add3A_139, %select_n3A_366] : memref<400x16xi32, #tpu.memory_space<vmem>>[vector<16xi32>, vector<16xi32>], vector<16xi32>,
          %bitcast3A_369 = vector.bitcast %gather3A_367 : vector<16xi32> to vector<32xbf16>
          %bitcast3A_370 = vector.bitcast %gather3A_368 : vector<16xi32> to vector<32xbf16>
          %mul3A_371 = arith.mulf %bitcast3A_369, %bitcast3A_370 : vector<32xbf16>
          %unpack3A_372 = tpu.unpack_subelements %mul3A_371, 0 {pack_format = #tpu.pack_format<interleaved>} : vector<32xbf16> -> vector<16xf32>
          %unpack3A_373 = tpu.unpack_subelements %mul3A_371, 1 {pack_format = #tpu.pack_format<interleaved>} : vector<32xbf16> -> vector<16xf32>
          %add3A_374 = arith.addf %add3A_239, %unpack3A_372 : vector<16xf32>
          %add3A_375 = arith.addf %add3A_374, %unpack3A_373 : vector<16xf32>
          %add3A_376 = arith.constant 7 : i32
          %add3A_377 = vector.broadcast %add3A_376 : i32 to vector<16xi32>
          %add3A_378 = arith.addi %iota3A_83, %add3A_377 : vector<16xi32>
          %jit3A_379 = arith.constant 16 : i32
          %eq3A_380 = arith.constant 0 : i32
          %eq3A_381 = arith.cmpi eq, %jit3A_379, %eq3A_380 : i32
          %jit3A_382 = arith.constant 1 : i32
          %select_n3A_383 = arith.select %eq3A_381, %jit3A_382, %jit3A_379 : i32
          %rem3A_384 = vector.broadcast %select_n3A_383 : i32 to vector<16xi32>
          %rem3A_385 = arith.remsi %add3A_378, %rem3A_384 : vector<16xi32>
          %ne3A_386 = arith.constant 0 : i32
          %ne3A_387 = vector.broadcast %ne3A_386 : i32 to vector<16xi32>
          %ne3A_388 = arith.cmpi ne, %rem3A_385, %ne3A_387 : vector<16xi32>
          %lt3A_389 = arith.constant 0 : i32
          %lt3A_390 = vector.broadcast %lt3A_389 : i32 to vector<16xi32>
          %lt3A_391 = arith.cmpi slt, %rem3A_385, %lt3A_390 : vector<16xi32>
          %lt3A_392 = arith.constant 0 : i32
          %lt3A_393 = arith.cmpi slt, %select_n3A_383, %lt3A_392 : i32
          %ne3A_394 = vector.broadcast %lt3A_393 : i1 to vector<16xi1>
          %ne3A_395 = vector.broadcast %ne3A_394 : vector<16xi1> to vector<16xi1>
          %ne3A_396 = arith.xori %lt3A_391, %ne3A_395 : vector<16xi1>
          %and3A_397 = arith.andi %ne3A_396, %ne3A_388 : vector<16xi1>
          %add3A_398 = vector.broadcast %select_n3A_383 : i32 to vector<16xi32>
          %add3A_399 = arith.addi %rem3A_385, %add3A_398 : vector<16xi32>
          %select_n3A_400 = arith.select %and3A_397, %add3A_399, %rem3A_385 : vector<16xi1>, vector<16xi32>
          %gather3A_401 = tpu.vector_load_idx %arg7[%add3A_139, %select_n3A_400] : memref<400x16xi32, #tpu.memory_space<vmem>>[vector<16xi32>, vector<16xi32>], vector<16xi32>,
          %gather3A_402 = tpu.vector_load_idx %arg9[%add3A_139, %select_n3A_400] : memref<400x16xi32, #tpu.memory_space<vmem>>[vector<16xi32>, vector<16xi32>], vector<16xi32>,
          %bitcast3A_403 = vector.bitcast %gather3A_401 : vector<16xi32> to vector<32xbf16>
          %bitcast3A_404 = vector.bitcast %gather3A_402 : vector<16xi32> to vector<32xbf16>
          %mul3A_405 = arith.mulf %bitcast3A_403, %bitcast3A_404 : vector<32xbf16>
          %unpack3A_406 = tpu.unpack_subelements %mul3A_405, 0 {pack_format = #tpu.pack_format<interleaved>} : vector<32xbf16> -> vector<16xf32>
          %unpack3A_407 = tpu.unpack_subelements %mul3A_405, 1 {pack_format = #tpu.pack_format<interleaved>} : vector<32xbf16> -> vector<16xf32>
          %add3A_408 = arith.addf %add3A_273, %unpack3A_406 : vector<16xf32>
          %add3A_409 = arith.addf %add3A_408, %unpack3A_407 : vector<16xf32>
          %add3A_410 = arith.constant 8 : i32
          %add3A_411 = vector.broadcast %add3A_410 : i32 to vector<16xi32>
          %add3A_412 = arith.addi %iota3A_83, %add3A_411 : vector<16xi32>
          %jit3A_413 = arith.constant 16 : i32
          %eq3A_414 = arith.constant 0 : i32
          %eq3A_415 = arith.cmpi eq, %jit3A_413, %eq3A_414 : i32
          %jit3A_416 = arith.constant 1 : i32
          %select_n3A_417 = arith.select %eq3A_415, %jit3A_416, %jit3A_413 : i32
          %rem3A_418 = vector.broadcast %select_n3A_417 : i32 to vector<16xi32>
          %rem3A_419 = arith.remsi %add3A_412, %rem3A_418 : vector<16xi32>
          %ne3A_420 = arith.constant 0 : i32
          %ne3A_421 = vector.broadcast %ne3A_420 : i32 to vector<16xi32>
          %ne3A_422 = arith.cmpi ne, %rem3A_419, %ne3A_421 : vector<16xi32>
          %lt3A_423 = arith.constant 0 : i32
          %lt3A_424 = vector.broadcast %lt3A_423 : i32 to vector<16xi32>
          %lt3A_425 = arith.cmpi slt, %rem3A_419, %lt3A_424 : vector<16xi32>
          %lt3A_426 = arith.constant 0 : i32
          %lt3A_427 = arith.cmpi slt, %select_n3A_417, %lt3A_426 : i32
          %ne3A_428 = vector.broadcast %lt3A_427 : i1 to vector<16xi1>
          %ne3A_429 = vector.broadcast %ne3A_428 : vector<16xi1> to vector<16xi1>
          %ne3A_430 = arith.xori %lt3A_425, %ne3A_429 : vector<16xi1>
          %and3A_431 = arith.andi %ne3A_430, %ne3A_422 : vector<16xi1>
          %add3A_432 = vector.broadcast %select_n3A_417 : i32 to vector<16xi32>
          %add3A_433 = arith.addi %rem3A_419, %add3A_432 : vector<16xi32>
          %select_n3A_434 = arith.select %and3A_431, %add3A_433, %rem3A_419 : vector<16xi1>, vector<16xi32>
          %gather3A_435 = tpu.vector_load_idx %arg7[%add3A_139, %select_n3A_434] : memref<400x16xi32, #tpu.memory_space<vmem>>[vector<16xi32>, vector<16xi32>], vector<16xi32>,
          %gather3A_436 = tpu.vector_load_idx %arg9[%add3A_139, %select_n3A_434] : memref<400x16xi32, #tpu.memory_space<vmem>>[vector<16xi32>, vector<16xi32>], vector<16xi32>,
          %bitcast3A_437 = vector.bitcast %gather3A_435 : vector<16xi32> to vector<32xbf16>
          %bitcast3A_438 = vector.bitcast %gather3A_436 : vector<16xi32> to vector<32xbf16>
          %mul3A_439 = arith.mulf %bitcast3A_437, %bitcast3A_438 : vector<32xbf16>
          %unpack3A_440 = tpu.unpack_subelements %mul3A_439, 0 {pack_format = #tpu.pack_format<interleaved>} : vector<32xbf16> -> vector<16xf32>
          %unpack3A_441 = tpu.unpack_subelements %mul3A_439, 1 {pack_format = #tpu.pack_format<interleaved>} : vector<32xbf16> -> vector<16xf32>
          %add3A_442 = arith.addf %add3A_307, %unpack3A_440 : vector<16xf32>
          %add3A_443 = arith.addf %add3A_442, %unpack3A_441 : vector<16xf32>
          %add3A_444 = arith.constant 9 : i32
          %add3A_445 = vector.broadcast %add3A_444 : i32 to vector<16xi32>
          %add3A_446 = arith.addi %iota3A_83, %add3A_445 : vector<16xi32>
          %jit3A_447 = arith.constant 16 : i32
          %eq3A_448 = arith.constant 0 : i32
          %eq3A_449 = arith.cmpi eq, %jit3A_447, %eq3A_448 : i32
          %jit3A_450 = arith.constant 1 : i32
          %select_n3A_451 = arith.select %eq3A_449, %jit3A_450, %jit3A_447 : i32
          %rem3A_452 = vector.broadcast %select_n3A_451 : i32 to vector<16xi32>
          %rem3A_453 = arith.remsi %add3A_446, %rem3A_452 : vector<16xi32>
          %ne3A_454 = arith.constant 0 : i32
          %ne3A_455 = vector.broadcast %ne3A_454 : i32 to vector<16xi32>
          %ne3A_456 = arith.cmpi ne, %rem3A_453, %ne3A_455 : vector<16xi32>
          %lt3A_457 = arith.constant 0 : i32
          %lt3A_458 = vector.broadcast %lt3A_457 : i32 to vector<16xi32>
          %lt3A_459 = arith.cmpi slt, %rem3A_453, %lt3A_458 : vector<16xi32>
          %lt3A_460 = arith.constant 0 : i32
          %lt3A_461 = arith.cmpi slt, %select_n3A_451, %lt3A_460 : i32
          %ne3A_462 = vector.broadcast %lt3A_461 : i1 to vector<16xi1>
          %ne3A_463 = vector.broadcast %ne3A_462 : vector<16xi1> to vector<16xi1>
          %ne3A_464 = arith.xori %lt3A_459, %ne3A_463 : vector<16xi1>
          %and3A_465 = arith.andi %ne3A_464, %ne3A_456 : vector<16xi1>
          %add3A_466 = vector.broadcast %select_n3A_451 : i32 to vector<16xi32>
          %add3A_467 = arith.addi %rem3A_453, %add3A_466 : vector<16xi32>
          %select_n3A_468 = arith.select %and3A_465, %add3A_467, %rem3A_453 : vector<16xi1>, vector<16xi32>
          %gather3A_469 = tpu.vector_load_idx %arg7[%add3A_139, %select_n3A_468] : memref<400x16xi32, #tpu.memory_space<vmem>>[vector<16xi32>, vector<16xi32>], vector<16xi32>,
          %gather3A_470 = tpu.vector_load_idx %arg9[%add3A_139, %select_n3A_468] : memref<400x16xi32, #tpu.memory_space<vmem>>[vector<16xi32>, vector<16xi32>], vector<16xi32>,
          %bitcast3A_471 = vector.bitcast %gather3A_469 : vector<16xi32> to vector<32xbf16>
          %bitcast3A_472 = vector.bitcast %gather3A_470 : vector<16xi32> to vector<32xbf16>
          %mul3A_473 = arith.mulf %bitcast3A_471, %bitcast3A_472 : vector<32xbf16>
          %unpack3A_474 = tpu.unpack_subelements %mul3A_473, 0 {pack_format = #tpu.pack_format<interleaved>} : vector<32xbf16> -> vector<16xf32>
          %unpack3A_475 = tpu.unpack_subelements %mul3A_473, 1 {pack_format = #tpu.pack_format<interleaved>} : vector<32xbf16> -> vector<16xf32>
          %add3A_476 = arith.addf %add3A_341, %unpack3A_474 : vector<16xf32>
          %add3A_477 = arith.addf %add3A_476, %unpack3A_475 : vector<16xf32>
          %add3A_478 = arith.constant 10 : i32
          %add3A_479 = vector.broadcast %add3A_478 : i32 to vector<16xi32>
          %add3A_480 = arith.addi %iota3A_83, %add3A_479 : vector<16xi32>
          %jit3A_481 = arith.constant 16 : i32
          %eq3A_482 = arith.constant 0 : i32
          %eq3A_483 = arith.cmpi eq, %jit3A_481, %eq3A_482 : i32
          %jit3A_484 = arith.constant 1 : i32
          %select_n3A_485 = arith.select %eq3A_483, %jit3A_484, %jit3A_481 : i32
          %rem3A_486 = vector.broadcast %select_n3A_485 : i32 to vector<16xi32>
          %rem3A_487 = arith.remsi %add3A_480, %rem3A_486 : vector<16xi32>
          %ne3A_488 = arith.constant 0 : i32
          %ne3A_489 = vector.broadcast %ne3A_488 : i32 to vector<16xi32>
          %ne3A_490 = arith.cmpi ne, %rem3A_487, %ne3A_489 : vector<16xi32>
          %lt3A_491 = arith.constant 0 : i32
          %lt3A_492 = vector.broadcast %lt3A_491 : i32 to vector<16xi32>
          %lt3A_493 = arith.cmpi slt, %rem3A_487, %lt3A_492 : vector<16xi32>
          %lt3A_494 = arith.constant 0 : i32
          %lt3A_495 = arith.cmpi slt, %select_n3A_485, %lt3A_494 : i32
          %ne3A_496 = vector.broadcast %lt3A_495 : i1 to vector<16xi1>
          %ne3A_497 = vector.broadcast %ne3A_496 : vector<16xi1> to vector<16xi1>
          %ne3A_498 = arith.xori %lt3A_493, %ne3A_497 : vector<16xi1>
          %and3A_499 = arith.andi %ne3A_498, %ne3A_490 : vector<16xi1>
          %add3A_500 = vector.broadcast %select_n3A_485 : i32 to vector<16xi32>
          %add3A_501 = arith.addi %rem3A_487, %add3A_500 : vector<16xi32>
          %select_n3A_502 = arith.select %and3A_499, %add3A_501, %rem3A_487 : vector<16xi1>, vector<16xi32>
          %gather3A_503 = tpu.vector_load_idx %arg7[%add3A_139, %select_n3A_502] : memref<400x16xi32, #tpu.memory_space<vmem>>[vector<16xi32>, vector<16xi32>], vector<16xi32>,
          %gather3A_504 = tpu.vector_load_idx %arg9[%add3A_139, %select_n3A_502] : memref<400x16xi32, #tpu.memory_space<vmem>>[vector<16xi32>, vector<16xi32>], vector<16xi32>,
          %bitcast3A_505 = vector.bitcast %gather3A_503 : vector<16xi32> to vector<32xbf16>
          %bitcast3A_506 = vector.bitcast %gather3A_504 : vector<16xi32> to vector<32xbf16>
          %mul3A_507 = arith.mulf %bitcast3A_505, %bitcast3A_506 : vector<32xbf16>
          %unpack3A_508 = tpu.unpack_subelements %mul3A_507, 0 {pack_format = #tpu.pack_format<interleaved>} : vector<32xbf16> -> vector<16xf32>
          %unpack3A_509 = tpu.unpack_subelements %mul3A_507, 1 {pack_format = #tpu.pack_format<interleaved>} : vector<32xbf16> -> vector<16xf32>
          %add3A_510 = arith.addf %add3A_375, %unpack3A_508 : vector<16xf32>
          %add3A_511 = arith.addf %add3A_510, %unpack3A_509 : vector<16xf32>
          %add3A_512 = arith.constant 11 : i32
          %add3A_513 = vector.broadcast %add3A_512 : i32 to vector<16xi32>
          %add3A_514 = arith.addi %iota3A_83, %add3A_513 : vector<16xi32>
          %jit3A_515 = arith.constant 16 : i32
          %eq3A_516 = arith.constant 0 : i32
          %eq3A_517 = arith.cmpi eq, %jit3A_515, %eq3A_516 : i32
          %jit3A_518 = arith.constant 1 : i32
          %select_n3A_519 = arith.select %eq3A_517, %jit3A_518, %jit3A_515 : i32
          %rem3A_520 = vector.broadcast %select_n3A_519 : i32 to vector<16xi32>
          %rem3A_521 = arith.remsi %add3A_514, %rem3A_520 : vector<16xi32>
          %ne3A_522 = arith.constant 0 : i32
          %ne3A_523 = vector.broadcast %ne3A_522 : i32 to vector<16xi32>
          %ne3A_524 = arith.cmpi ne, %rem3A_521, %ne3A_523 : vector<16xi32>
          %lt3A_525 = arith.constant 0 : i32
          %lt3A_526 = vector.broadcast %lt3A_525 : i32 to vector<16xi32>
          %lt3A_527 = arith.cmpi slt, %rem3A_521, %lt3A_526 : vector<16xi32>
          %lt3A_528 = arith.constant 0 : i32
          %lt3A_529 = arith.cmpi slt, %select_n3A_519, %lt3A_528 : i32
          %ne3A_530 = vector.broadcast %lt3A_529 : i1 to vector<16xi1>
          %ne3A_531 = vector.broadcast %ne3A_530 : vector<16xi1> to vector<16xi1>
          %ne3A_532 = arith.xori %lt3A_527, %ne3A_531 : vector<16xi1>
          %and3A_533 = arith.andi %ne3A_532, %ne3A_524 : vector<16xi1>
          %add3A_534 = vector.broadcast %select_n3A_519 : i32 to vector<16xi32>
          %add3A_535 = arith.addi %rem3A_521, %add3A_534 : vector<16xi32>
          %select_n3A_536 = arith.select %and3A_533, %add3A_535, %rem3A_521 : vector<16xi1>, vector<16xi32>
          %gather3A_537 = tpu.vector_load_idx %arg7[%add3A_139, %select_n3A_536] : memref<400x16xi32, #tpu.memory_space<vmem>>[vector<16xi32>, vector<16xi32>], vector<16xi32>,
          %gather3A_538 = tpu.vector_load_idx %arg9[%add3A_139, %select_n3A_536] : memref<400x16xi32, #tpu.memory_space<vmem>>[vector<16xi32>, vector<16xi32>], vector<16xi32>,
          %bitcast3A_539 = vector.bitcast %gather3A_537 : vector<16xi32> to vector<32xbf16>
          %bitcast3A_540 = vector.bitcast %gather3A_538 : vector<16xi32> to vector<32xbf16>
          %mul3A_541 = arith.mulf %bitcast3A_539, %bitcast3A_540 : vector<32xbf16>
          %unpack3A_542 = tpu.unpack_subelements %mul3A_541, 0 {pack_format = #tpu.pack_format<interleaved>} : vector<32xbf16> -> vector<16xf32>
          %unpack3A_543 = tpu.unpack_subelements %mul3A_541, 1 {pack_format = #tpu.pack_format<interleaved>} : vector<32xbf16> -> vector<16xf32>
          %add3A_544 = arith.addf %add3A_409, %unpack3A_542 : vector<16xf32>
          %add3A_545 = arith.addf %add3A_544, %unpack3A_543 : vector<16xf32>
          %add3A_546 = arith.constant 12 : i32
          %add3A_547 = vector.broadcast %add3A_546 : i32 to vector<16xi32>
          %add3A_548 = arith.addi %iota3A_83, %add3A_547 : vector<16xi32>
          %jit3A_549 = arith.constant 16 : i32
          %eq3A_550 = arith.constant 0 : i32
          %eq3A_551 = arith.cmpi eq, %jit3A_549, %eq3A_550 : i32
          %jit3A_552 = arith.constant 1 : i32
          %select_n3A_553 = arith.select %eq3A_551, %jit3A_552, %jit3A_549 : i32
          %rem3A_554 = vector.broadcast %select_n3A_553 : i32 to vector<16xi32>
          %rem3A_555 = arith.remsi %add3A_548, %rem3A_554 : vector<16xi32>
          %ne3A_556 = arith.constant 0 : i32
          %ne3A_557 = vector.broadcast %ne3A_556 : i32 to vector<16xi32>
          %ne3A_558 = arith.cmpi ne, %rem3A_555, %ne3A_557 : vector<16xi32>
          %lt3A_559 = arith.constant 0 : i32
          %lt3A_560 = vector.broadcast %lt3A_559 : i32 to vector<16xi32>
          %lt3A_561 = arith.cmpi slt, %rem3A_555, %lt3A_560 : vector<16xi32>
          %lt3A_562 = arith.constant 0 : i32
          %lt3A_563 = arith.cmpi slt, %select_n3A_553, %lt3A_562 : i32
          %ne3A_564 = vector.broadcast %lt3A_563 : i1 to vector<16xi1>
          %ne3A_565 = vector.broadcast %ne3A_564 : vector<16xi1> to vector<16xi1>
          %ne3A_566 = arith.xori %lt3A_561, %ne3A_565 : vector<16xi1>
          %and3A_567 = arith.andi %ne3A_566, %ne3A_558 : vector<16xi1>
          %add3A_568 = vector.broadcast %select_n3A_553 : i32 to vector<16xi32>
          %add3A_569 = arith.addi %rem3A_555, %add3A_568 : vector<16xi32>
          %select_n3A_570 = arith.select %and3A_567, %add3A_569, %rem3A_555 : vector<16xi1>, vector<16xi32>
          %gather3A_571 = tpu.vector_load_idx %arg7[%add3A_139, %select_n3A_570] : memref<400x16xi32, #tpu.memory_space<vmem>>[vector<16xi32>, vector<16xi32>], vector<16xi32>,
          %gather3A_572 = tpu.vector_load_idx %arg9[%add3A_139, %select_n3A_570] : memref<400x16xi32, #tpu.memory_space<vmem>>[vector<16xi32>, vector<16xi32>], vector<16xi32>,
          %bitcast3A_573 = vector.bitcast %gather3A_571 : vector<16xi32> to vector<32xbf16>
          %bitcast3A_574 = vector.bitcast %gather3A_572 : vector<16xi32> to vector<32xbf16>
          %mul3A_575 = arith.mulf %bitcast3A_573, %bitcast3A_574 : vector<32xbf16>
          %unpack3A_576 = tpu.unpack_subelements %mul3A_575, 0 {pack_format = #tpu.pack_format<interleaved>} : vector<32xbf16> -> vector<16xf32>
          %unpack3A_577 = tpu.unpack_subelements %mul3A_575, 1 {pack_format = #tpu.pack_format<interleaved>} : vector<32xbf16> -> vector<16xf32>
          %add3A_578 = arith.addf %add3A_443, %unpack3A_576 : vector<16xf32>
          %add3A_579 = arith.addf %add3A_578, %unpack3A_577 : vector<16xf32>
          %add3A_580 = arith.constant 13 : i32
          %add3A_581 = vector.broadcast %add3A_580 : i32 to vector<16xi32>
          %add3A_582 = arith.addi %iota3A_83, %add3A_581 : vector<16xi32>
          %jit3A_583 = arith.constant 16 : i32
          %eq3A_584 = arith.constant 0 : i32
          %eq3A_585 = arith.cmpi eq, %jit3A_583, %eq3A_584 : i32
          %jit3A_586 = arith.constant 1 : i32
          %select_n3A_587 = arith.select %eq3A_585, %jit3A_586, %jit3A_583 : i32
          %rem3A_588 = vector.broadcast %select_n3A_587 : i32 to vector<16xi32>
          %rem3A_589 = arith.remsi %add3A_582, %rem3A_588 : vector<16xi32>
          %ne3A_590 = arith.constant 0 : i32
          %ne3A_591 = vector.broadcast %ne3A_590 : i32 to vector<16xi32>
          %ne3A_592 = arith.cmpi ne, %rem3A_589, %ne3A_591 : vector<16xi32>
          %lt3A_593 = arith.constant 0 : i32
          %lt3A_594 = vector.broadcast %lt3A_593 : i32 to vector<16xi32>
          %lt3A_595 = arith.cmpi slt, %rem3A_589, %lt3A_594 : vector<16xi32>
          %lt3A_596 = arith.constant 0 : i32
          %lt3A_597 = arith.cmpi slt, %select_n3A_587, %lt3A_596 : i32
          %ne3A_598 = vector.broadcast %lt3A_597 : i1 to vector<16xi1>
          %ne3A_599 = vector.broadcast %ne3A_598 : vector<16xi1> to vector<16xi1>
          %ne3A_600 = arith.xori %lt3A_595, %ne3A_599 : vector<16xi1>
          %and3A_601 = arith.andi %ne3A_600, %ne3A_592 : vector<16xi1>
          %add3A_602 = vector.broadcast %select_n3A_587 : i32 to vector<16xi32>
          %add3A_603 = arith.addi %rem3A_589, %add3A_602 : vector<16xi32>
          %select_n3A_604 = arith.select %and3A_601, %add3A_603, %rem3A_589 : vector<16xi1>, vector<16xi32>
          %gather3A_605 = tpu.vector_load_idx %arg7[%add3A_139, %select_n3A_604] : memref<400x16xi32, #tpu.memory_space<vmem>>[vector<16xi32>, vector<16xi32>], vector<16xi32>,
          %gather3A_606 = tpu.vector_load_idx %arg9[%add3A_139, %select_n3A_604] : memref<400x16xi32, #tpu.memory_space<vmem>>[vector<16xi32>, vector<16xi32>], vector<16xi32>,
          %bitcast3A_607 = vector.bitcast %gather3A_605 : vector<16xi32> to vector<32xbf16>
          %bitcast3A_608 = vector.bitcast %gather3A_606 : vector<16xi32> to vector<32xbf16>
          %mul3A_609 = arith.mulf %bitcast3A_607, %bitcast3A_608 : vector<32xbf16>
          %unpack3A_610 = tpu.unpack_subelements %mul3A_609, 0 {pack_format = #tpu.pack_format<interleaved>} : vector<32xbf16> -> vector<16xf32>
          %unpack3A_611 = tpu.unpack_subelements %mul3A_609, 1 {pack_format = #tpu.pack_format<interleaved>} : vector<32xbf16> -> vector<16xf32>
          %add3A_612 = arith.addf %add3A_477, %unpack3A_610 : vector<16xf32>
          %add3A_613 = arith.addf %add3A_612, %unpack3A_611 : vector<16xf32>
          %add3A_614 = arith.constant 14 : i32
          %add3A_615 = vector.broadcast %add3A_614 : i32 to vector<16xi32>
          %add3A_616 = arith.addi %iota3A_83, %add3A_615 : vector<16xi32>
          %jit3A_617 = arith.constant 16 : i32
          %eq3A_618 = arith.constant 0 : i32
          %eq3A_619 = arith.cmpi eq, %jit3A_617, %eq3A_618 : i32
          %jit3A_620 = arith.constant 1 : i32
          %select_n3A_621 = arith.select %eq3A_619, %jit3A_620, %jit3A_617 : i32
          %rem3A_622 = vector.broadcast %select_n3A_621 : i32 to vector<16xi32>
          %rem3A_623 = arith.remsi %add3A_616, %rem3A_622 : vector<16xi32>
          %ne3A_624 = arith.constant 0 : i32
          %ne3A_625 = vector.broadcast %ne3A_624 : i32 to vector<16xi32>
          %ne3A_626 = arith.cmpi ne, %rem3A_623, %ne3A_625 : vector<16xi32>
          %lt3A_627 = arith.constant 0 : i32
          %lt3A_628 = vector.broadcast %lt3A_627 : i32 to vector<16xi32>
          %lt3A_629 = arith.cmpi slt, %rem3A_623, %lt3A_628 : vector<16xi32>
          %lt3A_630 = arith.constant 0 : i32
          %lt3A_631 = arith.cmpi slt, %select_n3A_621, %lt3A_630 : i32
          %ne3A_632 = vector.broadcast %lt3A_631 : i1 to vector<16xi1>
          %ne3A_633 = vector.broadcast %ne3A_632 : vector<16xi1> to vector<16xi1>
          %ne3A_634 = arith.xori %lt3A_629, %ne3A_633 : vector<16xi1>
          %and3A_635 = arith.andi %ne3A_634, %ne3A_626 : vector<16xi1>
          %add3A_636 = vector.broadcast %select_n3A_621 : i32 to vector<16xi32>
          %add3A_637 = arith.addi %rem3A_623, %add3A_636 : vector<16xi32>
          %select_n3A_638 = arith.select %and3A_635, %add3A_637, %rem3A_623 : vector<16xi1>, vector<16xi32>
          %gather3A_639 = tpu.vector_load_idx %arg7[%add3A_139, %select_n3A_638] : memref<400x16xi32, #tpu.memory_space<vmem>>[vector<16xi32>, vector<16xi32>], vector<16xi32>,
          %gather3A_640 = tpu.vector_load_idx %arg9[%add3A_139, %select_n3A_638] : memref<400x16xi32, #tpu.memory_space<vmem>>[vector<16xi32>, vector<16xi32>], vector<16xi32>,
          %bitcast3A_641 = vector.bitcast %gather3A_639 : vector<16xi32> to vector<32xbf16>
          %bitcast3A_642 = vector.bitcast %gather3A_640 : vector<16xi32> to vector<32xbf16>
          %mul3A_643 = arith.mulf %bitcast3A_641, %bitcast3A_642 : vector<32xbf16>
          %unpack3A_644 = tpu.unpack_subelements %mul3A_643, 0 {pack_format = #tpu.pack_format<interleaved>} : vector<32xbf16> -> vector<16xf32>
          %unpack3A_645 = tpu.unpack_subelements %mul3A_643, 1 {pack_format = #tpu.pack_format<interleaved>} : vector<32xbf16> -> vector<16xf32>
          %add3A_646 = arith.addf %add3A_511, %unpack3A_644 : vector<16xf32>
          %add3A_647 = arith.addf %add3A_646, %unpack3A_645 : vector<16xf32>
          %add3A_648 = arith.constant 15 : i32
          %add3A_649 = vector.broadcast %add3A_648 : i32 to vector<16xi32>
          %add3A_650 = arith.addi %iota3A_83, %add3A_649 : vector<16xi32>
          %jit3A_651 = arith.constant 16 : i32
          %eq3A_652 = arith.constant 0 : i32
          %eq3A_653 = arith.cmpi eq, %jit3A_651, %eq3A_652 : i32
          %jit3A_654 = arith.constant 1 : i32
          %select_n3A_655 = arith.select %eq3A_653, %jit3A_654, %jit3A_651 : i32
          %rem3A_656 = vector.broadcast %select_n3A_655 : i32 to vector<16xi32>
          %rem3A_657 = arith.remsi %add3A_650, %rem3A_656 : vector<16xi32>
          %ne3A_658 = arith.constant 0 : i32
          %ne3A_659 = vector.broadcast %ne3A_658 : i32 to vector<16xi32>
          %ne3A_660 = arith.cmpi ne, %rem3A_657, %ne3A_659 : vector<16xi32>
          %lt3A_661 = arith.constant 0 : i32
          %lt3A_662 = vector.broadcast %lt3A_661 : i32 to vector<16xi32>
          %lt3A_663 = arith.cmpi slt, %rem3A_657, %lt3A_662 : vector<16xi32>
          %lt3A_664 = arith.constant 0 : i32
          %lt3A_665 = arith.cmpi slt, %select_n3A_655, %lt3A_664 : i32
          %ne3A_666 = vector.broadcast %lt3A_665 : i1 to vector<16xi1>
          %ne3A_667 = vector.broadcast %ne3A_666 : vector<16xi1> to vector<16xi1>
          %ne3A_668 = arith.xori %lt3A_663, %ne3A_667 : vector<16xi1>
          %and3A_669 = arith.andi %ne3A_668, %ne3A_660 : vector<16xi1>
          %add3A_670 = vector.broadcast %select_n3A_655 : i32 to vector<16xi32>
          %add3A_671 = arith.addi %rem3A_657, %add3A_670 : vector<16xi32>
          %select_n3A_672 = arith.select %and3A_669, %add3A_671, %rem3A_657 : vector<16xi1>, vector<16xi32>
          %gather3A_673 = tpu.vector_load_idx %arg7[%add3A_139, %select_n3A_672] : memref<400x16xi32, #tpu.memory_space<vmem>>[vector<16xi32>, vector<16xi32>], vector<16xi32>,
          %gather3A_674 = tpu.vector_load_idx %arg9[%add3A_139, %select_n3A_672] : memref<400x16xi32, #tpu.memory_space<vmem>>[vector<16xi32>, vector<16xi32>], vector<16xi32>,
          %bitcast3A_675 = vector.bitcast %gather3A_673 : vector<16xi32> to vector<32xbf16>
          %bitcast3A_676 = vector.bitcast %gather3A_674 : vector<16xi32> to vector<32xbf16>
          %mul3A_677 = arith.mulf %bitcast3A_675, %bitcast3A_676 : vector<32xbf16>
          %unpack3A_678 = tpu.unpack_subelements %mul3A_677, 0 {pack_format = #tpu.pack_format<interleaved>} : vector<32xbf16> -> vector<16xf32>
          %unpack3A_679 = tpu.unpack_subelements %mul3A_677, 1 {pack_format = #tpu.pack_format<interleaved>} : vector<32xbf16> -> vector<16xf32>
          %add3A_680 = arith.addf %add3A_545, %unpack3A_678 : vector<16xf32>
          %add3A_681 = arith.addf %add3A_680, %unpack3A_679 : vector<16xf32>
          %add3A_682 = arith.addf %add3A_579, %add3A_613 : vector<16xf32>
          %add3A_683 = arith.addf %add3A_647, %add3A_681 : vector<16xf32>
          %add3A_684 = arith.addf %add3A_682, %add3A_683 : vector<16xf32>
          %mul3A_685 = arith.constant 16 : i32
          %mul3A_686 = arith.muli %scan3A_135, %mul3A_685 : i32
          %swap3A = arith.index_cast %mul3A_686 : i32 to index
          %swap3A_687 = tpu.vector_load %arg11[%swap3A] {strides = array<i32>} : memref<400xf32, #tpu.memory_space<vmem>>, vector<16xf32>,
          tpu.vector_store %arg11[%swap3A], %add3A_684 {strides = array<i32>} : memref<400xf32, #tpu.memory_space<vmem>>, vector<16xf32>,
        }
        %scan3A_89 = arith.constant 25 : i32
        %mul3A_90 = arith.constant 400 : i32
        %mul3A_91 = arith.muli %mul3A_70, %mul3A_90 : i32
        %add3A_92 = arith.addi %add3A_18, %mul3A_91 : i32
        "tpu.region"() ({
          %run_scoped3A_135 = tpu.sem_alloc : memref<!tpu.dma_semaphore, #tpu.memory_space<semaphore_mem>>
          %dma_start3A_136 = tpu.memref_slice %arg4[%add3A_92] : memref<1600000xf32, #tpu.memory_space<hbm>> -> memref<400xf32, #tpu.memory_space<hbm>>
          %dma_start3A_137 = tpu.memref_slice %arg4[%add3A_92] : memref<1600000xf32, #tpu.memory_space<hbm>> -> memref<400xf32, #tpu.memory_space<hbm>>
          tpu.enqueue_dma source(%arg11 : memref<400xf32, #tpu.memory_space<vmem>>) target(%dma_start3A_137 : memref<400xf32, #tpu.memory_space<hbm>>) target_semaphore(%run_scoped3A_135 : memref<!tpu.dma_semaphore, #tpu.memory_space<semaphore_mem>>)
          %dma_wait3A_138 = tpu.memref_slice %arg4[%add3A_92] : memref<1600000xf32, #tpu.memory_space<hbm>> -> memref<400xf32, #tpu.memory_space<hbm>>
          %dma_wait3A_139 = tpu.memref_slice %arg4[%add3A_92] : memref<1600000xf32, #tpu.memory_space<hbm>> -> memref<400xf32, #tpu.memory_space<hbm>>
          tpu.wait_dma2 semaphore(%run_scoped3A_135 : memref<!tpu.dma_semaphore, #tpu.memory_space<semaphore_mem>>) src(%arg11 : memref<400xf32, #tpu.memory_space<vmem>>) dst(%dma_wait3A_139 : memref<400xf32, #tpu.memory_space<hbm>>)
          tpu.yield
        }) : () -> ()
        %mul3A_93 = arith.constant 2 : i32
        %mul3A_94 = arith.muli %mul3A_93, %scan3A_52 : i32
        %add3A_95 = arith.constant 2 : i32
        %add3A_96 = arith.addi %mul3A_94, %add3A_95 : i32
        %mul3A_97 = arith.constant 400 : i32
        %mul3A_98 = arith.muli %add3A_96, %mul3A_97 : i32
        %mul3A_99 = arith.constant 400 : i32
        %mul3A_100 = arith.muli %add3A_96, %mul3A_99 : i32
        %dma_start3A_101 = tpu.memref_slice %arg5[%mul3A_98] : memref<2000xi32, #tpu.memory_space<vmem>> -> memref<400xi32, #tpu.memory_space<vmem>>
        %dma_start3A_102 = arith.constant 0 : i32
        %dma_start3A_103 = arith.constant 0 : i32
        %dma_start3A_104 = tpu.memref_slice %arg14[%dma_start3A_102, %dma_start3A_103] : memref<50000x16xi32, #tpu.memory_space<vmem_shared>> -> memref<50000x16xi32, #tpu.memory_space<vmem_shared>>
        tpu.enqueue_indirect_dma source(%dma_start3A_104 : memref<50000x16xi32, #tpu.memory_space<vmem_shared>>) target(%arg7 : memref<400x16xi32, #tpu.memory_space<vmem>>) offsets(%dma_start3A_101 : memref<400xi32, #tpu.memory_space<vmem>>) semaphore(%arg12 : memref<!tpu.dma_semaphore, #tpu.memory_space<semaphore_mem>>)
        %dma_start3A_105 = tpu.memref_slice %arg6[%mul3A_100] : memref<2000xi32, #tpu.memory_space<vmem>> -> memref<400xi32, #tpu.memory_space<vmem>>
        %dma_start3A_106 = arith.constant 0 : i32
        %dma_start3A_107 = arith.constant 0 : i32
        %dma_start3A_108 = tpu.memref_slice %arg15[%dma_start3A_106, %dma_start3A_107] : memref<50000x16xi32, #tpu.memory_space<vmem_shared>> -> memref<50000x16xi32, #tpu.memory_space<vmem_shared>>
        tpu.enqueue_indirect_dma source(%dma_start3A_108 : memref<50000x16xi32, #tpu.memory_space<vmem_shared>>) target(%arg9 : memref<400x16xi32, #tpu.memory_space<vmem>>) offsets(%dma_start3A_105 : memref<400xi32, #tpu.memory_space<vmem>>) semaphore(%arg12 : memref<!tpu.dma_semaphore, #tpu.memory_space<semaphore_mem>>)
        %mul3A_109 = arith.constant 2 : i32
        %mul3A_110 = arith.muli %mul3A_109, %scan3A_52 : i32
        %add3A_111 = arith.constant 1 : i32
        %add3A_112 = arith.addi %mul3A_110, %add3A_111 : i32
        %mul3A_113 = arith.constant 400 : i32
        %mul3A_114 = arith.muli %add3A_112, %mul3A_113 : i32
        %mul3A_115 = arith.constant 400 : i32
        %mul3A_116 = arith.muli %add3A_112, %mul3A_115 : i32
        %dma_wait3A_117 = tpu.memref_slice %arg5[%mul3A_114] : memref<2000xi32, #tpu.memory_space<vmem>> -> memref<400xi32, #tpu.memory_space<vmem>>
        %dma_wait3A_118 = arith.constant 0 : i32
        %dma_wait3A_119 = arith.constant 0 : i32
        %dma_wait3A_120 = tpu.memref_slice %arg14[%dma_wait3A_118, %dma_wait3A_119] : memref<50000x16xi32, #tpu.memory_space<vmem_shared>> -> memref<50000x16xi32, #tpu.memory_space<vmem_shared>>
        tpu.wait_indirect_dma semaphore(%arg13 : memref<!tpu.dma_semaphore, #tpu.memory_space<semaphore_mem>>) src(%dma_wait3A_120 : memref<50000x16xi32, #tpu.memory_space<vmem_shared>>) dst(%arg8 : memref<400x16xi32, #tpu.memory_space<vmem>>)
        %dma_wait3A_121 = tpu.memref_slice %arg6[%mul3A_116] : memref<2000xi32, #tpu.memory_space<vmem>> -> memref<400xi32, #tpu.memory_space<vmem>>
        %dma_wait3A_122 = arith.constant 0 : i32
        %dma_wait3A_123 = arith.constant 0 : i32
        %dma_wait3A_124 = tpu.memref_slice %arg15[%dma_wait3A_122, %dma_wait3A_123] : memref<50000x16xi32, #tpu.memory_space<vmem_shared>> -> memref<50000x16xi32, #tpu.memory_space<vmem_shared>>
        tpu.wait_indirect_dma semaphore(%arg13 : memref<!tpu.dma_semaphore, #tpu.memory_space<semaphore_mem>>) src(%dma_wait3A_124 : memref<50000x16xi32, #tpu.memory_space<vmem_shared>>) dst(%arg10 : memref<400x16xi32, #tpu.memory_space<vmem>>)
        %iota3A_125 = tpu.iota {dimensions = array<i32: 0>} : vector<16xi32>
        %scan3A_126 = arith.constant 0 : i32
        %scan3A_127 = arith.constant 0 : i32
        %scan3A_128 = arith.constant 25 : i32
        %scan3A_129 = arith.addi %scan3A_127, %scan3A_128 : i32
        %scan3A_130 = arith.constant 1 : i32
        scf.for %scan3A_135 = %scan3A_127 to %scan3A_129 step %scan3A_130  : i32 {
          %mul3A_136 = arith.constant 16 : i32
          %mul3A_137 = arith.muli %scan3A_135, %mul3A_136 : i32
          %add3A_138 = vector.broadcast %mul3A_137 : i32 to vector<16xi32>
          %add3A_139 = arith.addi %add3A_138, %iota3A_125 : vector<16xi32>
          %broadcast_in_dim3A = arith.constant 0.000000e+00 : f32
          %broadcast_in_dim3A_140 = vector.broadcast %broadcast_in_dim3A : f32 to vector<16xf32>
          %broadcast_in_dim3A_141 = arith.constant 0.000000e+00 : f32
          %broadcast_in_dim3A_142 = vector.broadcast %broadcast_in_dim3A_141 : f32 to vector<16xf32>
          %broadcast_in_dim3A_143 = arith.constant 0.000000e+00 : f32
          %broadcast_in_dim3A_144 = vector.broadcast %broadcast_in_dim3A_143 : f32 to vector<16xf32>
          %broadcast_in_dim3A_145 = arith.constant 0.000000e+00 : f32
          %broadcast_in_dim3A_146 = vector.broadcast %broadcast_in_dim3A_145 : f32 to vector<16xf32>
          %add3A_147 = arith.constant 0 : i32
          %add3A_148 = vector.broadcast %add3A_147 : i32 to vector<16xi32>
          %add3A_149 = arith.addi %iota3A_125, %add3A_148 : vector<16xi32>
          %jit3A = arith.constant 16 : i32
          %eq3A_150 = arith.constant 0 : i32
          %eq3A_151 = arith.cmpi eq, %jit3A, %eq3A_150 : i32
          %jit3A_152 = arith.constant 1 : i32
          %select_n3A = arith.select %eq3A_151, %jit3A_152, %jit3A : i32
          %rem3A = vector.broadcast %select_n3A : i32 to vector<16xi32>
          %rem3A_153 = arith.remsi %add3A_149, %rem3A : vector<16xi32>
          %ne3A = arith.constant 0 : i32
          %ne3A_154 = vector.broadcast %ne3A : i32 to vector<16xi32>
          %ne3A_155 = arith.cmpi ne, %rem3A_153, %ne3A_154 : vector<16xi32>
          %lt3A = arith.constant 0 : i32
          %lt3A_156 = vector.broadcast %lt3A : i32 to vector<16xi32>
          %lt3A_157 = arith.cmpi slt, %rem3A_153, %lt3A_156 : vector<16xi32>
          %lt3A_158 = arith.constant 0 : i32
          %lt3A_159 = arith.cmpi slt, %select_n3A, %lt3A_158 : i32
          %ne3A_160 = vector.broadcast %lt3A_159 : i1 to vector<16xi1>
          %ne3A_161 = vector.broadcast %ne3A_160 : vector<16xi1> to vector<16xi1>
          %ne3A_162 = arith.xori %lt3A_157, %ne3A_161 : vector<16xi1>
          %and3A = arith.andi %ne3A_162, %ne3A_155 : vector<16xi1>
          %add3A_163 = vector.broadcast %select_n3A : i32 to vector<16xi32>
          %add3A_164 = arith.addi %rem3A_153, %add3A_163 : vector<16xi32>
          %select_n3A_165 = arith.select %and3A, %add3A_164, %rem3A_153 : vector<16xi1>, vector<16xi32>
          %gather3A = tpu.vector_load_idx %arg8[%add3A_139, %select_n3A_165] : memref<400x16xi32, #tpu.memory_space<vmem>>[vector<16xi32>, vector<16xi32>], vector<16xi32>,
          %gather3A_166 = tpu.vector_load_idx %arg10[%add3A_139, %select_n3A_165] : memref<400x16xi32, #tpu.memory_space<vmem>>[vector<16xi32>, vector<16xi32>], vector<16xi32>,
          %bitcast3A = vector.bitcast %gather3A : vector<16xi32> to vector<32xbf16>
          %bitcast3A_167 = vector.bitcast %gather3A_166 : vector<16xi32> to vector<32xbf16>
          %mul3A_168 = arith.mulf %bitcast3A, %bitcast3A_167 : vector<32xbf16>
          %unpack3A = tpu.unpack_subelements %mul3A_168, 0 {pack_format = #tpu.pack_format<interleaved>} : vector<32xbf16> -> vector<16xf32>
          %unpack3A_169 = tpu.unpack_subelements %mul3A_168, 1 {pack_format = #tpu.pack_format<interleaved>} : vector<32xbf16> -> vector<16xf32>
          %add3A_170 = arith.addf %broadcast_in_dim3A_140, %unpack3A : vector<16xf32>
          %add3A_171 = arith.addf %add3A_170, %unpack3A_169 : vector<16xf32>
          %add3A_172 = arith.constant 1 : i32
          %add3A_173 = vector.broadcast %add3A_172 : i32 to vector<16xi32>
          %add3A_174 = arith.addi %iota3A_125, %add3A_173 : vector<16xi32>
          %jit3A_175 = arith.constant 16 : i32
          %eq3A_176 = arith.constant 0 : i32
          %eq3A_177 = arith.cmpi eq, %jit3A_175, %eq3A_176 : i32
          %jit3A_178 = arith.constant 1 : i32
          %select_n3A_179 = arith.select %eq3A_177, %jit3A_178, %jit3A_175 : i32
          %rem3A_180 = vector.broadcast %select_n3A_179 : i32 to vector<16xi32>
          %rem3A_181 = arith.remsi %add3A_174, %rem3A_180 : vector<16xi32>
          %ne3A_182 = arith.constant 0 : i32
          %ne3A_183 = vector.broadcast %ne3A_182 : i32 to vector<16xi32>
          %ne3A_184 = arith.cmpi ne, %rem3A_181, %ne3A_183 : vector<16xi32>
          %lt3A_185 = arith.constant 0 : i32
          %lt3A_186 = vector.broadcast %lt3A_185 : i32 to vector<16xi32>
          %lt3A_187 = arith.cmpi slt, %rem3A_181, %lt3A_186 : vector<16xi32>
          %lt3A_188 = arith.constant 0 : i32
          %lt3A_189 = arith.cmpi slt, %select_n3A_179, %lt3A_188 : i32
          %ne3A_190 = vector.broadcast %lt3A_189 : i1 to vector<16xi1>
          %ne3A_191 = vector.broadcast %ne3A_190 : vector<16xi1> to vector<16xi1>
          %ne3A_192 = arith.xori %lt3A_187, %ne3A_191 : vector<16xi1>
          %and3A_193 = arith.andi %ne3A_192, %ne3A_184 : vector<16xi1>
          %add3A_194 = vector.broadcast %select_n3A_179 : i32 to vector<16xi32>
          %add3A_195 = arith.addi %rem3A_181, %add3A_194 : vector<16xi32>
          %select_n3A_196 = arith.select %and3A_193, %add3A_195, %rem3A_181 : vector<16xi1>, vector<16xi32>
          %gather3A_197 = tpu.vector_load_idx %arg8[%add3A_139, %select_n3A_196] : memref<400x16xi32, #tpu.memory_space<vmem>>[vector<16xi32>, vector<16xi32>], vector<16xi32>,
          %gather3A_198 = tpu.vector_load_idx %arg10[%add3A_139, %select_n3A_196] : memref<400x16xi32, #tpu.memory_space<vmem>>[vector<16xi32>, vector<16xi32>], vector<16xi32>,
          %bitcast3A_199 = vector.bitcast %gather3A_197 : vector<16xi32> to vector<32xbf16>
          %bitcast3A_200 = vector.bitcast %gather3A_198 : vector<16xi32> to vector<32xbf16>
          %mul3A_201 = arith.mulf %bitcast3A_199, %bitcast3A_200 : vector<32xbf16>
          %unpack3A_202 = tpu.unpack_subelements %mul3A_201, 0 {pack_format = #tpu.pack_format<interleaved>} : vector<32xbf16> -> vector<16xf32>
          %unpack3A_203 = tpu.unpack_subelements %mul3A_201, 1 {pack_format = #tpu.pack_format<interleaved>} : vector<32xbf16> -> vector<16xf32>
          %add3A_204 = arith.addf %broadcast_in_dim3A_142, %unpack3A_202 : vector<16xf32>
          %add3A_205 = arith.addf %add3A_204, %unpack3A_203 : vector<16xf32>
          %add3A_206 = arith.constant 2 : i32
          %add3A_207 = vector.broadcast %add3A_206 : i32 to vector<16xi32>
          %add3A_208 = arith.addi %iota3A_125, %add3A_207 : vector<16xi32>
          %jit3A_209 = arith.constant 16 : i32
          %eq3A_210 = arith.constant 0 : i32
          %eq3A_211 = arith.cmpi eq, %jit3A_209, %eq3A_210 : i32
          %jit3A_212 = arith.constant 1 : i32
          %select_n3A_213 = arith.select %eq3A_211, %jit3A_212, %jit3A_209 : i32
          %rem3A_214 = vector.broadcast %select_n3A_213 : i32 to vector<16xi32>
          %rem3A_215 = arith.remsi %add3A_208, %rem3A_214 : vector<16xi32>
          %ne3A_216 = arith.constant 0 : i32
          %ne3A_217 = vector.broadcast %ne3A_216 : i32 to vector<16xi32>
          %ne3A_218 = arith.cmpi ne, %rem3A_215, %ne3A_217 : vector<16xi32>
          %lt3A_219 = arith.constant 0 : i32
          %lt3A_220 = vector.broadcast %lt3A_219 : i32 to vector<16xi32>
          %lt3A_221 = arith.cmpi slt, %rem3A_215, %lt3A_220 : vector<16xi32>
          %lt3A_222 = arith.constant 0 : i32
          %lt3A_223 = arith.cmpi slt, %select_n3A_213, %lt3A_222 : i32
          %ne3A_224 = vector.broadcast %lt3A_223 : i1 to vector<16xi1>
          %ne3A_225 = vector.broadcast %ne3A_224 : vector<16xi1> to vector<16xi1>
          %ne3A_226 = arith.xori %lt3A_221, %ne3A_225 : vector<16xi1>
          %and3A_227 = arith.andi %ne3A_226, %ne3A_218 : vector<16xi1>
          %add3A_228 = vector.broadcast %select_n3A_213 : i32 to vector<16xi32>
          %add3A_229 = arith.addi %rem3A_215, %add3A_228 : vector<16xi32>
          %select_n3A_230 = arith.select %and3A_227, %add3A_229, %rem3A_215 : vector<16xi1>, vector<16xi32>
          %gather3A_231 = tpu.vector_load_idx %arg8[%add3A_139, %select_n3A_230] : memref<400x16xi32, #tpu.memory_space<vmem>>[vector<16xi32>, vector<16xi32>], vector<16xi32>,
          %gather3A_232 = tpu.vector_load_idx %arg10[%add3A_139, %select_n3A_230] : memref<400x16xi32, #tpu.memory_space<vmem>>[vector<16xi32>, vector<16xi32>], vector<16xi32>,
          %bitcast3A_233 = vector.bitcast %gather3A_231 : vector<16xi32> to vector<32xbf16>
          %bitcast3A_234 = vector.bitcast %gather3A_232 : vector<16xi32> to vector<32xbf16>
          %mul3A_235 = arith.mulf %bitcast3A_233, %bitcast3A_234 : vector<32xbf16>
          %unpack3A_236 = tpu.unpack_subelements %mul3A_235, 0 {pack_format = #tpu.pack_format<interleaved>} : vector<32xbf16> -> vector<16xf32>
          %unpack3A_237 = tpu.unpack_subelements %mul3A_235, 1 {pack_format = #tpu.pack_format<interleaved>} : vector<32xbf16> -> vector<16xf32>
          %add3A_238 = arith.addf %broadcast_in_dim3A_144, %unpack3A_236 : vector<16xf32>
          %add3A_239 = arith.addf %add3A_238, %unpack3A_237 : vector<16xf32>
          %add3A_240 = arith.constant 3 : i32
          %add3A_241 = vector.broadcast %add3A_240 : i32 to vector<16xi32>
          %add3A_242 = arith.addi %iota3A_125, %add3A_241 : vector<16xi32>
          %jit3A_243 = arith.constant 16 : i32
          %eq3A_244 = arith.constant 0 : i32
          %eq3A_245 = arith.cmpi eq, %jit3A_243, %eq3A_244 : i32
          %jit3A_246 = arith.constant 1 : i32
          %select_n3A_247 = arith.select %eq3A_245, %jit3A_246, %jit3A_243 : i32
          %rem3A_248 = vector.broadcast %select_n3A_247 : i32 to vector<16xi32>
          %rem3A_249 = arith.remsi %add3A_242, %rem3A_248 : vector<16xi32>
          %ne3A_250 = arith.constant 0 : i32
          %ne3A_251 = vector.broadcast %ne3A_250 : i32 to vector<16xi32>
          %ne3A_252 = arith.cmpi ne, %rem3A_249, %ne3A_251 : vector<16xi32>
          %lt3A_253 = arith.constant 0 : i32
          %lt3A_254 = vector.broadcast %lt3A_253 : i32 to vector<16xi32>
          %lt3A_255 = arith.cmpi slt, %rem3A_249, %lt3A_254 : vector<16xi32>
          %lt3A_256 = arith.constant 0 : i32
          %lt3A_257 = arith.cmpi slt, %select_n3A_247, %lt3A_256 : i32
          %ne3A_258 = vector.broadcast %lt3A_257 : i1 to vector<16xi1>
          %ne3A_259 = vector.broadcast %ne3A_258 : vector<16xi1> to vector<16xi1>
          %ne3A_260 = arith.xori %lt3A_255, %ne3A_259 : vector<16xi1>
          %and3A_261 = arith.andi %ne3A_260, %ne3A_252 : vector<16xi1>
          %add3A_262 = vector.broadcast %select_n3A_247 : i32 to vector<16xi32>
          %add3A_263 = arith.addi %rem3A_249, %add3A_262 : vector<16xi32>
          %select_n3A_264 = arith.select %and3A_261, %add3A_263, %rem3A_249 : vector<16xi1>, vector<16xi32>
          %gather3A_265 = tpu.vector_load_idx %arg8[%add3A_139, %select_n3A_264] : memref<400x16xi32, #tpu.memory_space<vmem>>[vector<16xi32>, vector<16xi32>], vector<16xi32>,
          %gather3A_266 = tpu.vector_load_idx %arg10[%add3A_139, %select_n3A_264] : memref<400x16xi32, #tpu.memory_space<vmem>>[vector<16xi32>, vector<16xi32>], vector<16xi32>,
          %bitcast3A_267 = vector.bitcast %gather3A_265 : vector<16xi32> to vector<32xbf16>
          %bitcast3A_268 = vector.bitcast %gather3A_266 : vector<16xi32> to vector<32xbf16>
          %mul3A_269 = arith.mulf %bitcast3A_267, %bitcast3A_268 : vector<32xbf16>
          %unpack3A_270 = tpu.unpack_subelements %mul3A_269, 0 {pack_format = #tpu.pack_format<interleaved>} : vector<32xbf16> -> vector<16xf32>
          %unpack3A_271 = tpu.unpack_subelements %mul3A_269, 1 {pack_format = #tpu.pack_format<interleaved>} : vector<32xbf16> -> vector<16xf32>
          %add3A_272 = arith.addf %broadcast_in_dim3A_146, %unpack3A_270 : vector<16xf32>
          %add3A_273 = arith.addf %add3A_272, %unpack3A_271 : vector<16xf32>
          %add3A_274 = arith.constant 4 : i32
          %add3A_275 = vector.broadcast %add3A_274 : i32 to vector<16xi32>
          %add3A_276 = arith.addi %iota3A_125, %add3A_275 : vector<16xi32>
          %jit3A_277 = arith.constant 16 : i32
          %eq3A_278 = arith.constant 0 : i32
          %eq3A_279 = arith.cmpi eq, %jit3A_277, %eq3A_278 : i32
          %jit3A_280 = arith.constant 1 : i32
          %select_n3A_281 = arith.select %eq3A_279, %jit3A_280, %jit3A_277 : i32
          %rem3A_282 = vector.broadcast %select_n3A_281 : i32 to vector<16xi32>
          %rem3A_283 = arith.remsi %add3A_276, %rem3A_282 : vector<16xi32>
          %ne3A_284 = arith.constant 0 : i32
          %ne3A_285 = vector.broadcast %ne3A_284 : i32 to vector<16xi32>
          %ne3A_286 = arith.cmpi ne, %rem3A_283, %ne3A_285 : vector<16xi32>
          %lt3A_287 = arith.constant 0 : i32
          %lt3A_288 = vector.broadcast %lt3A_287 : i32 to vector<16xi32>
          %lt3A_289 = arith.cmpi slt, %rem3A_283, %lt3A_288 : vector<16xi32>
          %lt3A_290 = arith.constant 0 : i32
          %lt3A_291 = arith.cmpi slt, %select_n3A_281, %lt3A_290 : i32
          %ne3A_292 = vector.broadcast %lt3A_291 : i1 to vector<16xi1>
          %ne3A_293 = vector.broadcast %ne3A_292 : vector<16xi1> to vector<16xi1>
          %ne3A_294 = arith.xori %lt3A_289, %ne3A_293 : vector<16xi1>
          %and3A_295 = arith.andi %ne3A_294, %ne3A_286 : vector<16xi1>
          %add3A_296 = vector.broadcast %select_n3A_281 : i32 to vector<16xi32>
          %add3A_297 = arith.addi %rem3A_283, %add3A_296 : vector<16xi32>
          %select_n3A_298 = arith.select %and3A_295, %add3A_297, %rem3A_283 : vector<16xi1>, vector<16xi32>
          %gather3A_299 = tpu.vector_load_idx %arg8[%add3A_139, %select_n3A_298] : memref<400x16xi32, #tpu.memory_space<vmem>>[vector<16xi32>, vector<16xi32>], vector<16xi32>,
          %gather3A_300 = tpu.vector_load_idx %arg10[%add3A_139, %select_n3A_298] : memref<400x16xi32, #tpu.memory_space<vmem>>[vector<16xi32>, vector<16xi32>], vector<16xi32>,
          %bitcast3A_301 = vector.bitcast %gather3A_299 : vector<16xi32> to vector<32xbf16>
          %bitcast3A_302 = vector.bitcast %gather3A_300 : vector<16xi32> to vector<32xbf16>
          %mul3A_303 = arith.mulf %bitcast3A_301, %bitcast3A_302 : vector<32xbf16>
          %unpack3A_304 = tpu.unpack_subelements %mul3A_303, 0 {pack_format = #tpu.pack_format<interleaved>} : vector<32xbf16> -> vector<16xf32>
          %unpack3A_305 = tpu.unpack_subelements %mul3A_303, 1 {pack_format = #tpu.pack_format<interleaved>} : vector<32xbf16> -> vector<16xf32>
          %add3A_306 = arith.addf %add3A_171, %unpack3A_304 : vector<16xf32>
          %add3A_307 = arith.addf %add3A_306, %unpack3A_305 : vector<16xf32>
          %add3A_308 = arith.constant 5 : i32
          %add3A_309 = vector.broadcast %add3A_308 : i32 to vector<16xi32>
          %add3A_310 = arith.addi %iota3A_125, %add3A_309 : vector<16xi32>
          %jit3A_311 = arith.constant 16 : i32
          %eq3A_312 = arith.constant 0 : i32
          %eq3A_313 = arith.cmpi eq, %jit3A_311, %eq3A_312 : i32
          %jit3A_314 = arith.constant 1 : i32
          %select_n3A_315 = arith.select %eq3A_313, %jit3A_314, %jit3A_311 : i32
          %rem3A_316 = vector.broadcast %select_n3A_315 : i32 to vector<16xi32>
          %rem3A_317 = arith.remsi %add3A_310, %rem3A_316 : vector<16xi32>
          %ne3A_318 = arith.constant 0 : i32
          %ne3A_319 = vector.broadcast %ne3A_318 : i32 to vector<16xi32>
          %ne3A_320 = arith.cmpi ne, %rem3A_317, %ne3A_319 : vector<16xi32>
          %lt3A_321 = arith.constant 0 : i32
          %lt3A_322 = vector.broadcast %lt3A_321 : i32 to vector<16xi32>
          %lt3A_323 = arith.cmpi slt, %rem3A_317, %lt3A_322 : vector<16xi32>
          %lt3A_324 = arith.constant 0 : i32
          %lt3A_325 = arith.cmpi slt, %select_n3A_315, %lt3A_324 : i32
          %ne3A_326 = vector.broadcast %lt3A_325 : i1 to vector<16xi1>
          %ne3A_327 = vector.broadcast %ne3A_326 : vector<16xi1> to vector<16xi1>
          %ne3A_328 = arith.xori %lt3A_323, %ne3A_327 : vector<16xi1>
          %and3A_329 = arith.andi %ne3A_328, %ne3A_320 : vector<16xi1>
          %add3A_330 = vector.broadcast %select_n3A_315 : i32 to vector<16xi32>
          %add3A_331 = arith.addi %rem3A_317, %add3A_330 : vector<16xi32>
          %select_n3A_332 = arith.select %and3A_329, %add3A_331, %rem3A_317 : vector<16xi1>, vector<16xi32>
          %gather3A_333 = tpu.vector_load_idx %arg8[%add3A_139, %select_n3A_332] : memref<400x16xi32, #tpu.memory_space<vmem>>[vector<16xi32>, vector<16xi32>], vector<16xi32>,
          %gather3A_334 = tpu.vector_load_idx %arg10[%add3A_139, %select_n3A_332] : memref<400x16xi32, #tpu.memory_space<vmem>>[vector<16xi32>, vector<16xi32>], vector<16xi32>,
          %bitcast3A_335 = vector.bitcast %gather3A_333 : vector<16xi32> to vector<32xbf16>
          %bitcast3A_336 = vector.bitcast %gather3A_334 : vector<16xi32> to vector<32xbf16>
          %mul3A_337 = arith.mulf %bitcast3A_335, %bitcast3A_336 : vector<32xbf16>
          %unpack3A_338 = tpu.unpack_subelements %mul3A_337, 0 {pack_format = #tpu.pack_format<interleaved>} : vector<32xbf16> -> vector<16xf32>
          %unpack3A_339 = tpu.unpack_subelements %mul3A_337, 1 {pack_format = #tpu.pack_format<interleaved>} : vector<32xbf16> -> vector<16xf32>
          %add3A_340 = arith.addf %add3A_205, %unpack3A_338 : vector<16xf32>
          %add3A_341 = arith.addf %add3A_340, %unpack3A_339 : vector<16xf32>
          %add3A_342 = arith.constant 6 : i32
          %add3A_343 = vector.broadcast %add3A_342 : i32 to vector<16xi32>
          %add3A_344 = arith.addi %iota3A_125, %add3A_343 : vector<16xi32>
          %jit3A_345 = arith.constant 16 : i32
          %eq3A_346 = arith.constant 0 : i32
          %eq3A_347 = arith.cmpi eq, %jit3A_345, %eq3A_346 : i32
          %jit3A_348 = arith.constant 1 : i32
          %select_n3A_349 = arith.select %eq3A_347, %jit3A_348, %jit3A_345 : i32
          %rem3A_350 = vector.broadcast %select_n3A_349 : i32 to vector<16xi32>
          %rem3A_351 = arith.remsi %add3A_344, %rem3A_350 : vector<16xi32>
          %ne3A_352 = arith.constant 0 : i32
          %ne3A_353 = vector.broadcast %ne3A_352 : i32 to vector<16xi32>
          %ne3A_354 = arith.cmpi ne, %rem3A_351, %ne3A_353 : vector<16xi32>
          %lt3A_355 = arith.constant 0 : i32
          %lt3A_356 = vector.broadcast %lt3A_355 : i32 to vector<16xi32>
          %lt3A_357 = arith.cmpi slt, %rem3A_351, %lt3A_356 : vector<16xi32>
          %lt3A_358 = arith.constant 0 : i32
          %lt3A_359 = arith.cmpi slt, %select_n3A_349, %lt3A_358 : i32
          %ne3A_360 = vector.broadcast %lt3A_359 : i1 to vector<16xi1>
          %ne3A_361 = vector.broadcast %ne3A_360 : vector<16xi1> to vector<16xi1>
          %ne3A_362 = arith.xori %lt3A_357, %ne3A_361 : vector<16xi1>
          %and3A_363 = arith.andi %ne3A_362, %ne3A_354 : vector<16xi1>
          %add3A_364 = vector.broadcast %select_n3A_349 : i32 to vector<16xi32>
          %add3A_365 = arith.addi %rem3A_351, %add3A_364 : vector<16xi32>
          %select_n3A_366 = arith.select %and3A_363, %add3A_365, %rem3A_351 : vector<16xi1>, vector<16xi32>
          %gather3A_367 = tpu.vector_load_idx %arg8[%add3A_139, %select_n3A_366] : memref<400x16xi32, #tpu.memory_space<vmem>>[vector<16xi32>, vector<16xi32>], vector<16xi32>,
          %gather3A_368 = tpu.vector_load_idx %arg10[%add3A_139, %select_n3A_366] : memref<400x16xi32, #tpu.memory_space<vmem>>[vector<16xi32>, vector<16xi32>], vector<16xi32>,
          %bitcast3A_369 = vector.bitcast %gather3A_367 : vector<16xi32> to vector<32xbf16>
          %bitcast3A_370 = vector.bitcast %gather3A_368 : vector<16xi32> to vector<32xbf16>
          %mul3A_371 = arith.mulf %bitcast3A_369, %bitcast3A_370 : vector<32xbf16>
          %unpack3A_372 = tpu.unpack_subelements %mul3A_371, 0 {pack_format = #tpu.pack_format<interleaved>} : vector<32xbf16> -> vector<16xf32>
          %unpack3A_373 = tpu.unpack_subelements %mul3A_371, 1 {pack_format = #tpu.pack_format<interleaved>} : vector<32xbf16> -> vector<16xf32>
          %add3A_374 = arith.addf %add3A_239, %unpack3A_372 : vector<16xf32>
          %add3A_375 = arith.addf %add3A_374, %unpack3A_373 : vector<16xf32>
          %add3A_376 = arith.constant 7 : i32
          %add3A_377 = vector.broadcast %add3A_376 : i32 to vector<16xi32>
          %add3A_378 = arith.addi %iota3A_125, %add3A_377 : vector<16xi32>
          %jit3A_379 = arith.constant 16 : i32
          %eq3A_380 = arith.constant 0 : i32
          %eq3A_381 = arith.cmpi eq, %jit3A_379, %eq3A_380 : i32
          %jit3A_382 = arith.constant 1 : i32
          %select_n3A_383 = arith.select %eq3A_381, %jit3A_382, %jit3A_379 : i32
          %rem3A_384 = vector.broadcast %select_n3A_383 : i32 to vector<16xi32>
          %rem3A_385 = arith.remsi %add3A_378, %rem3A_384 : vector<16xi32>
          %ne3A_386 = arith.constant 0 : i32
          %ne3A_387 = vector.broadcast %ne3A_386 : i32 to vector<16xi32>
          %ne3A_388 = arith.cmpi ne, %rem3A_385, %ne3A_387 : vector<16xi32>
          %lt3A_389 = arith.constant 0 : i32
          %lt3A_390 = vector.broadcast %lt3A_389 : i32 to vector<16xi32>
          %lt3A_391 = arith.cmpi slt, %rem3A_385, %lt3A_390 : vector<16xi32>
          %lt3A_392 = arith.constant 0 : i32
          %lt3A_393 = arith.cmpi slt, %select_n3A_383, %lt3A_392 : i32
          %ne3A_394 = vector.broadcast %lt3A_393 : i1 to vector<16xi1>
          %ne3A_395 = vector.broadcast %ne3A_394 : vector<16xi1> to vector<16xi1>
          %ne3A_396 = arith.xori %lt3A_391, %ne3A_395 : vector<16xi1>
          %and3A_397 = arith.andi %ne3A_396, %ne3A_388 : vector<16xi1>
          %add3A_398 = vector.broadcast %select_n3A_383 : i32 to vector<16xi32>
          %add3A_399 = arith.addi %rem3A_385, %add3A_398 : vector<16xi32>
          %select_n3A_400 = arith.select %and3A_397, %add3A_399, %rem3A_385 : vector<16xi1>, vector<16xi32>
          %gather3A_401 = tpu.vector_load_idx %arg8[%add3A_139, %select_n3A_400] : memref<400x16xi32, #tpu.memory_space<vmem>>[vector<16xi32>, vector<16xi32>], vector<16xi32>,
          %gather3A_402 = tpu.vector_load_idx %arg10[%add3A_139, %select_n3A_400] : memref<400x16xi32, #tpu.memory_space<vmem>>[vector<16xi32>, vector<16xi32>], vector<16xi32>,
          %bitcast3A_403 = vector.bitcast %gather3A_401 : vector<16xi32> to vector<32xbf16>
          %bitcast3A_404 = vector.bitcast %gather3A_402 : vector<16xi32> to vector<32xbf16>
          %mul3A_405 = arith.mulf %bitcast3A_403, %bitcast3A_404 : vector<32xbf16>
          %unpack3A_406 = tpu.unpack_subelements %mul3A_405, 0 {pack_format = #tpu.pack_format<interleaved>} : vector<32xbf16> -> vector<16xf32>
          %unpack3A_407 = tpu.unpack_subelements %mul3A_405, 1 {pack_format = #tpu.pack_format<interleaved>} : vector<32xbf16> -> vector<16xf32>
          %add3A_408 = arith.addf %add3A_273, %unpack3A_406 : vector<16xf32>
          %add3A_409 = arith.addf %add3A_408, %unpack3A_407 : vector<16xf32>
          %add3A_410 = arith.constant 8 : i32
          %add3A_411 = vector.broadcast %add3A_410 : i32 to vector<16xi32>
          %add3A_412 = arith.addi %iota3A_125, %add3A_411 : vector<16xi32>
          %jit3A_413 = arith.constant 16 : i32
          %eq3A_414 = arith.constant 0 : i32
          %eq3A_415 = arith.cmpi eq, %jit3A_413, %eq3A_414 : i32
          %jit3A_416 = arith.constant 1 : i32
          %select_n3A_417 = arith.select %eq3A_415, %jit3A_416, %jit3A_413 : i32
          %rem3A_418 = vector.broadcast %select_n3A_417 : i32 to vector<16xi32>
          %rem3A_419 = arith.remsi %add3A_412, %rem3A_418 : vector<16xi32>
          %ne3A_420 = arith.constant 0 : i32
          %ne3A_421 = vector.broadcast %ne3A_420 : i32 to vector<16xi32>
          %ne3A_422 = arith.cmpi ne, %rem3A_419, %ne3A_421 : vector<16xi32>
          %lt3A_423 = arith.constant 0 : i32
          %lt3A_424 = vector.broadcast %lt3A_423 : i32 to vector<16xi32>
          %lt3A_425 = arith.cmpi slt, %rem3A_419, %lt3A_424 : vector<16xi32>
          %lt3A_426 = arith.constant 0 : i32
          %lt3A_427 = arith.cmpi slt, %select_n3A_417, %lt3A_426 : i32
          %ne3A_428 = vector.broadcast %lt3A_427 : i1 to vector<16xi1>
          %ne3A_429 = vector.broadcast %ne3A_428 : vector<16xi1> to vector<16xi1>
          %ne3A_430 = arith.xori %lt3A_425, %ne3A_429 : vector<16xi1>
          %and3A_431 = arith.andi %ne3A_430, %ne3A_422 : vector<16xi1>
          %add3A_432 = vector.broadcast %select_n3A_417 : i32 to vector<16xi32>
          %add3A_433 = arith.addi %rem3A_419, %add3A_432 : vector<16xi32>
          %select_n3A_434 = arith.select %and3A_431, %add3A_433, %rem3A_419 : vector<16xi1>, vector<16xi32>
          %gather3A_435 = tpu.vector_load_idx %arg8[%add3A_139, %select_n3A_434] : memref<400x16xi32, #tpu.memory_space<vmem>>[vector<16xi32>, vector<16xi32>], vector<16xi32>,
          %gather3A_436 = tpu.vector_load_idx %arg10[%add3A_139, %select_n3A_434] : memref<400x16xi32, #tpu.memory_space<vmem>>[vector<16xi32>, vector<16xi32>], vector<16xi32>,
          %bitcast3A_437 = vector.bitcast %gather3A_435 : vector<16xi32> to vector<32xbf16>
          %bitcast3A_438 = vector.bitcast %gather3A_436 : vector<16xi32> to vector<32xbf16>
          %mul3A_439 = arith.mulf %bitcast3A_437, %bitcast3A_438 : vector<32xbf16>
          %unpack3A_440 = tpu.unpack_subelements %mul3A_439, 0 {pack_format = #tpu.pack_format<interleaved>} : vector<32xbf16> -> vector<16xf32>
          %unpack3A_441 = tpu.unpack_subelements %mul3A_439, 1 {pack_format = #tpu.pack_format<interleaved>} : vector<32xbf16> -> vector<16xf32>
          %add3A_442 = arith.addf %add3A_307, %unpack3A_440 : vector<16xf32>
          %add3A_443 = arith.addf %add3A_442, %unpack3A_441 : vector<16xf32>
          %add3A_444 = arith.constant 9 : i32
          %add3A_445 = vector.broadcast %add3A_444 : i32 to vector<16xi32>
          %add3A_446 = arith.addi %iota3A_125, %add3A_445 : vector<16xi32>
          %jit3A_447 = arith.constant 16 : i32
          %eq3A_448 = arith.constant 0 : i32
          %eq3A_449 = arith.cmpi eq, %jit3A_447, %eq3A_448 : i32
          %jit3A_450 = arith.constant 1 : i32
          %select_n3A_451 = arith.select %eq3A_449, %jit3A_450, %jit3A_447 : i32
          %rem3A_452 = vector.broadcast %select_n3A_451 : i32 to vector<16xi32>
          %rem3A_453 = arith.remsi %add3A_446, %rem3A_452 : vector<16xi32>
          %ne3A_454 = arith.constant 0 : i32
          %ne3A_455 = vector.broadcast %ne3A_454 : i32 to vector<16xi32>
          %ne3A_456 = arith.cmpi ne, %rem3A_453, %ne3A_455 : vector<16xi32>
          %lt3A_457 = arith.constant 0 : i32
          %lt3A_458 = vector.broadcast %lt3A_457 : i32 to vector<16xi32>
          %lt3A_459 = arith.cmpi slt, %rem3A_453, %lt3A_458 : vector<16xi32>
          %lt3A_460 = arith.constant 0 : i32
          %lt3A_461 = arith.cmpi slt, %select_n3A_451, %lt3A_460 : i32
          %ne3A_462 = vector.broadcast %lt3A_461 : i1 to vector<16xi1>
          %ne3A_463 = vector.broadcast %ne3A_462 : vector<16xi1> to vector<16xi1>
          %ne3A_464 = arith.xori %lt3A_459, %ne3A_463 : vector<16xi1>
          %and3A_465 = arith.andi %ne3A_464, %ne3A_456 : vector<16xi1>
          %add3A_466 = vector.broadcast %select_n3A_451 : i32 to vector<16xi32>
          %add3A_467 = arith.addi %rem3A_453, %add3A_466 : vector<16xi32>
          %select_n3A_468 = arith.select %and3A_465, %add3A_467, %rem3A_453 : vector<16xi1>, vector<16xi32>
          %gather3A_469 = tpu.vector_load_idx %arg8[%add3A_139, %select_n3A_468] : memref<400x16xi32, #tpu.memory_space<vmem>>[vector<16xi32>, vector<16xi32>], vector<16xi32>,
          %gather3A_470 = tpu.vector_load_idx %arg10[%add3A_139, %select_n3A_468] : memref<400x16xi32, #tpu.memory_space<vmem>>[vector<16xi32>, vector<16xi32>], vector<16xi32>,
          %bitcast3A_471 = vector.bitcast %gather3A_469 : vector<16xi32> to vector<32xbf16>
          %bitcast3A_472 = vector.bitcast %gather3A_470 : vector<16xi32> to vector<32xbf16>
          %mul3A_473 = arith.mulf %bitcast3A_471, %bitcast3A_472 : vector<32xbf16>
          %unpack3A_474 = tpu.unpack_subelements %mul3A_473, 0 {pack_format = #tpu.pack_format<interleaved>} : vector<32xbf16> -> vector<16xf32>
          %unpack3A_475 = tpu.unpack_subelements %mul3A_473, 1 {pack_format = #tpu.pack_format<interleaved>} : vector<32xbf16> -> vector<16xf32>
          %add3A_476 = arith.addf %add3A_341, %unpack3A_474 : vector<16xf32>
          %add3A_477 = arith.addf %add3A_476, %unpack3A_475 : vector<16xf32>
          %add3A_478 = arith.constant 10 : i32
          %add3A_479 = vector.broadcast %add3A_478 : i32 to vector<16xi32>
          %add3A_480 = arith.addi %iota3A_125, %add3A_479 : vector<16xi32>
          %jit3A_481 = arith.constant 16 : i32
          %eq3A_482 = arith.constant 0 : i32
          %eq3A_483 = arith.cmpi eq, %jit3A_481, %eq3A_482 : i32
          %jit3A_484 = arith.constant 1 : i32
          %select_n3A_485 = arith.select %eq3A_483, %jit3A_484, %jit3A_481 : i32
          %rem3A_486 = vector.broadcast %select_n3A_485 : i32 to vector<16xi32>
          %rem3A_487 = arith.remsi %add3A_480, %rem3A_486 : vector<16xi32>
          %ne3A_488 = arith.constant 0 : i32
          %ne3A_489 = vector.broadcast %ne3A_488 : i32 to vector<16xi32>
          %ne3A_490 = arith.cmpi ne, %rem3A_487, %ne3A_489 : vector<16xi32>
          %lt3A_491 = arith.constant 0 : i32
          %lt3A_492 = vector.broadcast %lt3A_491 : i32 to vector<16xi32>
          %lt3A_493 = arith.cmpi slt, %rem3A_487, %lt3A_492 : vector<16xi32>
          %lt3A_494 = arith.constant 0 : i32
          %lt3A_495 = arith.cmpi slt, %select_n3A_485, %lt3A_494 : i32
          %ne3A_496 = vector.broadcast %lt3A_495 : i1 to vector<16xi1>
          %ne3A_497 = vector.broadcast %ne3A_496 : vector<16xi1> to vector<16xi1>
          %ne3A_498 = arith.xori %lt3A_493, %ne3A_497 : vector<16xi1>
          %and3A_499 = arith.andi %ne3A_498, %ne3A_490 : vector<16xi1>
          %add3A_500 = vector.broadcast %select_n3A_485 : i32 to vector<16xi32>
          %add3A_501 = arith.addi %rem3A_487, %add3A_500 : vector<16xi32>
          %select_n3A_502 = arith.select %and3A_499, %add3A_501, %rem3A_487 : vector<16xi1>, vector<16xi32>
          %gather3A_503 = tpu.vector_load_idx %arg8[%add3A_139, %select_n3A_502] : memref<400x16xi32, #tpu.memory_space<vmem>>[vector<16xi32>, vector<16xi32>], vector<16xi32>,
          %gather3A_504 = tpu.vector_load_idx %arg10[%add3A_139, %select_n3A_502] : memref<400x16xi32, #tpu.memory_space<vmem>>[vector<16xi32>, vector<16xi32>], vector<16xi32>,
          %bitcast3A_505 = vector.bitcast %gather3A_503 : vector<16xi32> to vector<32xbf16>
          %bitcast3A_506 = vector.bitcast %gather3A_504 : vector<16xi32> to vector<32xbf16>
          %mul3A_507 = arith.mulf %bitcast3A_505, %bitcast3A_506 : vector<32xbf16>
          %unpack3A_508 = tpu.unpack_subelements %mul3A_507, 0 {pack_format = #tpu.pack_format<interleaved>} : vector<32xbf16> -> vector<16xf32>
          %unpack3A_509 = tpu.unpack_subelements %mul3A_507, 1 {pack_format = #tpu.pack_format<interleaved>} : vector<32xbf16> -> vector<16xf32>
          %add3A_510 = arith.addf %add3A_375, %unpack3A_508 : vector<16xf32>
          %add3A_511 = arith.addf %add3A_510, %unpack3A_509 : vector<16xf32>
          %add3A_512 = arith.constant 11 : i32
          %add3A_513 = vector.broadcast %add3A_512 : i32 to vector<16xi32>
          %add3A_514 = arith.addi %iota3A_125, %add3A_513 : vector<16xi32>
          %jit3A_515 = arith.constant 16 : i32
          %eq3A_516 = arith.constant 0 : i32
          %eq3A_517 = arith.cmpi eq, %jit3A_515, %eq3A_516 : i32
          %jit3A_518 = arith.constant 1 : i32
          %select_n3A_519 = arith.select %eq3A_517, %jit3A_518, %jit3A_515 : i32
          %rem3A_520 = vector.broadcast %select_n3A_519 : i32 to vector<16xi32>
          %rem3A_521 = arith.remsi %add3A_514, %rem3A_520 : vector<16xi32>
          %ne3A_522 = arith.constant 0 : i32
          %ne3A_523 = vector.broadcast %ne3A_522 : i32 to vector<16xi32>
          %ne3A_524 = arith.cmpi ne, %rem3A_521, %ne3A_523 : vector<16xi32>
          %lt3A_525 = arith.constant 0 : i32
          %lt3A_526 = vector.broadcast %lt3A_525 : i32 to vector<16xi32>
          %lt3A_527 = arith.cmpi slt, %rem3A_521, %lt3A_526 : vector<16xi32>
          %lt3A_528 = arith.constant 0 : i32
          %lt3A_529 = arith.cmpi slt, %select_n3A_519, %lt3A_528 : i32
          %ne3A_530 = vector.broadcast %lt3A_529 : i1 to vector<16xi1>
          %ne3A_531 = vector.broadcast %ne3A_530 : vector<16xi1> to vector<16xi1>
          %ne3A_532 = arith.xori %lt3A_527, %ne3A_531 : vector<16xi1>
          %and3A_533 = arith.andi %ne3A_532, %ne3A_524 : vector<16xi1>
          %add3A_534 = vector.broadcast %select_n3A_519 : i32 to vector<16xi32>
          %add3A_535 = arith.addi %rem3A_521, %add3A_534 : vector<16xi32>
          %select_n3A_536 = arith.select %and3A_533, %add3A_535, %rem3A_521 : vector<16xi1>, vector<16xi32>
          %gather3A_537 = tpu.vector_load_idx %arg8[%add3A_139, %select_n3A_536] : memref<400x16xi32, #tpu.memory_space<vmem>>[vector<16xi32>, vector<16xi32>], vector<16xi32>,
          %gather3A_538 = tpu.vector_load_idx %arg10[%add3A_139, %select_n3A_536] : memref<400x16xi32, #tpu.memory_space<vmem>>[vector<16xi32>, vector<16xi32>], vector<16xi32>,
          %bitcast3A_539 = vector.bitcast %gather3A_537 : vector<16xi32> to vector<32xbf16>
          %bitcast3A_540 = vector.bitcast %gather3A_538 : vector<16xi32> to vector<32xbf16>
          %mul3A_541 = arith.mulf %bitcast3A_539, %bitcast3A_540 : vector<32xbf16>
          %unpack3A_542 = tpu.unpack_subelements %mul3A_541, 0 {pack_format = #tpu.pack_format<interleaved>} : vector<32xbf16> -> vector<16xf32>
          %unpack3A_543 = tpu.unpack_subelements %mul3A_541, 1 {pack_format = #tpu.pack_format<interleaved>} : vector<32xbf16> -> vector<16xf32>
          %add3A_544 = arith.addf %add3A_409, %unpack3A_542 : vector<16xf32>
          %add3A_545 = arith.addf %add3A_544, %unpack3A_543 : vector<16xf32>
          %add3A_546 = arith.constant 12 : i32
          %add3A_547 = vector.broadcast %add3A_546 : i32 to vector<16xi32>
          %add3A_548 = arith.addi %iota3A_125, %add3A_547 : vector<16xi32>
          %jit3A_549 = arith.constant 16 : i32
          %eq3A_550 = arith.constant 0 : i32
          %eq3A_551 = arith.cmpi eq, %jit3A_549, %eq3A_550 : i32
          %jit3A_552 = arith.constant 1 : i32
          %select_n3A_553 = arith.select %eq3A_551, %jit3A_552, %jit3A_549 : i32
          %rem3A_554 = vector.broadcast %select_n3A_553 : i32 to vector<16xi32>
          %rem3A_555 = arith.remsi %add3A_548, %rem3A_554 : vector<16xi32>
          %ne3A_556 = arith.constant 0 : i32
          %ne3A_557 = vector.broadcast %ne3A_556 : i32 to vector<16xi32>
          %ne3A_558 = arith.cmpi ne, %rem3A_555, %ne3A_557 : vector<16xi32>
          %lt3A_559 = arith.constant 0 : i32
          %lt3A_560 = vector.broadcast %lt3A_559 : i32 to vector<16xi32>
          %lt3A_561 = arith.cmpi slt, %rem3A_555, %lt3A_560 : vector<16xi32>
          %lt3A_562 = arith.constant 0 : i32
          %lt3A_563 = arith.cmpi slt, %select_n3A_553, %lt3A_562 : i32
          %ne3A_564 = vector.broadcast %lt3A_563 : i1 to vector<16xi1>
          %ne3A_565 = vector.broadcast %ne3A_564 : vector<16xi1> to vector<16xi1>
          %ne3A_566 = arith.xori %lt3A_561, %ne3A_565 : vector<16xi1>
          %and3A_567 = arith.andi %ne3A_566, %ne3A_558 : vector<16xi1>
          %add3A_568 = vector.broadcast %select_n3A_553 : i32 to vector<16xi32>
          %add3A_569 = arith.addi %rem3A_555, %add3A_568 : vector<16xi32>
          %select_n3A_570 = arith.select %and3A_567, %add3A_569, %rem3A_555 : vector<16xi1>, vector<16xi32>
          %gather3A_571 = tpu.vector_load_idx %arg8[%add3A_139, %select_n3A_570] : memref<400x16xi32, #tpu.memory_space<vmem>>[vector<16xi32>, vector<16xi32>], vector<16xi32>,
          %gather3A_572 = tpu.vector_load_idx %arg10[%add3A_139, %select_n3A_570] : memref<400x16xi32, #tpu.memory_space<vmem>>[vector<16xi32>, vector<16xi32>], vector<16xi32>,
          %bitcast3A_573 = vector.bitcast %gather3A_571 : vector<16xi32> to vector<32xbf16>
          %bitcast3A_574 = vector.bitcast %gather3A_572 : vector<16xi32> to vector<32xbf16>
          %mul3A_575 = arith.mulf %bitcast3A_573, %bitcast3A_574 : vector<32xbf16>
          %unpack3A_576 = tpu.unpack_subelements %mul3A_575, 0 {pack_format = #tpu.pack_format<interleaved>} : vector<32xbf16> -> vector<16xf32>
          %unpack3A_577 = tpu.unpack_subelements %mul3A_575, 1 {pack_format = #tpu.pack_format<interleaved>} : vector<32xbf16> -> vector<16xf32>
          %add3A_578 = arith.addf %add3A_443, %unpack3A_576 : vector<16xf32>
          %add3A_579 = arith.addf %add3A_578, %unpack3A_577 : vector<16xf32>
          %add3A_580 = arith.constant 13 : i32
          %add3A_581 = vector.broadcast %add3A_580 : i32 to vector<16xi32>
          %add3A_582 = arith.addi %iota3A_125, %add3A_581 : vector<16xi32>
          %jit3A_583 = arith.constant 16 : i32
          %eq3A_584 = arith.constant 0 : i32
          %eq3A_585 = arith.cmpi eq, %jit3A_583, %eq3A_584 : i32
          %jit3A_586 = arith.constant 1 : i32
          %select_n3A_587 = arith.select %eq3A_585, %jit3A_586, %jit3A_583 : i32
          %rem3A_588 = vector.broadcast %select_n3A_587 : i32 to vector<16xi32>
          %rem3A_589 = arith.remsi %add3A_582, %rem3A_588 : vector<16xi32>
          %ne3A_590 = arith.constant 0 : i32
          %ne3A_591 = vector.broadcast %ne3A_590 : i32 to vector<16xi32>
          %ne3A_592 = arith.cmpi ne, %rem3A_589, %ne3A_591 : vector<16xi32>
          %lt3A_593 = arith.constant 0 : i32
          %lt3A_594 = vector.broadcast %lt3A_593 : i32 to vector<16xi32>
          %lt3A_595 = arith.cmpi slt, %rem3A_589, %lt3A_594 : vector<16xi32>
          %lt3A_596 = arith.constant 0 : i32
          %lt3A_597 = arith.cmpi slt, %select_n3A_587, %lt3A_596 : i32
          %ne3A_598 = vector.broadcast %lt3A_597 : i1 to vector<16xi1>
          %ne3A_599 = vector.broadcast %ne3A_598 : vector<16xi1> to vector<16xi1>
          %ne3A_600 = arith.xori %lt3A_595, %ne3A_599 : vector<16xi1>
          %and3A_601 = arith.andi %ne3A_600, %ne3A_592 : vector<16xi1>
          %add3A_602 = vector.broadcast %select_n3A_587 : i32 to vector<16xi32>
          %add3A_603 = arith.addi %rem3A_589, %add3A_602 : vector<16xi32>
          %select_n3A_604 = arith.select %and3A_601, %add3A_603, %rem3A_589 : vector<16xi1>, vector<16xi32>
          %gather3A_605 = tpu.vector_load_idx %arg8[%add3A_139, %select_n3A_604] : memref<400x16xi32, #tpu.memory_space<vmem>>[vector<16xi32>, vector<16xi32>], vector<16xi32>,
          %gather3A_606 = tpu.vector_load_idx %arg10[%add3A_139, %select_n3A_604] : memref<400x16xi32, #tpu.memory_space<vmem>>[vector<16xi32>, vector<16xi32>], vector<16xi32>,
          %bitcast3A_607 = vector.bitcast %gather3A_605 : vector<16xi32> to vector<32xbf16>
          %bitcast3A_608 = vector.bitcast %gather3A_606 : vector<16xi32> to vector<32xbf16>
          %mul3A_609 = arith.mulf %bitcast3A_607, %bitcast3A_608 : vector<32xbf16>
          %unpack3A_610 = tpu.unpack_subelements %mul3A_609, 0 {pack_format = #tpu.pack_format<interleaved>} : vector<32xbf16> -> vector<16xf32>
          %unpack3A_611 = tpu.unpack_subelements %mul3A_609, 1 {pack_format = #tpu.pack_format<interleaved>} : vector<32xbf16> -> vector<16xf32>
          %add3A_612 = arith.addf %add3A_477, %unpack3A_610 : vector<16xf32>
          %add3A_613 = arith.addf %add3A_612, %unpack3A_611 : vector<16xf32>
          %add3A_614 = arith.constant 14 : i32
          %add3A_615 = vector.broadcast %add3A_614 : i32 to vector<16xi32>
          %add3A_616 = arith.addi %iota3A_125, %add3A_615 : vector<16xi32>
          %jit3A_617 = arith.constant 16 : i32
          %eq3A_618 = arith.constant 0 : i32
          %eq3A_619 = arith.cmpi eq, %jit3A_617, %eq3A_618 : i32
          %jit3A_620 = arith.constant 1 : i32
          %select_n3A_621 = arith.select %eq3A_619, %jit3A_620, %jit3A_617 : i32
          %rem3A_622 = vector.broadcast %select_n3A_621 : i32 to vector<16xi32>
          %rem3A_623 = arith.remsi %add3A_616, %rem3A_622 : vector<16xi32>
          %ne3A_624 = arith.constant 0 : i32
          %ne3A_625 = vector.broadcast %ne3A_624 : i32 to vector<16xi32>
          %ne3A_626 = arith.cmpi ne, %rem3A_623, %ne3A_625 : vector<16xi32>
          %lt3A_627 = arith.constant 0 : i32
          %lt3A_628 = vector.broadcast %lt3A_627 : i32 to vector<16xi32>
          %lt3A_629 = arith.cmpi slt, %rem3A_623, %lt3A_628 : vector<16xi32>
          %lt3A_630 = arith.constant 0 : i32
          %lt3A_631 = arith.cmpi slt, %select_n3A_621, %lt3A_630 : i32
          %ne3A_632 = vector.broadcast %lt3A_631 : i1 to vector<16xi1>
          %ne3A_633 = vector.broadcast %ne3A_632 : vector<16xi1> to vector<16xi1>
          %ne3A_634 = arith.xori %lt3A_629, %ne3A_633 : vector<16xi1>
          %and3A_635 = arith.andi %ne3A_634, %ne3A_626 : vector<16xi1>
          %add3A_636 = vector.broadcast %select_n3A_621 : i32 to vector<16xi32>
          %add3A_637 = arith.addi %rem3A_623, %add3A_636 : vector<16xi32>
          %select_n3A_638 = arith.select %and3A_635, %add3A_637, %rem3A_623 : vector<16xi1>, vector<16xi32>
          %gather3A_639 = tpu.vector_load_idx %arg8[%add3A_139, %select_n3A_638] : memref<400x16xi32, #tpu.memory_space<vmem>>[vector<16xi32>, vector<16xi32>], vector<16xi32>,
          %gather3A_640 = tpu.vector_load_idx %arg10[%add3A_139, %select_n3A_638] : memref<400x16xi32, #tpu.memory_space<vmem>>[vector<16xi32>, vector<16xi32>], vector<16xi32>,
          %bitcast3A_641 = vector.bitcast %gather3A_639 : vector<16xi32> to vector<32xbf16>
          %bitcast3A_642 = vector.bitcast %gather3A_640 : vector<16xi32> to vector<32xbf16>
          %mul3A_643 = arith.mulf %bitcast3A_641, %bitcast3A_642 : vector<32xbf16>
          %unpack3A_644 = tpu.unpack_subelements %mul3A_643, 0 {pack_format = #tpu.pack_format<interleaved>} : vector<32xbf16> -> vector<16xf32>
          %unpack3A_645 = tpu.unpack_subelements %mul3A_643, 1 {pack_format = #tpu.pack_format<interleaved>} : vector<32xbf16> -> vector<16xf32>
          %add3A_646 = arith.addf %add3A_511, %unpack3A_644 : vector<16xf32>
          %add3A_647 = arith.addf %add3A_646, %unpack3A_645 : vector<16xf32>
          %add3A_648 = arith.constant 15 : i32
          %add3A_649 = vector.broadcast %add3A_648 : i32 to vector<16xi32>
          %add3A_650 = arith.addi %iota3A_125, %add3A_649 : vector<16xi32>
          %jit3A_651 = arith.constant 16 : i32
          %eq3A_652 = arith.constant 0 : i32
          %eq3A_653 = arith.cmpi eq, %jit3A_651, %eq3A_652 : i32
          %jit3A_654 = arith.constant 1 : i32
          %select_n3A_655 = arith.select %eq3A_653, %jit3A_654, %jit3A_651 : i32
          %rem3A_656 = vector.broadcast %select_n3A_655 : i32 to vector<16xi32>
          %rem3A_657 = arith.remsi %add3A_650, %rem3A_656 : vector<16xi32>
          %ne3A_658 = arith.constant 0 : i32
          %ne3A_659 = vector.broadcast %ne3A_658 : i32 to vector<16xi32>
          %ne3A_660 = arith.cmpi ne, %rem3A_657, %ne3A_659 : vector<16xi32>
          %lt3A_661 = arith.constant 0 : i32
          %lt3A_662 = vector.broadcast %lt3A_661 : i32 to vector<16xi32>
          %lt3A_663 = arith.cmpi slt, %rem3A_657, %lt3A_662 : vector<16xi32>
          %lt3A_664 = arith.constant 0 : i32
          %lt3A_665 = arith.cmpi slt, %select_n3A_655, %lt3A_664 : i32
          %ne3A_666 = vector.broadcast %lt3A_665 : i1 to vector<16xi1>
          %ne3A_667 = vector.broadcast %ne3A_666 : vector<16xi1> to vector<16xi1>
          %ne3A_668 = arith.xori %lt3A_663, %ne3A_667 : vector<16xi1>
          %and3A_669 = arith.andi %ne3A_668, %ne3A_660 : vector<16xi1>
          %add3A_670 = vector.broadcast %select_n3A_655 : i32 to vector<16xi32>
          %add3A_671 = arith.addi %rem3A_657, %add3A_670 : vector<16xi32>
          %select_n3A_672 = arith.select %and3A_669, %add3A_671, %rem3A_657 : vector<16xi1>, vector<16xi32>
          %gather3A_673 = tpu.vector_load_idx %arg8[%add3A_139, %select_n3A_672] : memref<400x16xi32, #tpu.memory_space<vmem>>[vector<16xi32>, vector<16xi32>], vector<16xi32>,
          %gather3A_674 = tpu.vector_load_idx %arg10[%add3A_139, %select_n3A_672] : memref<400x16xi32, #tpu.memory_space<vmem>>[vector<16xi32>, vector<16xi32>], vector<16xi32>,
          %bitcast3A_675 = vector.bitcast %gather3A_673 : vector<16xi32> to vector<32xbf16>
          %bitcast3A_676 = vector.bitcast %gather3A_674 : vector<16xi32> to vector<32xbf16>
          %mul3A_677 = arith.mulf %bitcast3A_675, %bitcast3A_676 : vector<32xbf16>
          %unpack3A_678 = tpu.unpack_subelements %mul3A_677, 0 {pack_format = #tpu.pack_format<interleaved>} : vector<32xbf16> -> vector<16xf32>
          %unpack3A_679 = tpu.unpack_subelements %mul3A_677, 1 {pack_format = #tpu.pack_format<interleaved>} : vector<32xbf16> -> vector<16xf32>
          %add3A_680 = arith.addf %add3A_545, %unpack3A_678 : vector<16xf32>
          %add3A_681 = arith.addf %add3A_680, %unpack3A_679 : vector<16xf32>
          %add3A_682 = arith.addf %add3A_579, %add3A_613 : vector<16xf32>
          %add3A_683 = arith.addf %add3A_647, %add3A_681 : vector<16xf32>
          %add3A_684 = arith.addf %add3A_682, %add3A_683 : vector<16xf32>
          %mul3A_685 = arith.constant 16 : i32
          %mul3A_686 = arith.muli %scan3A_135, %mul3A_685 : i32
          %swap3A = arith.index_cast %mul3A_686 : i32 to index
          %swap3A_687 = tpu.vector_load %arg11[%swap3A] {strides = array<i32>} : memref<400xf32, #tpu.memory_space<vmem>>, vector<16xf32>,
          tpu.vector_store %arg11[%swap3A], %add3A_684 {strides = array<i32>} : memref<400xf32, #tpu.memory_space<vmem>>, vector<16xf32>,
        }
        %scan3A_131 = arith.constant 25 : i32
        %mul3A_132 = arith.constant 400 : i32
        %mul3A_133 = arith.muli %add3A_112, %mul3A_132 : i32
        %add3A_134 = arith.addi %add3A_18, %mul3A_133 : i32
        "tpu.region"() ({
          %run_scoped3A_135 = tpu.sem_alloc : memref<!tpu.dma_semaphore, #tpu.memory_space<semaphore_mem>>
          %dma_start3A_136 = tpu.memref_slice %arg4[%add3A_134] : memref<1600000xf32, #tpu.memory_space<hbm>> -> memref<400xf32, #tpu.memory_space<hbm>>
          %dma_start3A_137 = tpu.memref_slice %arg4[%add3A_134] : memref<1600000xf32, #tpu.memory_space<hbm>> -> memref<400xf32, #tpu.memory_space<hbm>>
          tpu.enqueue_dma source(%arg11 : memref<400xf32, #tpu.memory_space<vmem>>) target(%dma_start3A_137 : memref<400xf32, #tpu.memory_space<hbm>>) target_semaphore(%run_scoped3A_135 : memref<!tpu.dma_semaphore, #tpu.memory_space<semaphore_mem>>)
          %dma_wait3A_138 = tpu.memref_slice %arg4[%add3A_134] : memref<1600000xf32, #tpu.memory_space<hbm>> -> memref<400xf32, #tpu.memory_space<hbm>>
          %dma_wait3A_139 = tpu.memref_slice %arg4[%add3A_134] : memref<1600000xf32, #tpu.memory_space<hbm>> -> memref<400xf32, #tpu.memory_space<hbm>>
          tpu.wait_dma2 semaphore(%run_scoped3A_135 : memref<!tpu.dma_semaphore, #tpu.memory_space<semaphore_mem>>) src(%arg11 : memref<400xf32, #tpu.memory_space<vmem>>) dst(%dma_wait3A_139 : memref<400xf32, #tpu.memory_space<hbm>>)
          tpu.yield
        }) : () -> ()
      }
      %scan3A_34 = arith.constant 2 : i32
      %dma_wait3A = arith.constant 1600 : i32
      %dma_wait3A_35 = tpu.memref_slice %arg5[%dma_wait3A] : memref<2000xi32, #tpu.memory_space<vmem>> -> memref<400xi32, #tpu.memory_space<vmem>>
      %dma_wait3A_36 = arith.constant 0 : i32
      %dma_wait3A_37 = arith.constant 0 : i32
      %dma_wait3A_38 = tpu.memref_slice %arg14[%dma_wait3A_36, %dma_wait3A_37] : memref<50000x16xi32, #tpu.memory_space<vmem_shared>> -> memref<50000x16xi32, #tpu.memory_space<vmem_shared>>
      tpu.wait_indirect_dma semaphore(%arg12 : memref<!tpu.dma_semaphore, #tpu.memory_space<semaphore_mem>>) src(%dma_wait3A_38 : memref<50000x16xi32, #tpu.memory_space<vmem_shared>>) dst(%arg7 : memref<400x16xi32, #tpu.memory_space<vmem>>)
      %dma_wait3A_39 = arith.constant 1600 : i32
      %dma_wait3A_40 = tpu.memref_slice %arg6[%dma_wait3A_39] : memref<2000xi32, #tpu.memory_space<vmem>> -> memref<400xi32, #tpu.memory_space<vmem>>
      %dma_wait3A_41 = arith.constant 0 : i32
      %dma_wait3A_42 = arith.constant 0 : i32
      %dma_wait3A_43 = tpu.memref_slice %arg15[%dma_wait3A_41, %dma_wait3A_42] : memref<50000x16xi32, #tpu.memory_space<vmem_shared>> -> memref<50000x16xi32, #tpu.memory_space<vmem_shared>>
      tpu.wait_indirect_dma semaphore(%arg12 : memref<!tpu.dma_semaphore, #tpu.memory_space<semaphore_mem>>) src(%dma_wait3A_43 : memref<50000x16xi32, #tpu.memory_space<vmem_shared>>) dst(%arg9 : memref<400x16xi32, #tpu.memory_space<vmem>>)
      %iota3A = tpu.iota {dimensions = array<i32: 0>} : vector<16xi32>
      %scan3A_44 = arith.constant 0 : i32
      %scan3A_45 = arith.constant 0 : i32
      %scan3A_46 = arith.constant 25 : i32
      %scan3A_47 = arith.addi %scan3A_45, %scan3A_46 : i32
      %scan3A_48 = arith.constant 1 : i32
      scf.for %scan3A_52 = %scan3A_45 to %scan3A_47 step %scan3A_48  : i32 {
        %mul3A_53 = arith.constant 16 : i32
        %mul3A_54 = arith.muli %scan3A_52, %mul3A_53 : i32
        %add3A_55 = vector.broadcast %mul3A_54 : i32 to vector<16xi32>
        %add3A_56 = arith.addi %add3A_55, %iota3A : vector<16xi32>
        %broadcast_in_dim3A = arith.constant 0.000000e+00 : f32
        %broadcast_in_dim3A_57 = vector.broadcast %broadcast_in_dim3A : f32 to vector<16xf32>
        %broadcast_in_dim3A_58 = arith.constant 0.000000e+00 : f32
        %broadcast_in_dim3A_59 = vector.broadcast %broadcast_in_dim3A_58 : f32 to vector<16xf32>
        %broadcast_in_dim3A_60 = arith.constant 0.000000e+00 : f32
        %broadcast_in_dim3A_61 = vector.broadcast %broadcast_in_dim3A_60 : f32 to vector<16xf32>
        %broadcast_in_dim3A_62 = arith.constant 0.000000e+00 : f32
        %broadcast_in_dim3A_63 = vector.broadcast %broadcast_in_dim3A_62 : f32 to vector<16xf32>
        %add3A_64 = arith.constant 0 : i32
        %add3A_65 = vector.broadcast %add3A_64 : i32 to vector<16xi32>
        %add3A_66 = arith.addi %iota3A, %add3A_65 : vector<16xi32>
        %jit3A = arith.constant 16 : i32
        %eq3A_67 = arith.constant 0 : i32
        %eq3A_68 = arith.cmpi eq, %jit3A, %eq3A_67 : i32
        %jit3A_69 = arith.constant 1 : i32
        %select_n3A = arith.select %eq3A_68, %jit3A_69, %jit3A : i32
        %rem3A = vector.broadcast %select_n3A : i32 to vector<16xi32>
        %rem3A_70 = arith.remsi %add3A_66, %rem3A : vector<16xi32>
        %ne3A = arith.constant 0 : i32
        %ne3A_71 = vector.broadcast %ne3A : i32 to vector<16xi32>
        %ne3A_72 = arith.cmpi ne, %rem3A_70, %ne3A_71 : vector<16xi32>
        %lt3A = arith.constant 0 : i32
        %lt3A_73 = vector.broadcast %lt3A : i32 to vector<16xi32>
        %lt3A_74 = arith.cmpi slt, %rem3A_70, %lt3A_73 : vector<16xi32>
        %lt3A_75 = arith.constant 0 : i32
        %lt3A_76 = arith.cmpi slt, %select_n3A, %lt3A_75 : i32
        %ne3A_77 = vector.broadcast %lt3A_76 : i1 to vector<16xi1>
        %ne3A_78 = vector.broadcast %ne3A_77 : vector<16xi1> to vector<16xi1>
        %ne3A_79 = arith.xori %lt3A_74, %ne3A_78 : vector<16xi1>
        %and3A = arith.andi %ne3A_79, %ne3A_72 : vector<16xi1>
        %add3A_80 = vector.broadcast %select_n3A : i32 to vector<16xi32>
        %add3A_81 = arith.addi %rem3A_70, %add3A_80 : vector<16xi32>
        %select_n3A_82 = arith.select %and3A, %add3A_81, %rem3A_70 : vector<16xi1>, vector<16xi32>
        %gather3A = tpu.vector_load_idx %arg7[%add3A_56, %select_n3A_82] : memref<400x16xi32, #tpu.memory_space<vmem>>[vector<16xi32>, vector<16xi32>], vector<16xi32>,
        %gather3A_83 = tpu.vector_load_idx %arg9[%add3A_56, %select_n3A_82] : memref<400x16xi32, #tpu.memory_space<vmem>>[vector<16xi32>, vector<16xi32>], vector<16xi32>,
        %bitcast3A = vector.bitcast %gather3A : vector<16xi32> to vector<32xbf16>
        %bitcast3A_84 = vector.bitcast %gather3A_83 : vector<16xi32> to vector<32xbf16>
        %mul3A_85 = arith.mulf %bitcast3A, %bitcast3A_84 : vector<32xbf16>
        %unpack3A = tpu.unpack_subelements %mul3A_85, 0 {pack_format = #tpu.pack_format<interleaved>} : vector<32xbf16> -> vector<16xf32>
        %unpack3A_86 = tpu.unpack_subelements %mul3A_85, 1 {pack_format = #tpu.pack_format<interleaved>} : vector<32xbf16> -> vector<16xf32>
        %add3A_87 = arith.addf %broadcast_in_dim3A_57, %unpack3A : vector<16xf32>
        %add3A_88 = arith.addf %add3A_87, %unpack3A_86 : vector<16xf32>
        %add3A_89 = arith.constant 1 : i32
        %add3A_90 = vector.broadcast %add3A_89 : i32 to vector<16xi32>
        %add3A_91 = arith.addi %iota3A, %add3A_90 : vector<16xi32>
        %jit3A_92 = arith.constant 16 : i32
        %eq3A_93 = arith.constant 0 : i32
        %eq3A_94 = arith.cmpi eq, %jit3A_92, %eq3A_93 : i32
        %jit3A_95 = arith.constant 1 : i32
        %select_n3A_96 = arith.select %eq3A_94, %jit3A_95, %jit3A_92 : i32
        %rem3A_97 = vector.broadcast %select_n3A_96 : i32 to vector<16xi32>
        %rem3A_98 = arith.remsi %add3A_91, %rem3A_97 : vector<16xi32>
        %ne3A_99 = arith.constant 0 : i32
        %ne3A_100 = vector.broadcast %ne3A_99 : i32 to vector<16xi32>
        %ne3A_101 = arith.cmpi ne, %rem3A_98, %ne3A_100 : vector<16xi32>
        %lt3A_102 = arith.constant 0 : i32
        %lt3A_103 = vector.broadcast %lt3A_102 : i32 to vector<16xi32>
        %lt3A_104 = arith.cmpi slt, %rem3A_98, %lt3A_103 : vector<16xi32>
        %lt3A_105 = arith.constant 0 : i32
        %lt3A_106 = arith.cmpi slt, %select_n3A_96, %lt3A_105 : i32
        %ne3A_107 = vector.broadcast %lt3A_106 : i1 to vector<16xi1>
        %ne3A_108 = vector.broadcast %ne3A_107 : vector<16xi1> to vector<16xi1>
        %ne3A_109 = arith.xori %lt3A_104, %ne3A_108 : vector<16xi1>
        %and3A_110 = arith.andi %ne3A_109, %ne3A_101 : vector<16xi1>
        %add3A_111 = vector.broadcast %select_n3A_96 : i32 to vector<16xi32>
        %add3A_112 = arith.addi %rem3A_98, %add3A_111 : vector<16xi32>
        %select_n3A_113 = arith.select %and3A_110, %add3A_112, %rem3A_98 : vector<16xi1>, vector<16xi32>
        %gather3A_114 = tpu.vector_load_idx %arg7[%add3A_56, %select_n3A_113] : memref<400x16xi32, #tpu.memory_space<vmem>>[vector<16xi32>, vector<16xi32>], vector<16xi32>,
        %gather3A_115 = tpu.vector_load_idx %arg9[%add3A_56, %select_n3A_113] : memref<400x16xi32, #tpu.memory_space<vmem>>[vector<16xi32>, vector<16xi32>], vector<16xi32>,
        %bitcast3A_116 = vector.bitcast %gather3A_114 : vector<16xi32> to vector<32xbf16>
        %bitcast3A_117 = vector.bitcast %gather3A_115 : vector<16xi32> to vector<32xbf16>
        %mul3A_118 = arith.mulf %bitcast3A_116, %bitcast3A_117 : vector<32xbf16>
        %unpack3A_119 = tpu.unpack_subelements %mul3A_118, 0 {pack_format = #tpu.pack_format<interleaved>} : vector<32xbf16> -> vector<16xf32>
        %unpack3A_120 = tpu.unpack_subelements %mul3A_118, 1 {pack_format = #tpu.pack_format<interleaved>} : vector<32xbf16> -> vector<16xf32>
        %add3A_121 = arith.addf %broadcast_in_dim3A_59, %unpack3A_119 : vector<16xf32>
        %add3A_122 = arith.addf %add3A_121, %unpack3A_120 : vector<16xf32>
        %add3A_123 = arith.constant 2 : i32
        %add3A_124 = vector.broadcast %add3A_123 : i32 to vector<16xi32>
        %add3A_125 = arith.addi %iota3A, %add3A_124 : vector<16xi32>
        %jit3A_126 = arith.constant 16 : i32
        %eq3A_127 = arith.constant 0 : i32
        %eq3A_128 = arith.cmpi eq, %jit3A_126, %eq3A_127 : i32
        %jit3A_129 = arith.constant 1 : i32
        %select_n3A_130 = arith.select %eq3A_128, %jit3A_129, %jit3A_126 : i32
        %rem3A_131 = vector.broadcast %select_n3A_130 : i32 to vector<16xi32>
        %rem3A_132 = arith.remsi %add3A_125, %rem3A_131 : vector<16xi32>
        %ne3A_133 = arith.constant 0 : i32
        %ne3A_134 = vector.broadcast %ne3A_133 : i32 to vector<16xi32>
        %ne3A_135 = arith.cmpi ne, %rem3A_132, %ne3A_134 : vector<16xi32>
        %lt3A_136 = arith.constant 0 : i32
        %lt3A_137 = vector.broadcast %lt3A_136 : i32 to vector<16xi32>
        %lt3A_138 = arith.cmpi slt, %rem3A_132, %lt3A_137 : vector<16xi32>
        %lt3A_139 = arith.constant 0 : i32
        %lt3A_140 = arith.cmpi slt, %select_n3A_130, %lt3A_139 : i32
        %ne3A_141 = vector.broadcast %lt3A_140 : i1 to vector<16xi1>
        %ne3A_142 = vector.broadcast %ne3A_141 : vector<16xi1> to vector<16xi1>
        %ne3A_143 = arith.xori %lt3A_138, %ne3A_142 : vector<16xi1>
        %and3A_144 = arith.andi %ne3A_143, %ne3A_135 : vector<16xi1>
        %add3A_145 = vector.broadcast %select_n3A_130 : i32 to vector<16xi32>
        %add3A_146 = arith.addi %rem3A_132, %add3A_145 : vector<16xi32>
        %select_n3A_147 = arith.select %and3A_144, %add3A_146, %rem3A_132 : vector<16xi1>, vector<16xi32>
        %gather3A_148 = tpu.vector_load_idx %arg7[%add3A_56, %select_n3A_147] : memref<400x16xi32, #tpu.memory_space<vmem>>[vector<16xi32>, vector<16xi32>], vector<16xi32>,
        %gather3A_149 = tpu.vector_load_idx %arg9[%add3A_56, %select_n3A_147] : memref<400x16xi32, #tpu.memory_space<vmem>>[vector<16xi32>, vector<16xi32>], vector<16xi32>,
        %bitcast3A_150 = vector.bitcast %gather3A_148 : vector<16xi32> to vector<32xbf16>
        %bitcast3A_151 = vector.bitcast %gather3A_149 : vector<16xi32> to vector<32xbf16>
        %mul3A_152 = arith.mulf %bitcast3A_150, %bitcast3A_151 : vector<32xbf16>
        %unpack3A_153 = tpu.unpack_subelements %mul3A_152, 0 {pack_format = #tpu.pack_format<interleaved>} : vector<32xbf16> -> vector<16xf32>
        %unpack3A_154 = tpu.unpack_subelements %mul3A_152, 1 {pack_format = #tpu.pack_format<interleaved>} : vector<32xbf16> -> vector<16xf32>
        %add3A_155 = arith.addf %broadcast_in_dim3A_61, %unpack3A_153 : vector<16xf32>
        %add3A_156 = arith.addf %add3A_155, %unpack3A_154 : vector<16xf32>
        %add3A_157 = arith.constant 3 : i32
        %add3A_158 = vector.broadcast %add3A_157 : i32 to vector<16xi32>
        %add3A_159 = arith.addi %iota3A, %add3A_158 : vector<16xi32>
        %jit3A_160 = arith.constant 16 : i32
        %eq3A_161 = arith.constant 0 : i32
        %eq3A_162 = arith.cmpi eq, %jit3A_160, %eq3A_161 : i32
        %jit3A_163 = arith.constant 1 : i32
        %select_n3A_164 = arith.select %eq3A_162, %jit3A_163, %jit3A_160 : i32
        %rem3A_165 = vector.broadcast %select_n3A_164 : i32 to vector<16xi32>
        %rem3A_166 = arith.remsi %add3A_159, %rem3A_165 : vector<16xi32>
        %ne3A_167 = arith.constant 0 : i32
        %ne3A_168 = vector.broadcast %ne3A_167 : i32 to vector<16xi32>
        %ne3A_169 = arith.cmpi ne, %rem3A_166, %ne3A_168 : vector<16xi32>
        %lt3A_170 = arith.constant 0 : i32
        %lt3A_171 = vector.broadcast %lt3A_170 : i32 to vector<16xi32>
        %lt3A_172 = arith.cmpi slt, %rem3A_166, %lt3A_171 : vector<16xi32>
        %lt3A_173 = arith.constant 0 : i32
        %lt3A_174 = arith.cmpi slt, %select_n3A_164, %lt3A_173 : i32
        %ne3A_175 = vector.broadcast %lt3A_174 : i1 to vector<16xi1>
        %ne3A_176 = vector.broadcast %ne3A_175 : vector<16xi1> to vector<16xi1>
        %ne3A_177 = arith.xori %lt3A_172, %ne3A_176 : vector<16xi1>
        %and3A_178 = arith.andi %ne3A_177, %ne3A_169 : vector<16xi1>
        %add3A_179 = vector.broadcast %select_n3A_164 : i32 to vector<16xi32>
        %add3A_180 = arith.addi %rem3A_166, %add3A_179 : vector<16xi32>
        %select_n3A_181 = arith.select %and3A_178, %add3A_180, %rem3A_166 : vector<16xi1>, vector<16xi32>
        %gather3A_182 = tpu.vector_load_idx %arg7[%add3A_56, %select_n3A_181] : memref<400x16xi32, #tpu.memory_space<vmem>>[vector<16xi32>, vector<16xi32>], vector<16xi32>,
        %gather3A_183 = tpu.vector_load_idx %arg9[%add3A_56, %select_n3A_181] : memref<400x16xi32, #tpu.memory_space<vmem>>[vector<16xi32>, vector<16xi32>], vector<16xi32>,
        %bitcast3A_184 = vector.bitcast %gather3A_182 : vector<16xi32> to vector<32xbf16>
        %bitcast3A_185 = vector.bitcast %gather3A_183 : vector<16xi32> to vector<32xbf16>
        %mul3A_186 = arith.mulf %bitcast3A_184, %bitcast3A_185 : vector<32xbf16>
        %unpack3A_187 = tpu.unpack_subelements %mul3A_186, 0 {pack_format = #tpu.pack_format<interleaved>} : vector<32xbf16> -> vector<16xf32>
        %unpack3A_188 = tpu.unpack_subelements %mul3A_186, 1 {pack_format = #tpu.pack_format<interleaved>} : vector<32xbf16> -> vector<16xf32>
        %add3A_189 = arith.addf %broadcast_in_dim3A_63, %unpack3A_187 : vector<16xf32>
        %add3A_190 = arith.addf %add3A_189, %unpack3A_188 : vector<16xf32>
        %add3A_191 = arith.constant 4 : i32
        %add3A_192 = vector.broadcast %add3A_191 : i32 to vector<16xi32>
        %add3A_193 = arith.addi %iota3A, %add3A_192 : vector<16xi32>
        %jit3A_194 = arith.constant 16 : i32
        %eq3A_195 = arith.constant 0 : i32
        %eq3A_196 = arith.cmpi eq, %jit3A_194, %eq3A_195 : i32
        %jit3A_197 = arith.constant 1 : i32
        %select_n3A_198 = arith.select %eq3A_196, %jit3A_197, %jit3A_194 : i32
        %rem3A_199 = vector.broadcast %select_n3A_198 : i32 to vector<16xi32>
        %rem3A_200 = arith.remsi %add3A_193, %rem3A_199 : vector<16xi32>
        %ne3A_201 = arith.constant 0 : i32
        %ne3A_202 = vector.broadcast %ne3A_201 : i32 to vector<16xi32>
        %ne3A_203 = arith.cmpi ne, %rem3A_200, %ne3A_202 : vector<16xi32>
        %lt3A_204 = arith.constant 0 : i32
        %lt3A_205 = vector.broadcast %lt3A_204 : i32 to vector<16xi32>
        %lt3A_206 = arith.cmpi slt, %rem3A_200, %lt3A_205 : vector<16xi32>
        %lt3A_207 = arith.constant 0 : i32
        %lt3A_208 = arith.cmpi slt, %select_n3A_198, %lt3A_207 : i32
        %ne3A_209 = vector.broadcast %lt3A_208 : i1 to vector<16xi1>
        %ne3A_210 = vector.broadcast %ne3A_209 : vector<16xi1> to vector<16xi1>
        %ne3A_211 = arith.xori %lt3A_206, %ne3A_210 : vector<16xi1>
        %and3A_212 = arith.andi %ne3A_211, %ne3A_203 : vector<16xi1>
        %add3A_213 = vector.broadcast %select_n3A_198 : i32 to vector<16xi32>
        %add3A_214 = arith.addi %rem3A_200, %add3A_213 : vector<16xi32>
        %select_n3A_215 = arith.select %and3A_212, %add3A_214, %rem3A_200 : vector<16xi1>, vector<16xi32>
        %gather3A_216 = tpu.vector_load_idx %arg7[%add3A_56, %select_n3A_215] : memref<400x16xi32, #tpu.memory_space<vmem>>[vector<16xi32>, vector<16xi32>], vector<16xi32>,
        %gather3A_217 = tpu.vector_load_idx %arg9[%add3A_56, %select_n3A_215] : memref<400x16xi32, #tpu.memory_space<vmem>>[vector<16xi32>, vector<16xi32>], vector<16xi32>,
        %bitcast3A_218 = vector.bitcast %gather3A_216 : vector<16xi32> to vector<32xbf16>
        %bitcast3A_219 = vector.bitcast %gather3A_217 : vector<16xi32> to vector<32xbf16>
        %mul3A_220 = arith.mulf %bitcast3A_218, %bitcast3A_219 : vector<32xbf16>
        %unpack3A_221 = tpu.unpack_subelements %mul3A_220, 0 {pack_format = #tpu.pack_format<interleaved>} : vector<32xbf16> -> vector<16xf32>
        %unpack3A_222 = tpu.unpack_subelements %mul3A_220, 1 {pack_format = #tpu.pack_format<interleaved>} : vector<32xbf16> -> vector<16xf32>
        %add3A_223 = arith.addf %add3A_88, %unpack3A_221 : vector<16xf32>
        %add3A_224 = arith.addf %add3A_223, %unpack3A_222 : vector<16xf32>
        %add3A_225 = arith.constant 5 : i32
        %add3A_226 = vector.broadcast %add3A_225 : i32 to vector<16xi32>
        %add3A_227 = arith.addi %iota3A, %add3A_226 : vector<16xi32>
        %jit3A_228 = arith.constant 16 : i32
        %eq3A_229 = arith.constant 0 : i32
        %eq3A_230 = arith.cmpi eq, %jit3A_228, %eq3A_229 : i32
        %jit3A_231 = arith.constant 1 : i32
        %select_n3A_232 = arith.select %eq3A_230, %jit3A_231, %jit3A_228 : i32
        %rem3A_233 = vector.broadcast %select_n3A_232 : i32 to vector<16xi32>
        %rem3A_234 = arith.remsi %add3A_227, %rem3A_233 : vector<16xi32>
        %ne3A_235 = arith.constant 0 : i32
        %ne3A_236 = vector.broadcast %ne3A_235 : i32 to vector<16xi32>
        %ne3A_237 = arith.cmpi ne, %rem3A_234, %ne3A_236 : vector<16xi32>
        %lt3A_238 = arith.constant 0 : i32
        %lt3A_239 = vector.broadcast %lt3A_238 : i32 to vector<16xi32>
        %lt3A_240 = arith.cmpi slt, %rem3A_234, %lt3A_239 : vector<16xi32>
        %lt3A_241 = arith.constant 0 : i32
        %lt3A_242 = arith.cmpi slt, %select_n3A_232, %lt3A_241 : i32
        %ne3A_243 = vector.broadcast %lt3A_242 : i1 to vector<16xi1>
        %ne3A_244 = vector.broadcast %ne3A_243 : vector<16xi1> to vector<16xi1>
        %ne3A_245 = arith.xori %lt3A_240, %ne3A_244 : vector<16xi1>
        %and3A_246 = arith.andi %ne3A_245, %ne3A_237 : vector<16xi1>
        %add3A_247 = vector.broadcast %select_n3A_232 : i32 to vector<16xi32>
        %add3A_248 = arith.addi %rem3A_234, %add3A_247 : vector<16xi32>
        %select_n3A_249 = arith.select %and3A_246, %add3A_248, %rem3A_234 : vector<16xi1>, vector<16xi32>
        %gather3A_250 = tpu.vector_load_idx %arg7[%add3A_56, %select_n3A_249] : memref<400x16xi32, #tpu.memory_space<vmem>>[vector<16xi32>, vector<16xi32>], vector<16xi32>,
        %gather3A_251 = tpu.vector_load_idx %arg9[%add3A_56, %select_n3A_249] : memref<400x16xi32, #tpu.memory_space<vmem>>[vector<16xi32>, vector<16xi32>], vector<16xi32>,
        %bitcast3A_252 = vector.bitcast %gather3A_250 : vector<16xi32> to vector<32xbf16>
        %bitcast3A_253 = vector.bitcast %gather3A_251 : vector<16xi32> to vector<32xbf16>
        %mul3A_254 = arith.mulf %bitcast3A_252, %bitcast3A_253 : vector<32xbf16>
        %unpack3A_255 = tpu.unpack_subelements %mul3A_254, 0 {pack_format = #tpu.pack_format<interleaved>} : vector<32xbf16> -> vector<16xf32>
        %unpack3A_256 = tpu.unpack_subelements %mul3A_254, 1 {pack_format = #tpu.pack_format<interleaved>} : vector<32xbf16> -> vector<16xf32>
        %add3A_257 = arith.addf %add3A_122, %unpack3A_255 : vector<16xf32>
        %add3A_258 = arith.addf %add3A_257, %unpack3A_256 : vector<16xf32>
        %add3A_259 = arith.constant 6 : i32
        %add3A_260 = vector.broadcast %add3A_259 : i32 to vector<16xi32>
        %add3A_261 = arith.addi %iota3A, %add3A_260 : vector<16xi32>
        %jit3A_262 = arith.constant 16 : i32
        %eq3A_263 = arith.constant 0 : i32
        %eq3A_264 = arith.cmpi eq, %jit3A_262, %eq3A_263 : i32
        %jit3A_265 = arith.constant 1 : i32
        %select_n3A_266 = arith.select %eq3A_264, %jit3A_265, %jit3A_262 : i32
        %rem3A_267 = vector.broadcast %select_n3A_266 : i32 to vector<16xi32>
        %rem3A_268 = arith.remsi %add3A_261, %rem3A_267 : vector<16xi32>
        %ne3A_269 = arith.constant 0 : i32
        %ne3A_270 = vector.broadcast %ne3A_269 : i32 to vector<16xi32>
        %ne3A_271 = arith.cmpi ne, %rem3A_268, %ne3A_270 : vector<16xi32>
        %lt3A_272 = arith.constant 0 : i32
        %lt3A_273 = vector.broadcast %lt3A_272 : i32 to vector<16xi32>
        %lt3A_274 = arith.cmpi slt, %rem3A_268, %lt3A_273 : vector<16xi32>
        %lt3A_275 = arith.constant 0 : i32
        %lt3A_276 = arith.cmpi slt, %select_n3A_266, %lt3A_275 : i32
        %ne3A_277 = vector.broadcast %lt3A_276 : i1 to vector<16xi1>
        %ne3A_278 = vector.broadcast %ne3A_277 : vector<16xi1> to vector<16xi1>
        %ne3A_279 = arith.xori %lt3A_274, %ne3A_278 : vector<16xi1>
        %and3A_280 = arith.andi %ne3A_279, %ne3A_271 : vector<16xi1>
        %add3A_281 = vector.broadcast %select_n3A_266 : i32 to vector<16xi32>
        %add3A_282 = arith.addi %rem3A_268, %add3A_281 : vector<16xi32>
        %select_n3A_283 = arith.select %and3A_280, %add3A_282, %rem3A_268 : vector<16xi1>, vector<16xi32>
        %gather3A_284 = tpu.vector_load_idx %arg7[%add3A_56, %select_n3A_283] : memref<400x16xi32, #tpu.memory_space<vmem>>[vector<16xi32>, vector<16xi32>], vector<16xi32>,
        %gather3A_285 = tpu.vector_load_idx %arg9[%add3A_56, %select_n3A_283] : memref<400x16xi32, #tpu.memory_space<vmem>>[vector<16xi32>, vector<16xi32>], vector<16xi32>,
        %bitcast3A_286 = vector.bitcast %gather3A_284 : vector<16xi32> to vector<32xbf16>
        %bitcast3A_287 = vector.bitcast %gather3A_285 : vector<16xi32> to vector<32xbf16>
        %mul3A_288 = arith.mulf %bitcast3A_286, %bitcast3A_287 : vector<32xbf16>
        %unpack3A_289 = tpu.unpack_subelements %mul3A_288, 0 {pack_format = #tpu.pack_format<interleaved>} : vector<32xbf16> -> vector<16xf32>
        %unpack3A_290 = tpu.unpack_subelements %mul3A_288, 1 {pack_format = #tpu.pack_format<interleaved>} : vector<32xbf16> -> vector<16xf32>
        %add3A_291 = arith.addf %add3A_156, %unpack3A_289 : vector<16xf32>
        %add3A_292 = arith.addf %add3A_291, %unpack3A_290 : vector<16xf32>
        %add3A_293 = arith.constant 7 : i32
        %add3A_294 = vector.broadcast %add3A_293 : i32 to vector<16xi32>
        %add3A_295 = arith.addi %iota3A, %add3A_294 : vector<16xi32>
        %jit3A_296 = arith.constant 16 : i32
        %eq3A_297 = arith.constant 0 : i32
        %eq3A_298 = arith.cmpi eq, %jit3A_296, %eq3A_297 : i32
        %jit3A_299 = arith.constant 1 : i32
        %select_n3A_300 = arith.select %eq3A_298, %jit3A_299, %jit3A_296 : i32
        %rem3A_301 = vector.broadcast %select_n3A_300 : i32 to vector<16xi32>
        %rem3A_302 = arith.remsi %add3A_295, %rem3A_301 : vector<16xi32>
        %ne3A_303 = arith.constant 0 : i32
        %ne3A_304 = vector.broadcast %ne3A_303 : i32 to vector<16xi32>
        %ne3A_305 = arith.cmpi ne, %rem3A_302, %ne3A_304 : vector<16xi32>
        %lt3A_306 = arith.constant 0 : i32
        %lt3A_307 = vector.broadcast %lt3A_306 : i32 to vector<16xi32>
        %lt3A_308 = arith.cmpi slt, %rem3A_302, %lt3A_307 : vector<16xi32>
        %lt3A_309 = arith.constant 0 : i32
        %lt3A_310 = arith.cmpi slt, %select_n3A_300, %lt3A_309 : i32
        %ne3A_311 = vector.broadcast %lt3A_310 : i1 to vector<16xi1>
        %ne3A_312 = vector.broadcast %ne3A_311 : vector<16xi1> to vector<16xi1>
        %ne3A_313 = arith.xori %lt3A_308, %ne3A_312 : vector<16xi1>
        %and3A_314 = arith.andi %ne3A_313, %ne3A_305 : vector<16xi1>
        %add3A_315 = vector.broadcast %select_n3A_300 : i32 to vector<16xi32>
        %add3A_316 = arith.addi %rem3A_302, %add3A_315 : vector<16xi32>
        %select_n3A_317 = arith.select %and3A_314, %add3A_316, %rem3A_302 : vector<16xi1>, vector<16xi32>
        %gather3A_318 = tpu.vector_load_idx %arg7[%add3A_56, %select_n3A_317] : memref<400x16xi32, #tpu.memory_space<vmem>>[vector<16xi32>, vector<16xi32>], vector<16xi32>,
        %gather3A_319 = tpu.vector_load_idx %arg9[%add3A_56, %select_n3A_317] : memref<400x16xi32, #tpu.memory_space<vmem>>[vector<16xi32>, vector<16xi32>], vector<16xi32>,
        %bitcast3A_320 = vector.bitcast %gather3A_318 : vector<16xi32> to vector<32xbf16>
        %bitcast3A_321 = vector.bitcast %gather3A_319 : vector<16xi32> to vector<32xbf16>
        %mul3A_322 = arith.mulf %bitcast3A_320, %bitcast3A_321 : vector<32xbf16>
        %unpack3A_323 = tpu.unpack_subelements %mul3A_322, 0 {pack_format = #tpu.pack_format<interleaved>} : vector<32xbf16> -> vector<16xf32>
        %unpack3A_324 = tpu.unpack_subelements %mul3A_322, 1 {pack_format = #tpu.pack_format<interleaved>} : vector<32xbf16> -> vector<16xf32>
        %add3A_325 = arith.addf %add3A_190, %unpack3A_323 : vector<16xf32>
        %add3A_326 = arith.addf %add3A_325, %unpack3A_324 : vector<16xf32>
        %add3A_327 = arith.constant 8 : i32
        %add3A_328 = vector.broadcast %add3A_327 : i32 to vector<16xi32>
        %add3A_329 = arith.addi %iota3A, %add3A_328 : vector<16xi32>
        %jit3A_330 = arith.constant 16 : i32
        %eq3A_331 = arith.constant 0 : i32
        %eq3A_332 = arith.cmpi eq, %jit3A_330, %eq3A_331 : i32
        %jit3A_333 = arith.constant 1 : i32
        %select_n3A_334 = arith.select %eq3A_332, %jit3A_333, %jit3A_330 : i32
        %rem3A_335 = vector.broadcast %select_n3A_334 : i32 to vector<16xi32>
        %rem3A_336 = arith.remsi %add3A_329, %rem3A_335 : vector<16xi32>
        %ne3A_337 = arith.constant 0 : i32
        %ne3A_338 = vector.broadcast %ne3A_337 : i32 to vector<16xi32>
        %ne3A_339 = arith.cmpi ne, %rem3A_336, %ne3A_338 : vector<16xi32>
        %lt3A_340 = arith.constant 0 : i32
        %lt3A_341 = vector.broadcast %lt3A_340 : i32 to vector<16xi32>
        %lt3A_342 = arith.cmpi slt, %rem3A_336, %lt3A_341 : vector<16xi32>
        %lt3A_343 = arith.constant 0 : i32
        %lt3A_344 = arith.cmpi slt, %select_n3A_334, %lt3A_343 : i32
        %ne3A_345 = vector.broadcast %lt3A_344 : i1 to vector<16xi1>
        %ne3A_346 = vector.broadcast %ne3A_345 : vector<16xi1> to vector<16xi1>
        %ne3A_347 = arith.xori %lt3A_342, %ne3A_346 : vector<16xi1>
        %and3A_348 = arith.andi %ne3A_347, %ne3A_339 : vector<16xi1>
        %add3A_349 = vector.broadcast %select_n3A_334 : i32 to vector<16xi32>
        %add3A_350 = arith.addi %rem3A_336, %add3A_349 : vector<16xi32>
        %select_n3A_351 = arith.select %and3A_348, %add3A_350, %rem3A_336 : vector<16xi1>, vector<16xi32>
        %gather3A_352 = tpu.vector_load_idx %arg7[%add3A_56, %select_n3A_351] : memref<400x16xi32, #tpu.memory_space<vmem>>[vector<16xi32>, vector<16xi32>], vector<16xi32>,
        %gather3A_353 = tpu.vector_load_idx %arg9[%add3A_56, %select_n3A_351] : memref<400x16xi32, #tpu.memory_space<vmem>>[vector<16xi32>, vector<16xi32>], vector<16xi32>,
        %bitcast3A_354 = vector.bitcast %gather3A_352 : vector<16xi32> to vector<32xbf16>
        %bitcast3A_355 = vector.bitcast %gather3A_353 : vector<16xi32> to vector<32xbf16>
        %mul3A_356 = arith.mulf %bitcast3A_354, %bitcast3A_355 : vector<32xbf16>
        %unpack3A_357 = tpu.unpack_subelements %mul3A_356, 0 {pack_format = #tpu.pack_format<interleaved>} : vector<32xbf16> -> vector<16xf32>
        %unpack3A_358 = tpu.unpack_subelements %mul3A_356, 1 {pack_format = #tpu.pack_format<interleaved>} : vector<32xbf16> -> vector<16xf32>
        %add3A_359 = arith.addf %add3A_224, %unpack3A_357 : vector<16xf32>
        %add3A_360 = arith.addf %add3A_359, %unpack3A_358 : vector<16xf32>
        %add3A_361 = arith.constant 9 : i32
        %add3A_362 = vector.broadcast %add3A_361 : i32 to vector<16xi32>
        %add3A_363 = arith.addi %iota3A, %add3A_362 : vector<16xi32>
        %jit3A_364 = arith.constant 16 : i32
        %eq3A_365 = arith.constant 0 : i32
        %eq3A_366 = arith.cmpi eq, %jit3A_364, %eq3A_365 : i32
        %jit3A_367 = arith.constant 1 : i32
        %select_n3A_368 = arith.select %eq3A_366, %jit3A_367, %jit3A_364 : i32
        %rem3A_369 = vector.broadcast %select_n3A_368 : i32 to vector<16xi32>
        %rem3A_370 = arith.remsi %add3A_363, %rem3A_369 : vector<16xi32>
        %ne3A_371 = arith.constant 0 : i32
        %ne3A_372 = vector.broadcast %ne3A_371 : i32 to vector<16xi32>
        %ne3A_373 = arith.cmpi ne, %rem3A_370, %ne3A_372 : vector<16xi32>
        %lt3A_374 = arith.constant 0 : i32
        %lt3A_375 = vector.broadcast %lt3A_374 : i32 to vector<16xi32>
        %lt3A_376 = arith.cmpi slt, %rem3A_370, %lt3A_375 : vector<16xi32>
        %lt3A_377 = arith.constant 0 : i32
        %lt3A_378 = arith.cmpi slt, %select_n3A_368, %lt3A_377 : i32
        %ne3A_379 = vector.broadcast %lt3A_378 : i1 to vector<16xi1>
        %ne3A_380 = vector.broadcast %ne3A_379 : vector<16xi1> to vector<16xi1>
        %ne3A_381 = arith.xori %lt3A_376, %ne3A_380 : vector<16xi1>
        %and3A_382 = arith.andi %ne3A_381, %ne3A_373 : vector<16xi1>
        %add3A_383 = vector.broadcast %select_n3A_368 : i32 to vector<16xi32>
        %add3A_384 = arith.addi %rem3A_370, %add3A_383 : vector<16xi32>
        %select_n3A_385 = arith.select %and3A_382, %add3A_384, %rem3A_370 : vector<16xi1>, vector<16xi32>
        %gather3A_386 = tpu.vector_load_idx %arg7[%add3A_56, %select_n3A_385] : memref<400x16xi32, #tpu.memory_space<vmem>>[vector<16xi32>, vector<16xi32>], vector<16xi32>,
        %gather3A_387 = tpu.vector_load_idx %arg9[%add3A_56, %select_n3A_385] : memref<400x16xi32, #tpu.memory_space<vmem>>[vector<16xi32>, vector<16xi32>], vector<16xi32>,
        %bitcast3A_388 = vector.bitcast %gather3A_386 : vector<16xi32> to vector<32xbf16>
        %bitcast3A_389 = vector.bitcast %gather3A_387 : vector<16xi32> to vector<32xbf16>
        %mul3A_390 = arith.mulf %bitcast3A_388, %bitcast3A_389 : vector<32xbf16>
        %unpack3A_391 = tpu.unpack_subelements %mul3A_390, 0 {pack_format = #tpu.pack_format<interleaved>} : vector<32xbf16> -> vector<16xf32>
        %unpack3A_392 = tpu.unpack_subelements %mul3A_390, 1 {pack_format = #tpu.pack_format<interleaved>} : vector<32xbf16> -> vector<16xf32>
        %add3A_393 = arith.addf %add3A_258, %unpack3A_391 : vector<16xf32>
        %add3A_394 = arith.addf %add3A_393, %unpack3A_392 : vector<16xf32>
        %add3A_395 = arith.constant 10 : i32
        %add3A_396 = vector.broadcast %add3A_395 : i32 to vector<16xi32>
        %add3A_397 = arith.addi %iota3A, %add3A_396 : vector<16xi32>
        %jit3A_398 = arith.constant 16 : i32
        %eq3A_399 = arith.constant 0 : i32
        %eq3A_400 = arith.cmpi eq, %jit3A_398, %eq3A_399 : i32
        %jit3A_401 = arith.constant 1 : i32
        %select_n3A_402 = arith.select %eq3A_400, %jit3A_401, %jit3A_398 : i32
        %rem3A_403 = vector.broadcast %select_n3A_402 : i32 to vector<16xi32>
        %rem3A_404 = arith.remsi %add3A_397, %rem3A_403 : vector<16xi32>
        %ne3A_405 = arith.constant 0 : i32
        %ne3A_406 = vector.broadcast %ne3A_405 : i32 to vector<16xi32>
        %ne3A_407 = arith.cmpi ne, %rem3A_404, %ne3A_406 : vector<16xi32>
        %lt3A_408 = arith.constant 0 : i32
        %lt3A_409 = vector.broadcast %lt3A_408 : i32 to vector<16xi32>
        %lt3A_410 = arith.cmpi slt, %rem3A_404, %lt3A_409 : vector<16xi32>
        %lt3A_411 = arith.constant 0 : i32
        %lt3A_412 = arith.cmpi slt, %select_n3A_402, %lt3A_411 : i32
        %ne3A_413 = vector.broadcast %lt3A_412 : i1 to vector<16xi1>
        %ne3A_414 = vector.broadcast %ne3A_413 : vector<16xi1> to vector<16xi1>
        %ne3A_415 = arith.xori %lt3A_410, %ne3A_414 : vector<16xi1>
        %and3A_416 = arith.andi %ne3A_415, %ne3A_407 : vector<16xi1>
        %add3A_417 = vector.broadcast %select_n3A_402 : i32 to vector<16xi32>
        %add3A_418 = arith.addi %rem3A_404, %add3A_417 : vector<16xi32>
        %select_n3A_419 = arith.select %and3A_416, %add3A_418, %rem3A_404 : vector<16xi1>, vector<16xi32>
        %gather3A_420 = tpu.vector_load_idx %arg7[%add3A_56, %select_n3A_419] : memref<400x16xi32, #tpu.memory_space<vmem>>[vector<16xi32>, vector<16xi32>], vector<16xi32>,
        %gather3A_421 = tpu.vector_load_idx %arg9[%add3A_56, %select_n3A_419] : memref<400x16xi32, #tpu.memory_space<vmem>>[vector<16xi32>, vector<16xi32>], vector<16xi32>,
        %bitcast3A_422 = vector.bitcast %gather3A_420 : vector<16xi32> to vector<32xbf16>
        %bitcast3A_423 = vector.bitcast %gather3A_421 : vector<16xi32> to vector<32xbf16>
        %mul3A_424 = arith.mulf %bitcast3A_422, %bitcast3A_423 : vector<32xbf16>
        %unpack3A_425 = tpu.unpack_subelements %mul3A_424, 0 {pack_format = #tpu.pack_format<interleaved>} : vector<32xbf16> -> vector<16xf32>
        %unpack3A_426 = tpu.unpack_subelements %mul3A_424, 1 {pack_format = #tpu.pack_format<interleaved>} : vector<32xbf16> -> vector<16xf32>
        %add3A_427 = arith.addf %add3A_292, %unpack3A_425 : vector<16xf32>
        %add3A_428 = arith.addf %add3A_427, %unpack3A_426 : vector<16xf32>
        %add3A_429 = arith.constant 11 : i32
        %add3A_430 = vector.broadcast %add3A_429 : i32 to vector<16xi32>
        %add3A_431 = arith.addi %iota3A, %add3A_430 : vector<16xi32>
        %jit3A_432 = arith.constant 16 : i32
        %eq3A_433 = arith.constant 0 : i32
        %eq3A_434 = arith.cmpi eq, %jit3A_432, %eq3A_433 : i32
        %jit3A_435 = arith.constant 1 : i32
        %select_n3A_436 = arith.select %eq3A_434, %jit3A_435, %jit3A_432 : i32
        %rem3A_437 = vector.broadcast %select_n3A_436 : i32 to vector<16xi32>
        %rem3A_438 = arith.remsi %add3A_431, %rem3A_437 : vector<16xi32>
        %ne3A_439 = arith.constant 0 : i32
        %ne3A_440 = vector.broadcast %ne3A_439 : i32 to vector<16xi32>
        %ne3A_441 = arith.cmpi ne, %rem3A_438, %ne3A_440 : vector<16xi32>
        %lt3A_442 = arith.constant 0 : i32
        %lt3A_443 = vector.broadcast %lt3A_442 : i32 to vector<16xi32>
        %lt3A_444 = arith.cmpi slt, %rem3A_438, %lt3A_443 : vector<16xi32>
        %lt3A_445 = arith.constant 0 : i32
        %lt3A_446 = arith.cmpi slt, %select_n3A_436, %lt3A_445 : i32
        %ne3A_447 = vector.broadcast %lt3A_446 : i1 to vector<16xi1>
        %ne3A_448 = vector.broadcast %ne3A_447 : vector<16xi1> to vector<16xi1>
        %ne3A_449 = arith.xori %lt3A_444, %ne3A_448 : vector<16xi1>
        %and3A_450 = arith.andi %ne3A_449, %ne3A_441 : vector<16xi1>
        %add3A_451 = vector.broadcast %select_n3A_436 : i32 to vector<16xi32>
        %add3A_452 = arith.addi %rem3A_438, %add3A_451 : vector<16xi32>
        %select_n3A_453 = arith.select %and3A_450, %add3A_452, %rem3A_438 : vector<16xi1>, vector<16xi32>
        %gather3A_454 = tpu.vector_load_idx %arg7[%add3A_56, %select_n3A_453] : memref<400x16xi32, #tpu.memory_space<vmem>>[vector<16xi32>, vector<16xi32>], vector<16xi32>,
        %gather3A_455 = tpu.vector_load_idx %arg9[%add3A_56, %select_n3A_453] : memref<400x16xi32, #tpu.memory_space<vmem>>[vector<16xi32>, vector<16xi32>], vector<16xi32>,
        %bitcast3A_456 = vector.bitcast %gather3A_454 : vector<16xi32> to vector<32xbf16>
        %bitcast3A_457 = vector.bitcast %gather3A_455 : vector<16xi32> to vector<32xbf16>
        %mul3A_458 = arith.mulf %bitcast3A_456, %bitcast3A_457 : vector<32xbf16>
        %unpack3A_459 = tpu.unpack_subelements %mul3A_458, 0 {pack_format = #tpu.pack_format<interleaved>} : vector<32xbf16> -> vector<16xf32>
        %unpack3A_460 = tpu.unpack_subelements %mul3A_458, 1 {pack_format = #tpu.pack_format<interleaved>} : vector<32xbf16> -> vector<16xf32>
        %add3A_461 = arith.addf %add3A_326, %unpack3A_459 : vector<16xf32>
        %add3A_462 = arith.addf %add3A_461, %unpack3A_460 : vector<16xf32>
        %add3A_463 = arith.constant 12 : i32
        %add3A_464 = vector.broadcast %add3A_463 : i32 to vector<16xi32>
        %add3A_465 = arith.addi %iota3A, %add3A_464 : vector<16xi32>
        %jit3A_466 = arith.constant 16 : i32
        %eq3A_467 = arith.constant 0 : i32
        %eq3A_468 = arith.cmpi eq, %jit3A_466, %eq3A_467 : i32
        %jit3A_469 = arith.constant 1 : i32
        %select_n3A_470 = arith.select %eq3A_468, %jit3A_469, %jit3A_466 : i32
        %rem3A_471 = vector.broadcast %select_n3A_470 : i32 to vector<16xi32>
        %rem3A_472 = arith.remsi %add3A_465, %rem3A_471 : vector<16xi32>
        %ne3A_473 = arith.constant 0 : i32
        %ne3A_474 = vector.broadcast %ne3A_473 : i32 to vector<16xi32>
        %ne3A_475 = arith.cmpi ne, %rem3A_472, %ne3A_474 : vector<16xi32>
        %lt3A_476 = arith.constant 0 : i32
        %lt3A_477 = vector.broadcast %lt3A_476 : i32 to vector<16xi32>
        %lt3A_478 = arith.cmpi slt, %rem3A_472, %lt3A_477 : vector<16xi32>
        %lt3A_479 = arith.constant 0 : i32
        %lt3A_480 = arith.cmpi slt, %select_n3A_470, %lt3A_479 : i32
        %ne3A_481 = vector.broadcast %lt3A_480 : i1 to vector<16xi1>
        %ne3A_482 = vector.broadcast %ne3A_481 : vector<16xi1> to vector<16xi1>
        %ne3A_483 = arith.xori %lt3A_478, %ne3A_482 : vector<16xi1>
        %and3A_484 = arith.andi %ne3A_483, %ne3A_475 : vector<16xi1>
        %add3A_485 = vector.broadcast %select_n3A_470 : i32 to vector<16xi32>
        %add3A_486 = arith.addi %rem3A_472, %add3A_485 : vector<16xi32>
        %select_n3A_487 = arith.select %and3A_484, %add3A_486, %rem3A_472 : vector<16xi1>, vector<16xi32>
        %gather3A_488 = tpu.vector_load_idx %arg7[%add3A_56, %select_n3A_487] : memref<400x16xi32, #tpu.memory_space<vmem>>[vector<16xi32>, vector<16xi32>], vector<16xi32>,
        %gather3A_489 = tpu.vector_load_idx %arg9[%add3A_56, %select_n3A_487] : memref<400x16xi32, #tpu.memory_space<vmem>>[vector<16xi32>, vector<16xi32>], vector<16xi32>,
        %bitcast3A_490 = vector.bitcast %gather3A_488 : vector<16xi32> to vector<32xbf16>
        %bitcast3A_491 = vector.bitcast %gather3A_489 : vector<16xi32> to vector<32xbf16>
        %mul3A_492 = arith.mulf %bitcast3A_490, %bitcast3A_491 : vector<32xbf16>
        %unpack3A_493 = tpu.unpack_subelements %mul3A_492, 0 {pack_format = #tpu.pack_format<interleaved>} : vector<32xbf16> -> vector<16xf32>
        %unpack3A_494 = tpu.unpack_subelements %mul3A_492, 1 {pack_format = #tpu.pack_format<interleaved>} : vector<32xbf16> -> vector<16xf32>
        %add3A_495 = arith.addf %add3A_360, %unpack3A_493 : vector<16xf32>
        %add3A_496 = arith.addf %add3A_495, %unpack3A_494 : vector<16xf32>
        %add3A_497 = arith.constant 13 : i32
        %add3A_498 = vector.broadcast %add3A_497 : i32 to vector<16xi32>
        %add3A_499 = arith.addi %iota3A, %add3A_498 : vector<16xi32>
        %jit3A_500 = arith.constant 16 : i32
        %eq3A_501 = arith.constant 0 : i32
        %eq3A_502 = arith.cmpi eq, %jit3A_500, %eq3A_501 : i32
        %jit3A_503 = arith.constant 1 : i32
        %select_n3A_504 = arith.select %eq3A_502, %jit3A_503, %jit3A_500 : i32
        %rem3A_505 = vector.broadcast %select_n3A_504 : i32 to vector<16xi32>
        %rem3A_506 = arith.remsi %add3A_499, %rem3A_505 : vector<16xi32>
        %ne3A_507 = arith.constant 0 : i32
        %ne3A_508 = vector.broadcast %ne3A_507 : i32 to vector<16xi32>
        %ne3A_509 = arith.cmpi ne, %rem3A_506, %ne3A_508 : vector<16xi32>
        %lt3A_510 = arith.constant 0 : i32
        %lt3A_511 = vector.broadcast %lt3A_510 : i32 to vector<16xi32>
        %lt3A_512 = arith.cmpi slt, %rem3A_506, %lt3A_511 : vector<16xi32>
        %lt3A_513 = arith.constant 0 : i32
        %lt3A_514 = arith.cmpi slt, %select_n3A_504, %lt3A_513 : i32
        %ne3A_515 = vector.broadcast %lt3A_514 : i1 to vector<16xi1>
        %ne3A_516 = vector.broadcast %ne3A_515 : vector<16xi1> to vector<16xi1>
        %ne3A_517 = arith.xori %lt3A_512, %ne3A_516 : vector<16xi1>
        %and3A_518 = arith.andi %ne3A_517, %ne3A_509 : vector<16xi1>
        %add3A_519 = vector.broadcast %select_n3A_504 : i32 to vector<16xi32>
        %add3A_520 = arith.addi %rem3A_506, %add3A_519 : vector<16xi32>
        %select_n3A_521 = arith.select %and3A_518, %add3A_520, %rem3A_506 : vector<16xi1>, vector<16xi32>
        %gather3A_522 = tpu.vector_load_idx %arg7[%add3A_56, %select_n3A_521] : memref<400x16xi32, #tpu.memory_space<vmem>>[vector<16xi32>, vector<16xi32>], vector<16xi32>,
        %gather3A_523 = tpu.vector_load_idx %arg9[%add3A_56, %select_n3A_521] : memref<400x16xi32, #tpu.memory_space<vmem>>[vector<16xi32>, vector<16xi32>], vector<16xi32>,
        %bitcast3A_524 = vector.bitcast %gather3A_522 : vector<16xi32> to vector<32xbf16>
        %bitcast3A_525 = vector.bitcast %gather3A_523 : vector<16xi32> to vector<32xbf16>
        %mul3A_526 = arith.mulf %bitcast3A_524, %bitcast3A_525 : vector<32xbf16>
        %unpack3A_527 = tpu.unpack_subelements %mul3A_526, 0 {pack_format = #tpu.pack_format<interleaved>} : vector<32xbf16> -> vector<16xf32>
        %unpack3A_528 = tpu.unpack_subelements %mul3A_526, 1 {pack_format = #tpu.pack_format<interleaved>} : vector<32xbf16> -> vector<16xf32>
        %add3A_529 = arith.addf %add3A_394, %unpack3A_527 : vector<16xf32>
        %add3A_530 = arith.addf %add3A_529, %unpack3A_528 : vector<16xf32>
        %add3A_531 = arith.constant 14 : i32
        %add3A_532 = vector.broadcast %add3A_531 : i32 to vector<16xi32>
        %add3A_533 = arith.addi %iota3A, %add3A_532 : vector<16xi32>
        %jit3A_534 = arith.constant 16 : i32
        %eq3A_535 = arith.constant 0 : i32
        %eq3A_536 = arith.cmpi eq, %jit3A_534, %eq3A_535 : i32
        %jit3A_537 = arith.constant 1 : i32
        %select_n3A_538 = arith.select %eq3A_536, %jit3A_537, %jit3A_534 : i32
        %rem3A_539 = vector.broadcast %select_n3A_538 : i32 to vector<16xi32>
        %rem3A_540 = arith.remsi %add3A_533, %rem3A_539 : vector<16xi32>
        %ne3A_541 = arith.constant 0 : i32
        %ne3A_542 = vector.broadcast %ne3A_541 : i32 to vector<16xi32>
        %ne3A_543 = arith.cmpi ne, %rem3A_540, %ne3A_542 : vector<16xi32>
        %lt3A_544 = arith.constant 0 : i32
        %lt3A_545 = vector.broadcast %lt3A_544 : i32 to vector<16xi32>
        %lt3A_546 = arith.cmpi slt, %rem3A_540, %lt3A_545 : vector<16xi32>
        %lt3A_547 = arith.constant 0 : i32
        %lt3A_548 = arith.cmpi slt, %select_n3A_538, %lt3A_547 : i32
        %ne3A_549 = vector.broadcast %lt3A_548 : i1 to vector<16xi1>
        %ne3A_550 = vector.broadcast %ne3A_549 : vector<16xi1> to vector<16xi1>
        %ne3A_551 = arith.xori %lt3A_546, %ne3A_550 : vector<16xi1>
        %and3A_552 = arith.andi %ne3A_551, %ne3A_543 : vector<16xi1>
        %add3A_553 = vector.broadcast %select_n3A_538 : i32 to vector<16xi32>
        %add3A_554 = arith.addi %rem3A_540, %add3A_553 : vector<16xi32>
        %select_n3A_555 = arith.select %and3A_552, %add3A_554, %rem3A_540 : vector<16xi1>, vector<16xi32>
        %gather3A_556 = tpu.vector_load_idx %arg7[%add3A_56, %select_n3A_555] : memref<400x16xi32, #tpu.memory_space<vmem>>[vector<16xi32>, vector<16xi32>], vector<16xi32>,
        %gather3A_557 = tpu.vector_load_idx %arg9[%add3A_56, %select_n3A_555] : memref<400x16xi32, #tpu.memory_space<vmem>>[vector<16xi32>, vector<16xi32>], vector<16xi32>,
        %bitcast3A_558 = vector.bitcast %gather3A_556 : vector<16xi32> to vector<32xbf16>
        %bitcast3A_559 = vector.bitcast %gather3A_557 : vector<16xi32> to vector<32xbf16>
        %mul3A_560 = arith.mulf %bitcast3A_558, %bitcast3A_559 : vector<32xbf16>
        %unpack3A_561 = tpu.unpack_subelements %mul3A_560, 0 {pack_format = #tpu.pack_format<interleaved>} : vector<32xbf16> -> vector<16xf32>
        %unpack3A_562 = tpu.unpack_subelements %mul3A_560, 1 {pack_format = #tpu.pack_format<interleaved>} : vector<32xbf16> -> vector<16xf32>
        %add3A_563 = arith.addf %add3A_428, %unpack3A_561 : vector<16xf32>
        %add3A_564 = arith.addf %add3A_563, %unpack3A_562 : vector<16xf32>
        %add3A_565 = arith.constant 15 : i32
        %add3A_566 = vector.broadcast %add3A_565 : i32 to vector<16xi32>
        %add3A_567 = arith.addi %iota3A, %add3A_566 : vector<16xi32>
        %jit3A_568 = arith.constant 16 : i32
        %eq3A_569 = arith.constant 0 : i32
        %eq3A_570 = arith.cmpi eq, %jit3A_568, %eq3A_569 : i32
        %jit3A_571 = arith.constant 1 : i32
        %select_n3A_572 = arith.select %eq3A_570, %jit3A_571, %jit3A_568 : i32
        %rem3A_573 = vector.broadcast %select_n3A_572 : i32 to vector<16xi32>
        %rem3A_574 = arith.remsi %add3A_567, %rem3A_573 : vector<16xi32>
        %ne3A_575 = arith.constant 0 : i32
        %ne3A_576 = vector.broadcast %ne3A_575 : i32 to vector<16xi32>
        %ne3A_577 = arith.cmpi ne, %rem3A_574, %ne3A_576 : vector<16xi32>
        %lt3A_578 = arith.constant 0 : i32
        %lt3A_579 = vector.broadcast %lt3A_578 : i32 to vector<16xi32>
        %lt3A_580 = arith.cmpi slt, %rem3A_574, %lt3A_579 : vector<16xi32>
        %lt3A_581 = arith.constant 0 : i32
        %lt3A_582 = arith.cmpi slt, %select_n3A_572, %lt3A_581 : i32
        %ne3A_583 = vector.broadcast %lt3A_582 : i1 to vector<16xi1>
        %ne3A_584 = vector.broadcast %ne3A_583 : vector<16xi1> to vector<16xi1>
        %ne3A_585 = arith.xori %lt3A_580, %ne3A_584 : vector<16xi1>
        %and3A_586 = arith.andi %ne3A_585, %ne3A_577 : vector<16xi1>
        %add3A_587 = vector.broadcast %select_n3A_572 : i32 to vector<16xi32>
        %add3A_588 = arith.addi %rem3A_574, %add3A_587 : vector<16xi32>
        %select_n3A_589 = arith.select %and3A_586, %add3A_588, %rem3A_574 : vector<16xi1>, vector<16xi32>
        %gather3A_590 = tpu.vector_load_idx %arg7[%add3A_56, %select_n3A_589] : memref<400x16xi32, #tpu.memory_space<vmem>>[vector<16xi32>, vector<16xi32>], vector<16xi32>,
        %gather3A_591 = tpu.vector_load_idx %arg9[%add3A_56, %select_n3A_589] : memref<400x16xi32, #tpu.memory_space<vmem>>[vector<16xi32>, vector<16xi32>], vector<16xi32>,
        %bitcast3A_592 = vector.bitcast %gather3A_590 : vector<16xi32> to vector<32xbf16>
        %bitcast3A_593 = vector.bitcast %gather3A_591 : vector<16xi32> to vector<32xbf16>
        %mul3A_594 = arith.mulf %bitcast3A_592, %bitcast3A_593 : vector<32xbf16>
        %unpack3A_595 = tpu.unpack_subelements %mul3A_594, 0 {pack_format = #tpu.pack_format<interleaved>} : vector<32xbf16> -> vector<16xf32>
        %unpack3A_596 = tpu.unpack_subelements %mul3A_594, 1 {pack_format = #tpu.pack_format<interleaved>} : vector<32xbf16> -> vector<16xf32>
        %add3A_597 = arith.addf %add3A_462, %unpack3A_595 : vector<16xf32>
        %add3A_598 = arith.addf %add3A_597, %unpack3A_596 : vector<16xf32>
        %add3A_599 = arith.addf %add3A_496, %add3A_530 : vector<16xf32>
        %add3A_600 = arith.addf %add3A_564, %add3A_598 : vector<16xf32>
        %add3A_601 = arith.addf %add3A_599, %add3A_600 : vector<16xf32>
        %mul3A_602 = arith.constant 16 : i32
        %mul3A_603 = arith.muli %scan3A_52, %mul3A_602 : i32
        %swap3A = arith.index_cast %mul3A_603 : i32 to index
        %swap3A_604 = tpu.vector_load %arg11[%swap3A] {strides = array<i32>} : memref<400xf32, #tpu.memory_space<vmem>>, vector<16xf32>,
        tpu.vector_store %arg11[%swap3A], %add3A_601 {strides = array<i32>} : memref<400xf32, #tpu.memory_space<vmem>>, vector<16xf32>,
      }
      %scan3A_49 = arith.constant 25 : i32
      %add3A_50 = arith.constant 1600 : i32
      %add3A_51 = arith.addi %add3A_18, %add3A_50 : i32
      "tpu.region"() ({
        %run_scoped3A_52 = tpu.sem_alloc : memref<!tpu.dma_semaphore, #tpu.memory_space<semaphore_mem>>
        %dma_start3A_53 = tpu.memref_slice %arg4[%add3A_51] : memref<1600000xf32, #tpu.memory_space<hbm>> -> memref<400xf32, #tpu.memory_space<hbm>>
        %dma_start3A_54 = tpu.memref_slice %arg4[%add3A_51] : memref<1600000xf32, #tpu.memory_space<hbm>> -> memref<400xf32, #tpu.memory_space<hbm>>
        tpu.enqueue_dma source(%arg11 : memref<400xf32, #tpu.memory_space<vmem>>) target(%dma_start3A_54 : memref<400xf32, #tpu.memory_space<hbm>>) target_semaphore(%run_scoped3A_52 : memref<!tpu.dma_semaphore, #tpu.memory_space<semaphore_mem>>)
        %dma_wait3A_55 = tpu.memref_slice %arg4[%add3A_51] : memref<1600000xf32, #tpu.memory_space<hbm>> -> memref<400xf32, #tpu.memory_space<hbm>>
        %dma_wait3A_56 = tpu.memref_slice %arg4[%add3A_51] : memref<1600000xf32, #tpu.memory_space<hbm>> -> memref<400xf32, #tpu.memory_space<hbm>>
        tpu.wait_dma2 semaphore(%run_scoped3A_52 : memref<!tpu.dma_semaphore, #tpu.memory_space<semaphore_mem>>) src(%arg11 : memref<400xf32, #tpu.memory_space<vmem>>) dst(%dma_wait3A_56 : memref<400xf32, #tpu.memory_space<hbm>>)
        tpu.yield
      }) : () -> ()
    }
    %scan3A_14 = arith.constant 25 : i32
    return
  }
}

module attributes {stable_mosaic.version = 14 : i64} {
  func.func @_proj_body(%arg0: i32, %arg1: memref<2000x128xf32, #tpu.memory_space<vmem>>, %arg2: memref<128x32xf32, #tpu.memory_space<vmem>>, %arg3: memref<1x32xf32, #tpu.memory_space<vmem>>, %arg4: memref<128x32xf32, #tpu.memory_space<vmem>>, %arg5: memref<1x32xf32, #tpu.memory_space<vmem>>, %arg6: memref<2x2000x16xi32, #tpu.memory_space<vmem>>) attributes {dimension_semantics = [#tpu.dimension_semantics<arbitrary>], iteration_bounds = array<i64: 25>, scalar_prefetch = 0 : i64, scratch_operands = 0 : i64, tpu.core_type = #tpu.core_type<tc>, window_params = [{transform_indices = @transform_0, window_bounds = array<i64: 2000, 128>}, {pipeline_mode = #tpu.pipeline_mode<synchronous>, transform_indices = @transform_1, window_bounds = array<i64: 128, 32>}, {pipeline_mode = #tpu.pipeline_mode<synchronous>, transform_indices = @transform_2, window_bounds = array<i64: 1, 32>}, {pipeline_mode = #tpu.pipeline_mode<synchronous>, transform_indices = @transform_3, window_bounds = array<i64: 128, 32>}, {pipeline_mode = #tpu.pipeline_mode<synchronous>, transform_indices = @transform_4, window_bounds = array<i64: 1, 32>}, {transform_indices = @transform_5, window_bounds = array<i64: 2, 2000, 16>}]} {
    %get3A = arith.constant 0 : index
    %get3A_0 = arith.constant 0 : index
    %get3A_1 = vector.load %arg1[%get3A, %get3A_0] : memref<2000x128xf32, #tpu.memory_space<vmem>>, vector<2000x128xf32>
    %get3A_2 = arith.constant 0 : index
    %get3A_3 = arith.constant 0 : index
    %get3A_4 = vector.load %arg2[%get3A_2, %get3A_3] : memref<128x32xf32, #tpu.memory_space<vmem>>, vector<128x32xf32>
    %dot_general3A = arith.constant dense<0.000000e+00> : vector<2000x32xf32>
    %dot_general3A_5 = tpu.matmul %get3A_1, %get3A_4, %dot_general3A {dimension_numbers = #tpu.dot_dimension_numbers<[1], [0], [0], [1], [0, 0, 1, 1], [], []>, transpose_lhs_hint = false} : vector<2000x128xf32>, vector<128x32xf32>, vector<2000x32xf32> -> vector<2000x32xf32>
    %get3A_6 = arith.constant 0 : index
    %get3A_7 = arith.constant 0 : index
    %get3A_8 = vector.load %arg3[%get3A_6, %get3A_7] : memref<1x32xf32, #tpu.memory_space<vmem>>, vector<1x32xf32>
    %add3A = vector.broadcast %get3A_8 : vector<1x32xf32> to vector<2000x32xf32>
    %add3A_9 = arith.addf %dot_general3A_5, %add3A : vector<2000x32xf32>
    %slice3A = vector.extract_strided_slice %add3A_9 {offsets = [0, 0], sizes = [2000, 16], strides = [1, 1]} : vector<2000x32xf32> to vector<2000x16xf32>
    %convert_element_type3A = arith.truncf %slice3A : vector<2000x16xf32> to vector<2000x16xbf16>
    %bitcast_convert_type3A = tpu.bitcast %convert_element_type3A : vector<2000x16xbf16> -> vector<2000x16xi16>
    %slice3A_10 = vector.extract_strided_slice %add3A_9 {offsets = [0, 16], sizes = [2000, 16], strides = [1, 1]} : vector<2000x32xf32> to vector<2000x16xf32>
    %convert_element_type3A_11 = arith.truncf %slice3A_10 : vector<2000x16xf32> to vector<2000x16xbf16>
    %bitcast_convert_type3A_12 = tpu.bitcast %convert_element_type3A_11 : vector<2000x16xbf16> -> vector<2000x16xi16>
    %convert_element_type3A_13 = arith.extui %bitcast_convert_type3A : vector<2000x16xi16> to vector<2000x16xi32>
    %convert_element_type3A_14 = arith.extui %bitcast_convert_type3A_12 : vector<2000x16xi16> to vector<2000x16xi32>
    %shift_left3A = arith.constant 16 : i32
    %shift_left3A_15 = vector.broadcast %shift_left3A : i32 to vector<2000x16xi32>
    %shift_left3A_16 = arith.shli %convert_element_type3A_14, %shift_left3A_15 : vector<2000x16xi32>
    %or3A = arith.ori %convert_element_type3A_13, %shift_left3A_16 : vector<2000x16xi32>
    %swap3A = arith.constant 0 : index
    %swap3A_17 = arith.constant 0 : index
    %swap3A_18 = arith.constant 0 : index
    %swap3A_19 = vector.load %arg6[%swap3A, %swap3A_17, %swap3A_18] : memref<2x2000x16xi32, #tpu.memory_space<vmem>>, vector<1x2000x16xi32>
    %swap3A_20 = vector.shape_cast %swap3A_19 : vector<1x2000x16xi32> to vector<2000x16xi32>
    %swap3A_21 = vector.shape_cast %or3A : vector<2000x16xi32> to vector<1x2000x16xi32>
    tpu.vector_store %arg6[%swap3A, %swap3A_17, %swap3A_18], %swap3A_21 {strides = array<i32>} : memref<2x2000x16xi32, #tpu.memory_space<vmem>>, vector<1x2000x16xi32>,
    %get3A_22 = arith.constant 0 : index
    %get3A_23 = arith.constant 0 : index
    %get3A_24 = vector.load %arg4[%get3A_22, %get3A_23] : memref<128x32xf32, #tpu.memory_space<vmem>>, vector<128x32xf32>
    %dot_general3A_25 = arith.constant dense<0.000000e+00> : vector<2000x32xf32>
    %dot_general3A_26 = tpu.matmul %get3A_1, %get3A_24, %dot_general3A_25 {dimension_numbers = #tpu.dot_dimension_numbers<[1], [0], [0], [1], [0, 0, 1, 1], [], []>, transpose_lhs_hint = false} : vector<2000x128xf32>, vector<128x32xf32>, vector<2000x32xf32> -> vector<2000x32xf32>
    %get3A_27 = arith.constant 0 : index
    %get3A_28 = arith.constant 0 : index
    %get3A_29 = vector.load %arg5[%get3A_27, %get3A_28] : memref<1x32xf32, #tpu.memory_space<vmem>>, vector<1x32xf32>
    %add3A_30 = vector.broadcast %get3A_29 : vector<1x32xf32> to vector<2000x32xf32>
    %add3A_31 = arith.addf %dot_general3A_26, %add3A_30 : vector<2000x32xf32>
    %slice3A_32 = vector.extract_strided_slice %add3A_31 {offsets = [0, 0], sizes = [2000, 16], strides = [1, 1]} : vector<2000x32xf32> to vector<2000x16xf32>
    %convert_element_type3A_33 = arith.truncf %slice3A_32 : vector<2000x16xf32> to vector<2000x16xbf16>
    %bitcast_convert_type3A_34 = tpu.bitcast %convert_element_type3A_33 : vector<2000x16xbf16> -> vector<2000x16xi16>
    %slice3A_35 = vector.extract_strided_slice %add3A_31 {offsets = [0, 16], sizes = [2000, 16], strides = [1, 1]} : vector<2000x32xf32> to vector<2000x16xf32>
    %convert_element_type3A_36 = arith.truncf %slice3A_35 : vector<2000x16xf32> to vector<2000x16xbf16>
    %bitcast_convert_type3A_37 = tpu.bitcast %convert_element_type3A_36 : vector<2000x16xbf16> -> vector<2000x16xi16>
    %convert_element_type3A_38 = arith.extui %bitcast_convert_type3A_34 : vector<2000x16xi16> to vector<2000x16xi32>
    %convert_element_type3A_39 = arith.extui %bitcast_convert_type3A_37 : vector<2000x16xi16> to vector<2000x16xi32>
    %shift_left3A_40 = arith.constant 16 : i32
    %shift_left3A_41 = vector.broadcast %shift_left3A_40 : i32 to vector<2000x16xi32>
    %shift_left3A_42 = arith.shli %convert_element_type3A_39, %shift_left3A_41 : vector<2000x16xi32>
    %or3A_43 = arith.ori %convert_element_type3A_38, %shift_left3A_42 : vector<2000x16xi32>
    %swap3A_44 = arith.constant 1 : index
    %swap3A_45 = arith.constant 0 : index
    %swap3A_46 = arith.constant 0 : index
    %swap3A_47 = vector.load %arg6[%swap3A_44, %swap3A_45, %swap3A_46] : memref<2x2000x16xi32, #tpu.memory_space<vmem>>, vector<1x2000x16xi32>
    %swap3A_48 = vector.shape_cast %swap3A_47 : vector<1x2000x16xi32> to vector<2000x16xi32>
    %swap3A_49 = vector.shape_cast %or3A_43 : vector<2000x16xi32> to vector<1x2000x16xi32>
    tpu.vector_store %arg6[%swap3A_44, %swap3A_45, %swap3A_46], %swap3A_49 {strides = array<i32>} : memref<2x2000x16xi32, #tpu.memory_space<vmem>>, vector<1x2000x16xi32>,
    return
  }
  func.func @transform_0(%arg0: i32) -> (i32, i32) {
    %c0_i32 = arith.constant 0 : i32
    %c0_i32_0 = arith.constant 0 : i32
    return %arg0, %c0_i32 : i32, i32
  }
  func.func @transform_1(%arg0: i32) -> (i32, i32) {
    %c0_i32 = arith.constant 0 : i32
    %c0_i32_0 = arith.constant 0 : i32
    %c0_i32_1 = arith.constant 0 : i32
    return %c0_i32, %c0_i32_0 : i32, i32
  }
  func.func @transform_2(%arg0: i32) -> (i32, i32) {
    %c0_i32 = arith.constant 0 : i32
    %c0_i32_0 = arith.constant 0 : i32
    %c0_i32_1 = arith.constant 0 : i32
    return %c0_i32, %c0_i32_0 : i32, i32
  }
  func.func @transform_3(%arg0: i32) -> (i32, i32) {
    %c0_i32 = arith.constant 0 : i32
    %c0_i32_0 = arith.constant 0 : i32
    %c0_i32_1 = arith.constant 0 : i32
    return %c0_i32, %c0_i32_0 : i32, i32
  }
  func.func @transform_4(%arg0: i32) -> (i32, i32) {
    %c0_i32 = arith.constant 0 : i32
    %c0_i32_0 = arith.constant 0 : i32
    %c0_i32_1 = arith.constant 0 : i32
    return %c0_i32, %c0_i32_0 : i32, i32
  }
  func.func @transform_5(%arg0: i32) -> (i32, i32, i32) {
    %c0_i32 = arith.constant 0 : i32
    %c0_i32_0 = arith.constant 0 : i32
    %c0_i32_1 = arith.constant 0 : i32
    return %c0_i32, %arg0, %c0_i32_0 : i32, i32, i32
  }
}

</mosaic_0001>

<sc_bundles>
// kernel: kernel.4.cloned.1.call-start
scs
__scs_entry_jumppad:
0x0: {  	(pc) =	sbr.rel $0x88, $3  }
0x1: {  	(tag) =	ssettag $0x0;
	lr =	simm.s32 $0x1  }
0x2: {  	[smem:$0x3F9B] =	sst lr;
	_ =	strace $0xD0000000  }
0x3: {  	_ = 	snop  }
0x4: {  	_ = 	snop  }
0x5: {  	_ = 	snop  }
0x6: {  	_ = 	snop  }
0x7: {  	_ = 	snop  }
__scs_overlays_trampoline_lowered:
0x8: {  	[smem:$0x3FAA] =	sst s0  }
0x9: {  	[smem:$0x3FAB] =	sst s1  }
0xa: {  	[smem:$0x3FAC] =	sst s2  }
0xb: {  	[smem:$0x3FAD] =	sst s3  }
0xc: {  	[smem:$0x3FAE] =	sst s4  }
0xd: {  	[smem:$0x3FAF] =	sst s5  }
0xe: {  	[smem:$0x3FB0] =	sst s6  }
0xf: {  	[smem:$0x3FB1] =	sst s7  }
0x10: {  	[smem:$0x3FB2] =	sst s8  }
0x11: {  	[smem:$0x3FB3] =	sst s9;
	s0 =	simm.s32 @!p0 $0x0  }
0x12: {  	s1 =	sld [smem:$0x3F99];
	s0 =	simm.s32 @p0 $0x1  }
0x13: {  	[smem:$0x3FB4] =	sst s0;
	s0 =	simm.s32 @!p1 $0x0  }
0x14: {  	s2 =	sld [smem:$0x3F98];
	s0 =	simm.s32 @p1 $0x1  }
0x15: {  	[smem:$0x3FB5] =	sst s0;
	s0 =	simm.s32 @!p2 $0x0  }
0x16: {  	s3 =	sld [smem:$0x3FDB];
	s0 =	simm.s32 @p2 $0x1  }
0x17: {  	s4 =	simm.s32 $0x1BF5;
	[smem:$0x3FB7] =	sst s0  }
0x18: {  	s0 =	sld [smem:$0x3F9A];
	_ =	swait.ge [sflag:s4], $0x0  }
0x19: {  	s7 =	sld [smem:$0x3F9B]  }
0x1a: {  	s8 =	sadd.s32 $0xFFFFE003, lr  }
0x1b: {  	s9 =	sadd.s32 $0xFFFFFEF7, lr;
	s5 =	simm.s32 $0xFFFFFFFF;
	p2 =	slt.u32 s8, $0xFFFFF086  }
0x1c: {  	p1 =	slt.u32 s9, $0xF7A;
	s5 =	simm.s32 @!p2 $0x0  }
0x1d: {  	s5 =	simm.s32 @p1 $0x1;
	p0 =	seq.s32 s7, s2  }
0x1e: {  	s7 =	smul.u32 @!p0 $0xF7A, s2;
	p2 =	seq.s32 @!p0 s5, $0x0  }
0x1f: {  	s9 =	smul.u32 $0xF7A, s1;
	s8 =	simm.s32 @!p0 $0x1BF5;
	p2 =	por !p2, p0  }
0x20: {  	[sflag:s8] =	ssyncset.s32 @!p0 $0xFFFFF086;
	s6 =	sadd.s32 @!p0 s3, s7;
	s7 =	simm.s32 @!p0 $0x108  }
0x21: {  	s3 =	sadd.s32 s3, s9;
	s6 =	sadd.s32 @!p0 $0x88, s6;
	s7 =	simm.s32 @p2 $0x1082  }
0x22: {  	[simem:s7], [sflag:s8] =	dma.local @!p0 [hbm:s6], $0xF7A  }
0x23: {  	s9 =	sor.u32 $0xD0000000, s2;
	s6 =	simm.s32 $0x108;
	_ =	swait.ge @!p0 [sflag:s8], $0x0  }
0x24: {  	s3 =	sadd.s32 $0x88, s3;
	s6 =	simm.s32 @!p1 $0x1082;
	[sflag:s4] =	ssyncset.s32 $0xFFFFF086  }
0x25: {  	[simem:s6], [sflag:s4] =	dma.local [hbm:s3], $0xF7A  }
0x26: {  	[smem:$0x3F9B] =	sst s1;
	(tag) =	ssettag s2;
	_ =	strace s9  }
0x27: {  	s1 =	sld [smem:$0x3FAB]  }
0x28: {  	s2 =	sld [smem:$0x3FAC]  }
0x29: {  	s4 =	sld [smem:$0x3FAE]  }
0x2a: {  	p0 =	seq.s32 s5, $0x0;
	s5 =	sld [smem:$0x3FAF]  }
0x2b: {  	s6 =	sld [smem:$0x3FB0]  }
0x2c: {  	s7 =	sld [smem:$0x3FB1]  }
0x2d: {  	s3 =	simm.s32 $0x108;
	s8 =	sld [smem:$0x3FB2]  }
0x2e: {  	s3 =	simm.s32 @!p0 $0x1082;
	s9 =	sld [smem:$0x3FB3]  }
0x2f: {  	lr =	sadd.s32 s0, s3;
	s0 =	sld [smem:$0x3FAA]  }
0x30: {  	s3 =	sld [smem:$0x3FAD]  }
0x31: {  	[smem:$0x3FB6] =	sst s10  }
0x32: {  	s10 =	sld [smem:$0x3FB4];
	_ =	sdelay $0x3  }
0x33: {  	p0 =	seq.s32 s10, $0x1;
	s10 =	sld [smem:$0x3FB6];
	_ =	sdelay $0x3  }
0x34: {  	[smem:$0x3FB6] =	sst s10  }
0x35: {  	s10 =	sld [smem:$0x3FB5];
	_ =	sdelay $0x3  }
0x36: {  	p1 =	seq.s32 s10, $0x1;
	s10 =	sld [smem:$0x3FB6];
	_ =	sdelay $0x3  }
0x37: {  	[smem:$0x3FB6] =	sst s10  }
0x38: {  	s10 =	sld [smem:$0x3FB7]  }
0x39: {  	_ = 	snop;
	(pc) =	sbr.ind lr, $3  }
0x3a: {  	_ = 	snop  }
0x3b: {  	_ = 	snop  }
0x3c: {  	p2 =	seq.s32 s10, $0x1;
	s10 =	sld [smem:$0x3FB6]  }
0x3d: {  	_ =	shalt  }
0x3e: {  	_ =	shalt  }
0x3f: {  	_ =	shalt  }
0x40: {  	_ =	shalt  }
0x41: {  	_ =	shalt  }
0x42: {  	_ =	shalt  }
0x43: {  	_ =	shalt  }
0x44: {  	_ =	shalt  }
0x45: {  	_ =	shalt  }
0x46: {  	_ =	shalt  }
0x47: {  	_ =	shalt  }
0x48: {  	_ =	shalt  }
0x49: {  	_ =	shalt  }
0x4a: {  	_ =	shalt  }
0x4b: {  	_ =	shalt  }
0x4c: {  	_ =	shalt  }
0x4d: {  	_ =	shalt  }
0x4e: {  	_ =	shalt  }
0x4f: {  	_ =	shalt  }
0x50: {  	_ =	shalt  }
0x51: {  	_ =	shalt  }
0x52: {  	_ =	shalt  }
0x53: {  	_ =	shalt  }
0x54: {  	_ =	shalt  }
0x55: {  	_ =	shalt  }
0x56: {  	_ =	shalt  }
0x57: {  	_ =	shalt  }
0x58: {  	_ =	shalt  }
0x59: {  	_ =	shalt  }
0x5a: {  	_ =	shalt  }
0x5b: {  	_ =	shalt  }
0x5c: {  	_ =	shalt  }
0x5d: {  	_ =	shalt  }
0x5e: {  	_ =	shalt  }
0x5f: {  	_ =	shalt  }
0x60: {  	_ =	shalt  }
0x61: {  	_ =	shalt  }
0x62: {  	_ =	shalt  }
0x63: {  	_ =	shalt  }
0x64: {  	_ =	shalt  }
0x65: {  	_ =	shalt  }
0x66: {  	_ =	shalt  }
0x67: {  	_ =	shalt  }
0x68: {  	_ =	shalt  }
0x69: {  	_ =	shalt  }
0x6a: {  	_ =	shalt  }
0x6b: {  	_ =	shalt  }
0x6c: {  	_ =	shalt  }
0x6d: {  	_ =	shalt  }
0x6e: {  	_ =	shalt  }
0x6f: {  	_ =	shalt  }
0x70: {  	_ =	shalt  }
0x71: {  	_ =	shalt  }
0x72: {  	_ =	shalt  }
0x73: {  	_ =	shalt  }
0x74: {  	_ =	shalt  }
0x75: {  	_ =	shalt  }
0x76: {  	_ =	shalt  }
0x77: {  	_ =	shalt  }
0x78: {  	_ =	shalt  }
0x79: {  	_ =	shalt  }
0x7a: {  	_ =	shalt  }
0x7b: {  	_ =	shalt  }
0x7c: {  	_ =	shalt  }
0x7d: {  	_ =	shalt  }
0x7e: {  	_ =	shalt  }
0x7f: {  	_ =	shalt  }
0x80: {  	_ =	shalt  }
0x81: {  	_ =	shalt  }
0x82: {  	_ =	shalt  }
0x83: {  	_ =	shalt  }
0x84: {  	_ =	shalt  }
0x85: {  	_ =	shalt  }
0x86: {  	_ =	shalt  }
0x87: {  	_ =	shalt  }
.Lfunc_end0:
.L_simem_size_0:
called_computation_lowered:
.L_overlay_start_0:
0x88: {  	s2 =	sld [smem:$0x3FD9]  }
0x89: {  	s3 =	sld [smem:$0x3FFE];
	_ =	sdelay $0x1  }
0x8a: {  	s1 =	srdreg.scid  }
0x8b: {  	s0 =	sand.u32 $0x1, s1  }
0x8c: {  	s17 =	sshll.u32 s0, $0xA;
	s2 =	sadd.s32 s3, s2  }
0x8d: {  	s2 =	sadd.s32 s2, s17  }
0x8e: {  	[smem:$0x3FC2] =	sst s2  }
0x8f: {  	_ = 	snop  }
0x90: {  	s2 =	sld [smem:$0x3FD0];
	(tm) =	ssettm $0x1  }
0x91: {  	s18 =	sld [smem:$0x3FFB];
	_ =	sdelay $0x3  }
0x92: {  	_ =	strace s18  }
0x93: {  	s3 =	sld [smem:$0x3FFC];
	_ =	sdelay $0x3  }
0x94: {  	_ =	strace s3  }
0x95: {  	s3 =	sld [smem:$0x3FFD];
	_ =	sdelay $0x3  }
0x96: {  	_ =	strace s3  }
0x97: {  	_ =	strace $0x8FFFFFFF  }
0x98: {  	s19 =	sld [smem:$0x3FDB];
	_ =	sdelay $0x1  }
0x99: {  	s4 =	simm.s32 $_scs_section_size  }
0x9a: {  	s5 =	simm.s32 $_size__tile_overlayer_lowered;
	s6 =	simm.s32 $_tile_overlayer_lowered  }
0x9b: {  	s22 =	simm.s32 $0x1BFF;
	s21 =	sshll.u32 s6, $0x1;
	s3 =	sadd.s32 s4, s19  }
0x9c: {  	s7 =	simm.s32 $0x0;
	s20 =	sshll.u32 s5, $0x1;
	s5 =	sadd.s32 s21, s3  }
0x9d: {  	[timem:s7], [sflag:s22] =	dma.local [hbm:s5], s20  }
0x9e: {  	_ =	swait.ge [sflag:s22], s20  }
0x9f: {  	s4 =	ssub.s32 $0x0, s20;
	[sflag:s22] =	ssyncset.done $0x0  }
0xa0: {  	[sflag:s22] =	ssyncadd.s32 s4;
	_ =	sdelay $0x1  }
0xa1: {  	s23 =	simm.s32 $0x1B8B  }
0xa2: {  	_ =	swait.ge [sflag:s23], $0x1  }
0xa3: {  	[sflag:s23] =	ssyncset.done $0x0  }
0xa4: {  	s25 =	simm.s32 $0x1B8E;
	s24 =	sld [smem:$0x3FFE];
	[sflag:s23] =	ssyncadd.s32 $0xFFFFFFFF  }
0xa5: {  	s26 =	simm.s32 $execute0_lowered;
	[smem:$0x3FD2] =	sst s25  }
0xa6: {  	s5 =	sshll.u32 s26, $0x1;
	_ =	strace $0x80000046;
	[dreg:$0x1] =	wrdreg $0xFFFFFFFF  }
0xa7: {  	s28 =	simm.s32 $_size_execute0_lowered;
	s3 =	sadd.s32 s3, s5;
	[dreg:$0x0] =	wrdreg $0x0  }
0xa8: {  	s5 =	sshll.u32 s28, $0x1;
	[dreg:$0x2] =	wrdreg s3  }
0xa9: {  	[dreg:$0x3] =	wrdreg s5  }
0xaa: {  	[dreg:$0x4] =	wrdreg $0xC0  }
0xab: {  	_ =	task [dreg:s7], $0x5FFFF  }
0xac: {  	[dreg:$0x1] =	wrdreg $0xFFFFFFFF  }
0xad: {  	[dreg:$0x0] =	wrdreg $0x60  }
0xae: {  	[dreg:$0x2] =	wrdreg s2  }
0xaf: {  	[dreg:$0x3] =	wrdreg s24  }
0xb0: {  	[dreg:$0x4] =	wrdreg $0x75300  }
0xb1: {  	[dreg:$0x5] =	wrdreg $0x138800  }
0xb2: {  	[dreg:$0x6] =	wrdreg $0x9  }
0xb3: {  	_ =	task.clear_ibuf [dreg:s7], $0x7FFFF;
	_ =	strace $0x90000046  }
0xb4: {  	s29 =	simm.s32 $0x9;
	_ =	strace $0x80000048  }
0xb5: {  	_ =	swait.ge [sflag:s29], $0x1  }
0xb6: {  	[sflag:s29] =	ssyncadd.s32 $0xFFFFFFFF  }
0xb7: {  	_ =	strace $0x90000048  }
0xb8: {  	_ =	sfence  }
0xb9: {  	s30 =	sld [smem:$0x0];
	_ =	sdelay $0x2  }
0xba: {  	s31 =	sshll.u32 s1, $0xD;
	s1 =	sshrl.u32 s1, $0x2  }
0xbb: {  	s3 =	sand.u32 $0x4000, s31;
	s1 =	sadd.s32 s1, s30  }
0xbc: {  	s0 =	sor.u32 s3, s0;
	s1 =	sshll.u32 s1, $0x11  }
0xbd: {  	s0 =	sor.u32 s1, s0  }
0xbe: {  	s0 =	sadd.s32 $0x8F2B, s0  }
0xbf: {  	[sflag:s0] =	ssyncadd.remote.s32 $0x1  }
0xc0: {  	_ =	sfence.sel $0xFFFF  }
0xc1: {  	[dreg:$0x0] =	wrdreg $0xFFFFFFFF;
	(pc) =	sbr.abs _section_cstart, $3  }
0xc2: {  	[dreg:$0x1] =	wrdreg $0xFFFFFFFF  }
0xc3: {  	_ =	task.clear_ibuf [dreg:s7], $0x2FFFF;
	_ =	strace $0x9FFFFFFF  }
0xc4: {  	(tm) =	ssettm $0x7FFFFFFF  }
0xc5: {  	_ =	shalt  }
tec
execute0_lowered:
.L_overlay_start_1:
0x0: {  	(tag) =	ssettag $0x1  }
0x1: {  	v1 =	vimm.s32 $0xFEDCBA9;
	v0 =	vlaneseq.u32  }
0x2: {  	v3 =	vimm.s32 $0x87654321;
	v4 =	vimm.s32 $0x98765432;
	v5 =	vimm.s32 $0x210FEDCB  }
0x3: {  	v6 =	vimm.s32 $0xA9876543;
	v16 =	vimm.s32 $0xCBA98765;
	v18 =	vimm.s32 $0x6543210F  }
0x4: {  	v19 =	vimm.s32 $0xEDCBA987;
	v20 =	vimm.s32 $0xFEDCBA98;
	v21 =	vimm.s32 $0x76543210  }
0x5: {  	v2 =	vunpack.c.l.s4.s8 v1;
	v1 =	vmul.u32 $0x10, v0;
	v4 =	vunpack.c.l.s4.s8 v4  }
0x6: {  	v5 =	vunpack.c.l.s4.s8 v5;
	v18 =	vunpack.c.l.s4.s8 v18;
	v19 =	vunpack.c.l.s4.s8 v19  }
0x7: {  	v20 =	vunpack.c.l.s4.s8 v20;
	v8 =	vunpack.c.0.s8.s32 v2;
	v2 =	vunpack.c.l.s4.s8 v3  }
0x8: {  	v3 =	vimm.s32 $0x10FEDCBA;
	v11 =	vunpack.c.0.s8.s32 v4;
	v12 =	vunpack.c.0.s8.s32 v5  }
0x9: {  	v18 =	vunpack.c.0.s8.s32 v18;
	v19 =	vunpack.c.0.s8.s32 v19;
	v3 =	vunpack.c.l.s4.s8 v3  }
0xa: {  	v20 =	vunpack.c.0.s8.s32 v20;
	v9 =	vunpack.c.0.s8.s32 v2;
	v2 =	vunpack.c.l.s4.s8 v6  }
0xb: {  	v24 =	vcombine.low v19, v18;
	v10 =	vunpack.c.0.s8.s32 v3;
	v3 =	vimm.s32 $0x3210FEDC  }
0xc: {  	v20 =	vand.u32 $0xF, v20;
	v13 =	vunpack.c.0.s8.s32 v2;
	v2 =	vunpack.c.l.s4.s8 v3  }
0xd: {  	v3 =	vimm.s32 $0xBA987654;
	v4 =	vcombine.low v9, v8;
	v63 =	vcombine.low v8, v9  }
0xe: {  	s0 =	rddreg [dreg:$0x0];
	v9 =	vand.u32 $0xF, v24;
	v5 =	vcombine.low v11, v10;
	v3 =	vunpack.c.l.s4.s8 v3  }
0xf: {  	s2 =	rddreg [dreg:$0x1];
	v11 =	vcombine.low v10, v11;
	v6 =	vcombine.low v13, v12;
	v14 =	vunpack.c.0.s8.s32 v2  }
0x10: {  	s1 =	rddreg [dreg:$0x2];
	v2 =	vimm.s32 $0x43210FED;
	v12 =	vcombine.low v12, v13;
	v15 =	vunpack.c.0.s8.s32 v3  }
0x11: {  	s3 =	rddreg [dreg:$0x3];
	s4 =	simm.s32 $0x0;
	v7 =	vunpack.c.l.s4.s8 v2;
	v3 =	vand.u32 $0xF, v5;
	v5 =	vunpack.c.l.s4.s8 v16  }
0x12: {  	s5 =	srdreg.scid;
	s11 =	stileid.u32;
	s13 =	simm.s32 $0x7D0;
	v10 =	vand.u32 $0xF, v63;
	v2 =	vand.u32 $0xF, v4;
	v11 =	vand.u32 $0xF, v11  }
0x13: {  	s14 =	simm.s32 $0x190;
	s15 =	simm.s32 $0xFA0;
	s16 =	simm.s32 $0x41A0;
	v4 =	vand.u32 $0xF, v6;
	v16 =	vunpack.c.0.s8.s32 v7;
	v17 =	vunpack.c.0.s8.s32 v5  }
0x14: {  	s12 =	simm.s32 $0x3;
	s17 =	simm.s32 $0x28A0;
	s18 =	simm.s32 $0x5AA0;
	v5 =	vimm.s32 $0x543210FE;
	v7 =	vimm.s32 $0xDCBA9876;
	v13 =	vcombine.low v14, v15  }
0x15: {  	s19 =	simm.s32 $0x1;
	s20 =	simm.s32 $0x2;
	s21 =	simm.s32 $0x73A0;
	v12 =	vand.u32 $0xF, v12;
	v5 =	vunpack.c.l.s4.s8 v5;
	v7 =	vunpack.c.l.s4.s8 v7  }
0x16: {  	s23 =	simm.s32 $0x0;
	s24 =	simm.s32 $0x0;
	[smem:$0x7FF] =	sst s4;
	v6 =	vcombine.low v15, v14;
	v14 =	vcombine.low v16, v17;
	v13 =	vand.u32 $0xF, v13  }
0x17: {  	s6 =	sand.u32 $0x1, s5;
	s8 =	sshll.u32 s11, $0x1;
	s5 =	sadd.s32 $0x24AC00, s2;
	v22 =	vunpack.c.0.s8.s32 v5;
	v23 =	vunpack.c.0.s8.s32 v7;
	v7 =	vunpack.c.l.s4.s8 v21  }
0x18: {  	p0 =	seq.s32 s11, $0x1;
	s10 =	sshrl.u32 s3, $0x3;
	s7 =	ssub.s32 $0x2, s6;
	v5 =	vand.u32 $0xF, v6;
	v6 =	vcombine.low v17, v16;
	v16 =	vcombine.low v18, v19  }
0x19: {  	p1 =	sne.s32 s11, $0x0;
	_ =	strace $0x80000047;
	s9 =	sshrl.u32 s7, $0x1;
	v7 =	vunpack.c.0.s8.s32 v7;
	v62 =	vcombine.low v23, v22;
	v15 =	vcombine.low v22, v23  }
0x1a: {  	s8 =	sor.u32 s6, s8;
	s6 =	sadd.s32 $0xC00, s2;
	s31 =	ssub.s32 s7, s9;
	v14 =	vand.u32 $0xF, v14;
	v6 =	vand.u32 $0xF, v6;
	v16 =	vand.u32 $0xF, v16  }
0x1b: {  	s7 =	smul.u32 $0xC350, s8;
	s8 =	sadd.s32 $0x186A0, s0;
	s9 =	smax.u32 s31, $0x1;
	v7 =	vcombine.low v20, v7;
	v8 =	vand.u32 $0xF, v62;
	v15 =	vand.u32 $0xF, v15  }
.LBB2_1:
.Ltmp0:
0x1c: {  	(pc) =	sbr.rel @p0 .LBB2_4-.Ltmp0, $1  }
0x1d: {  	_ =	sdelay $0x3  }
.Ltmp1:
0x1e: {  	(pc) =	sbr.rel @p1 .LBB2_6-.Ltmp1, $1  }
0x1f: {  	_ =	sdelay $0x3  }
.Ltmp2:
0x20: {  	(pc) =	sbr.rel .LBB2_5-.Ltmp2, $3  }
0x21: {  	_ =	sdelay $0x1  }
0x22: {  	s2 =	sshrl.u32 s1, $0x3;
	s11 =	simm.s32 $0x1C03  }
0x23: {  	[spmem:s2], [sflag:s11] =	dma.local [hbm:s0], $0x186A0  }
.LBB2_4:
0x24: {  	s2 =	simm.s32 $0x1C43  }
0x25: {  	[spmem:s10], [sflag:s2] =	dma.local [hbm:s8], $0x186A0  }
.LBB2_5:
0x26: {  	_ =	swait.ge [sflag:s12], $0x186A0  }
0x27: {  	[sflag:s12] =	ssyncset.done $0x0  }
0x28: {  	[sflag:s12] =	ssyncadd.s32 $0xFFFE7960  }
.LBB2_6:
0x29: {  	[bflag:$0x0] =	sbarrier.arrive $0xFFFF;
	s25 =	simm.s32 $0x0  }
.LBB2_7:
0x2a: {  	s2 =	smul.u32 $0x7D0, s25;
	_ =	sdelay $0x1  }
0x2b: {  	s28 =	sadd.s32 s7, s2  }
0x2c: {  	s26 =	sshrl.u32 s28, $0x3  }
0x2d: {  	s31 =	sadd.s32 s5, s26  }
0x2e: {  	s11 =	sadd.s32 $0x30D40, s31  }
0x2f: {  	[tilespmem:s24], [sflag:$0x3] =	stream.linear.gather [hbm4b:s11+s24], $0x7D0, $0x38;
	[tilespmem:$0x1FBD0] =	vst v63  }
0x30: {  	_ =	swait.ge [sflag:s12], $0x7D0  }
0x31: {  	[sflag:s12] =	ssyncset.done $0x0  }
0x32: {  	s2 =	sadd.s32 $0x61A80, s31;
	[sflag:s12] =	ssyncadd.s32 $0xFFFFF830  }
0x33: {  	[tilespmem:s13], [sflag:$0x3] =	stream.linear.gather [hbm4b:s2+s24], $0x7D0, $0x38;
	[tilespmem:$0x1FBD0] =	vst v63  }
0x34: {  	_ =	swait.ge [sflag:s12], $0x7D0  }
0x35: {  	[sflag:s12] =	ssyncset.done $0x0  }
0x36: {  	[sflag:s12] =	ssyncadd.s32 $0xFFFFF830  }
0x37: {  	[tilespmem:s15], [sflag:$0x1] =	stream.indirect.gather [spmem:s1], $0x10, s24, s14, $0xb8;
	[tilespmem:$0x1FBD0] =	vst v63  }
0x38: {  	p3 =	por $0x1, $0x1;
	s30 =	simm.s32 $0x0  }
0x39: {  	[tilespmem:s16], [sflag:$0x1] =	stream.indirect.gather [spmem:s3], $0x10, s13, s14, $0xb8;
	[tilespmem:$0x1FBD0] =	vst v63  }
.LBB2_8:
0x3a: {  	s29 =	sadd.s32 $0x190, s30;
	s2 =	simm.s32 $0x0  }
0x3b: {  	[tilespmem:s17], [sflag:$0x2] =	stream.indirect.gather [spmem:s1], $0x10, s29, s14, $0xb8;
	[tilespmem:$0x1FBD0] =	vst v63  }
0x3c: {  	s11 =	sadd.s32 $0x960, s30;
	v17 =	vmov s2  }
0x3d: {  	v17 =	vshll.u32 v17, $0x4;
	[tilespmem:s18], [sflag:$0x2] =	stream.indirect.gather [spmem:s3], $0x10, s11, s14, $0xb8;
	[tilespmem:$0x1FBD0] =	vst v63  }
0x3e: {  	v20 =	vor.u32 v1, v17;
	_ =	swait.ge [sflag:s19], $0x1900  }
0x3f: {  	v17 =	vor.u32 v0, v20;
	[sflag:s19] =	ssyncset.done $0x0  }
0x40: {  	v18 =	vor.u32 v2, v20;
	[sflag:s19] =	ssyncadd.s32 $0xFFFFE700  }
0x41: {  	v21 =	vor.u32 v9, v20;
	_ =	swait.ge [sflag:s19], $0x1900  }
0x42: {  	v19 =	vor.u32 v12, v20;
	[sflag:s19] =	ssyncset.done $0x0  }
0x43: {  	[sflag:s19] =	ssyncadd.s32 $0xFFFFE700  }
0x44: {  	v22 =	vor.u32 v5, v20;
	v23 =	vld.idx.msk [tilespmem:v17+s15+$0x0], $0xffff  }
0x45: {  	v24 =	vld.idx.msk [tilespmem:v18+s15+$0x0], $0xffff  }
0x46: {  	v25 =	vor.u32 v8, v20;
	v30 =	vld.idx.msk [tilespmem:v21+s15+$0x0], $0xffff  }
0x47: {  	v26 =	vld.idx.msk [tilespmem:v19+s15+$0x0], $0xffff  }
0x48: {  	v27 =	vld.idx.msk [tilespmem:v19+s16+$0x0], $0xffff  }
0x49: {  	v29 =	vor.u32 v4, v20;
	v28 =	vld.idx.msk [tilespmem:v22+s16+$0x0], $0xffff  }
0x4a: {  	v22 =	vld.idx.msk [tilespmem:v22+s15+$0x0], $0xffff  }
0x4b: {  	v31 =	vld.idx.msk [tilespmem:v25+s15+$0x0], $0xffff  }
0x4c: {  	v25 =	vld.idx.msk [tilespmem:v25+s16+$0x0], $0xffff  }
0x4d: {  	v37 =	vor.u32 v6, v20;
	v32 =	vld.idx.msk [tilespmem:v18+s16+$0x0], $0xffff  }
0x4e: {  	v19 =	vor.u32 v3, v20;
	v35 =	vld.idx.msk [tilespmem:v29+s15+$0x0], $0xffff  }
0x4f: {  	v36 =	vld.idx.msk [tilespmem:v17+s16+$0x0], $0xffff  }
0x50: {  	v39 =	vor.u32 v7, v20;
	v29 =	vld.idx.msk [tilespmem:v29+s16+$0x0], $0xffff  }
0x51: {  	v40 =	vld.idx.msk [tilespmem:v21+s16+$0x0], $0xffff  }
0x52: {  	v41 =	vor.u32 v10, v20;
	v59 =	vld.idx.msk [tilespmem:v37+s16+$0x0], $0xffff  }
0x53: {  	v34 =	vld.idx.msk [tilespmem:v19+s16+$0x0], $0xffff  }
0x54: {  	v33 =	vor.u32 v11, v20;
	v42 =	vor.u32 v13, v20;
	v38 =	vld.idx.msk [tilespmem:v19+s15+$0x0], $0xffff;
	v28 =	vmul.bf16 v28, v22  }
0x55: {  	v43 =	vor.u32 v15, v20;
	v61 =	vld.idx.msk [tilespmem:v39+s15+$0x0], $0xffff;
	v21 =	vmul.bf16 v25, v31;
	v18 =	vmul.bf16 v27, v26  }
0x56: {  	v17 =	vor.u32 v14, v20;
	v62 =	vld.idx.msk [tilespmem:v39+s16+$0x0], $0xffff;
	v23 =	vmul.bf16 v36, v23;
	v24 =	vmul.bf16 v32, v24  }
0x57: {  	v44 =	vld.idx.msk [tilespmem:v41+s16+$0x0], $0xffff;
	v22 =	vor.u32 v16, v20;
	v35 =	vmul.bf16 v29, v35;
	v31 =	vunpack.i.l.bf16.f32 v28  }
0x58: {  	v25 =	vld.idx.msk [tilespmem:v37+s15+$0x0], $0xffff;
	v60 =	vunpack.i.l.bf16.f32 v21;
	v27 =	vunpack.i.l.bf16.f32 v23;
	v21 =	vunpack.i.u.bf16.f32 v21  }
0x59: {  	v41 =	vld.idx.msk [tilespmem:v41+s15+$0x0], $0xffff;
	v32 =	vunpack.i.l.bf16.f32 v24;
	v20 =	vunpack.i.u.bf16.f32 v28;
	v26 =	vmul.bf16 v34, v38  }
0x5a: {  	v19 =	vld.idx.msk [tilespmem:v33+s16+$0x0], $0xffff;
	v23 =	vunpack.i.u.bf16.f32 v23;
	v29 =	vunpack.i.l.bf16.f32 v35;
	v27 =	vadd.f32 $0.0e+00, v27  }
0x5b: {  	v28 =	vadd.f32 $0.0e+00, v32;
	v32 =	vadd.f32 $0.0e+00, v29;
	v29 =	vld.idx.msk [tilespmem:v43+s16+$0x0], $0xffff;
	v63 =	vunpack.i.l.bf16.f32 v26  }
0x5c: {  	v24 =	vunpack.i.u.bf16.f32 v24;
	v23 =	vadd.f32 v27, v23;
	v27 =	vld.idx.msk [tilespmem:v43+s15+$0x0], $0xffff;
	v39 =	vadd.f32 $0.0e+00, v63  }
0x5d: {  	v36 =	vunpack.i.u.bf16.f32 v35;
	v45 =	vunpack.i.u.bf16.f32 v26;
	v26 =	vld.idx.msk [tilespmem:v33+s15+$0x0], $0xffff;
	v33 =	vmul.bf16 v59, v25  }
0x5e: {  	v46 =	vadd.f32 v28, v24;
	v34 =	vmul.bf16 v40, v30;
	v30 =	vld.idx.msk [tilespmem:v42+s15+$0x0], $0xffff;
	v39 =	vadd.f32 v39, v45  }
0x5f: {  	p2 =	por p3, p3;
	v35 =	vmul.bf16 v44, v41;
	v28 =	vadd.f32 v31, v23;
	v23 =	vld.idx.msk [tilespmem:v22+s15+$0x0], $0xffff;
	v31 =	vunpack.i.l.bf16.f32 v33  }
0x60: {  	s31 =	simm.s32 $0x73A0;
	s2 =	simm.s32 $0x73A0;
	s11 =	simm.s32 $0x10;
	v24 =	vmul.bf16 v62, v61;
	v25 =	vld.idx.msk [tilespmem:v42+s16+$0x0], $0xffff;
	v31 =	vadd.f32 v31, v46;
	v37 =	vadd.f32 v60, v39  }
.LBB2_9:
0x61: {  	p3 =	sne.s32 s11, $0x180  }
0x62: {  	v32 =	vadd.f32 v32, v36;
	v33 =	vunpack.i.u.bf16.f32 v33;
	v36 =	vunpack.i.l.bf16.f32 v34;
	v22 =	vld.idx.msk [tilespmem:v22+s16+$0x0], $0xffff;
	s2 =	sadd.s32 $0x10, s2;
	s22 =	smov.u32 s11;
	s11 =	sadd.s32 $0x10, s11  }
0x63: {  	v19 =	vmul.bf16 v19, v26;
	v21 =	vadd.f32 v37, v21;
	v37 =	vunpack.i.l.bf16.f32 v35  }
0x64: {  	v26 =	vunpack.i.u.bf16.f32 v34;
	v34 =	vunpack.i.l.bf16.f32 v24;
	v27 =	vmul.bf16 v29, v27;
	v38 =	vld.idx.msk [tilespmem:v17+s15+$0x0], $0xffff  }
0x65: {  	v29 =	vadd.f32 v36, v32;
	v32 =	vunpack.i.u.bf16.f32 v35;
	v35 =	vunpack.i.u.bf16.f32 v19;
	v17 =	vld.idx.msk [tilespmem:v17+s16+$0x0], $0xffff  }
0x66: {  	v20 =	vadd.f32 v28, v20;
	v28 =	vunpack.i.l.bf16.f32 v18;
	v19 =	vunpack.i.l.bf16.f32 v19  }
0x67: {  	v24 =	vunpack.i.u.bf16.f32 v24;
	v31 =	vadd.f32 v31, v33;
	v26 =	vadd.f32 v29, v26  }
0x68: {  	v20 =	vadd.f32 v34, v20;
	v25 =	vmul.bf16 v25, v30;
	v22 =	vmul.bf16 v22, v23  }
0x69: {  	v18 =	vunpack.i.u.bf16.f32 v18;
	v23 =	vadd.f32 v37, v31;
	v26 =	vadd.f32 v28, v26  }
0x6a: {  	v20 =	vadd.f32 v20, v24;
	v24 =	vunpack.i.l.bf16.f32 v25;
	v28 =	vunpack.i.l.bf16.f32 v22  }
0x6b: {  	v29 =	vunpack.i.l.bf16.f32 v27;
	v23 =	vadd.f32 v23, v32;
	v17 =	vmul.bf16 v17, v38  }
0x6c: {  	v25 =	vunpack.i.u.bf16.f32 v25;
	v22 =	vunpack.i.u.bf16.f32 v22;
	v18 =	vadd.f32 v26, v18  }
0x6d: {  	v20 =	vadd.f32 v24, v20;
	v26 =	vunpack.i.u.bf16.f32 v27;
	v24 =	vunpack.i.l.bf16.f32 v17  }
0x6e: {  	v19 =	vadd.f32 v19, v21;
	v18 =	vadd.f32 v28, v18  }
0x6f: {  	v20 =	vadd.f32 v20, v25;
	v21 =	vadd.f32 v24, v23  }
0x70: {  	v19 =	vadd.f32 v19, v35;
	v17 =	vunpack.i.u.bf16.f32 v17;
	v18 =	vadd.f32 v18, v22  }
0x71: {  	v17 =	vadd.f32 v21, v17  }
0x72: {  	v19 =	vadd.f32 v29, v19  }
0x73: {  	v21 =	vmov s22;
	v20 =	vadd.f32 v17, v20  }
0x74: {  	v19 =	vadd.f32 v19, v26;
	v17 =	vshll.u32 v21, $0x4  }
0x75: {  	v22 =	vor.u32 v1, v17  }
0x76: {  	v18 =	vadd.f32 v18, v19;
	v21 =	vor.u32 v0, v22;
	v23 =	vor.u32 v2, v22  }
0x77: {  	v24 =	vor.u32 v4, v22;
	v19 =	vor.u32 v5, v22;
	v17 =	vor.u32 v14, v22  }
0x78: {  	v25 =	vor.u32 v9, v22;
	v26 =	vor.u32 v7, v22;
	v18 =	vadd.f32 v18, v20  }
0x79: {  	v20 =	vor.u32 v12, v22;
	v30 =	vor.u32 v13, v22;
	v28 =	vor.u32 v15, v22  }
0x7a: {  	[tilespmem:s31+$0x0] =	vst v18;
	s31 =	smov.u32 s2  }
0x7b: {  	v29 =	vor.u32 v3, v22;
	v18 =	vor.u32 v8, v22;
	v27 =	vld.idx.msk [tilespmem:v21+s15+$0x0], $0xffff  }
0x7c: {  	v31 =	vld.idx.msk [tilespmem:v23+s15+$0x0], $0xffff  }
0x7d: {  	v34 =	vld.idx.msk [tilespmem:v25+s15+$0x0], $0xffff  }
0x7e: {  	v32 =	vld.idx.msk [tilespmem:v20+s15+$0x0], $0xffff  }
0x7f: {  	v20 =	vld.idx.msk [tilespmem:v20+s16+$0x0], $0xffff  }
0x80: {  	v33 =	vld.idx.msk [tilespmem:v19+s16+$0x0], $0xffff  }
0x81: {  	v35 =	vld.idx.msk [tilespmem:v19+s15+$0x0], $0xffff  }
0x82: {  	v19 =	vld.idx.msk [tilespmem:v18+s15+$0x0], $0xffff  }
0x83: {  	v36 =	vld.idx.msk [tilespmem:v18+s16+$0x0], $0xffff  }
0x84: {  	v37 =	vor.u32 v11, v22;
	v23 =	vld.idx.msk [tilespmem:v23+s16+$0x0], $0xffff  }
0x85: {  	v18 =	vmul.bf16 v20, v32;
	v38 =	vld.idx.msk [tilespmem:v29+s16+$0x0], $0xffff  }
0x86: {  	v32 =	vld.idx.msk [tilespmem:v24+s15+$0x0], $0xffff  }
0x87: {  	v20 =	vld.idx.msk [tilespmem:v21+s16+$0x0], $0xffff;
	v21 =	vor.u32 v6, v22  }
0x88: {  	v29 =	vld.idx.msk [tilespmem:v29+s15+$0x0], $0xffff  }
0x89: {  	v36 =	vmul.bf16 v36, v19;
	v19 =	vld.idx.msk [tilespmem:v37+s16+$0x0], $0xffff  }
0x8a: {  	v24 =	vld.idx.msk [tilespmem:v24+s16+$0x0], $0xffff  }
0x8b: {  	v33 =	vmul.bf16 v33, v35;
	v35 =	vor.u32 v10, v22;
	v25 =	vld.idx.msk [tilespmem:v25+s16+$0x0], $0xffff  }
0x8c: {  	v39 =	vld.idx.msk [tilespmem:v21+s15+$0x0], $0xffff  }
0x8d: {  	v40 =	vunpack.i.l.bf16.f32 v33;
	v27 =	vmul.bf16 v20, v27;
	v41 =	vld.idx.msk [tilespmem:v21+s16+$0x0], $0xffff  }
0x8e: {  	v23 =	vmul.bf16 v23, v31;
	v29 =	vmul.bf16 v38, v29;
	v38 =	vunpack.i.l.bf16.f32 v36;
	v31 =	vld.idx.msk [tilespmem:v26+s15+$0x0], $0xffff  }
0x8f: {  	v22 =	vor.u32 v16, v22;
	v21 =	vunpack.i.u.bf16.f32 v36;
	v42 =	vunpack.i.l.bf16.f32 v27;
	v36 =	vld.idx.msk [tilespmem:v26+s16+$0x0], $0xffff  }
0x90: {  	v20 =	vunpack.i.u.bf16.f32 v33;
	v26 =	vunpack.i.l.bf16.f32 v23;
	v43 =	vunpack.i.l.bf16.f32 v29;
	v44 =	vld.idx.msk [tilespmem:v35+s16+$0x0], $0xffff  }
0x91: {  	v33 =	vadd.f32 $0.0e+00, v42;
	v23 =	vunpack.i.u.bf16.f32 v23;
	v42 =	vmul.bf16 v24, v32;
	v35 =	vld.idx.msk [tilespmem:v35+s15+$0x0], $0xffff  }
0x92: {  	v24 =	vunpack.i.u.bf16.f32 v27;
	v45 =	vunpack.i.u.bf16.f32 v29;
	v32 =	vadd.f32 $0.0e+00, v26;
	v26 =	vld.idx.msk [tilespmem:v37+s15+$0x0], $0xffff  }
.Ltmp3:
0x93: {  	v24 =	vadd.f32 v33, v24;
	v29 =	vunpack.i.l.bf16.f32 v42;
	v37 =	vadd.f32 $0.0e+00, v43;
	v27 =	vld.idx.msk [tilespmem:v28+s15+$0x0], $0xffff;
	(pc) =	sbr.rel @p3 .LBB2_9-.Ltmp3, $4  }
0x94: {  	v43 =	vadd.f32 v32, v23;
	v32 =	vadd.f32 $0.0e+00, v29;
	v33 =	vmul.bf16 v41, v39;
	v29 =	vld.idx.msk [tilespmem:v28+s16+$0x0], $0xffff  }
0x95: {  	v37 =	vadd.f32 v37, v45;
	v28 =	vadd.f32 v40, v24;
	v24 =	vmul.bf16 v36, v31;
	v23 =	vld.idx.msk [tilespmem:v22+s15+$0x0], $0xffff  }
0x96: {  	v34 =	vmul.bf16 v25, v34;
	v36 =	vunpack.i.u.bf16.f32 v42;
	v31 =	vunpack.i.l.bf16.f32 v33;
	v25 =	vld.idx.msk [tilespmem:v30+s16+$0x0], $0xffff  }
0x97: {  	v31 =	vadd.f32 v31, v43;
	v37 =	vadd.f32 v38, v37;
	v35 =	vmul.bf16 v44, v35;
	v30 =	vld.idx.msk [tilespmem:v30+s15+$0x0], $0xffff  }
0x98: {  	_ =	sdelay $0x1  }
0x99: {  	v32 =	vadd.f32 v32, v36;
	v33 =	vunpack.i.u.bf16.f32 v33  }
0x9a: {  	v47 =	vunpack.i.l.bf16.f32 v34;
	v19 =	vmul.bf16 v19, v26;
	v26 =	vunpack.i.u.bf16.f32 v34  }
0x9b: {  	v22 =	vld.idx.msk [tilespmem:v22+s16+$0x0], $0xffff;
	v49 =	vunpack.i.l.bf16.f32 v24;
	v20 =	vadd.f32 v28, v20;
	v28 =	vunpack.i.l.bf16.f32 v18  }
0x9c: {  	v51 =	vld.idx.msk [tilespmem:v17+s15+$0x0], $0xffff;
	v24 =	vunpack.i.u.bf16.f32 v24;
	v18 =	vunpack.i.u.bf16.f32 v18;
	v21 =	vadd.f32 v37, v21  }
0x9d: {  	v17 =	vld.idx.msk [tilespmem:v17+s16+$0x0], $0xffff;
	v48 =	vunpack.i.l.bf16.f32 v35;
	v27 =	vmul.bf16 v29, v27;
	v31 =	vadd.f32 v31, v33  }
0x9e: {  	v29 =	vadd.f32 v47, v32;
	v52 =	vunpack.i.u.bf16.f32 v19;
	v19 =	vunpack.i.l.bf16.f32 v19  }
0x9f: {  	v50 =	vunpack.i.u.bf16.f32 v35;
	v20 =	vadd.f32 v49, v20;
	v19 =	vadd.f32 v19, v21  }
0xa0: {  	v21 =	vunpack.i.l.bf16.f32 v27;
	v26 =	vadd.f32 v29, v26;
	v25 =	vmul.bf16 v25, v30  }
0xa1: {  	v20 =	vadd.f32 v20, v24;
	v22 =	vmul.bf16 v22, v23;
	v23 =	vadd.f32 v48, v31  }
0xa2: {  	v17 =	vmul.bf16 v17, v51;
	v19 =	vadd.f32 v19, v52;
	v26 =	vadd.f32 v28, v26  }
0xa3: {  	v24 =	vunpack.i.l.bf16.f32 v25;
	v25 =	vunpack.i.u.bf16.f32 v25;
	v28 =	vunpack.i.l.bf16.f32 v22  }
0xa4: {  	v23 =	vadd.f32 v23, v50;
	v22 =	vunpack.i.u.bf16.f32 v22;
	v18 =	vadd.f32 v26, v18  }
0xa5: {  	v20 =	vadd.f32 v24, v20;
	v24 =	vunpack.i.l.bf16.f32 v17;
	v19 =	vadd.f32 v21, v19  }
0xa6: {  	v26 =	vunpack.i.u.bf16.f32 v27;
	v23 =	vadd.f32 v24, v23;
	v18 =	vadd.f32 v28, v18  }
0xa7: {  	v17 =	vunpack.i.u.bf16.f32 v17;
	v20 =	vadd.f32 v20, v25;
	v19 =	vadd.f32 v19, v26  }
0xa8: {  	v17 =	vadd.f32 v23, v17;
	v18 =	vadd.f32 v18, v22;
	_ =	sdelay $0x1  }
0xa9: {  	v17 =	vadd.f32 v17, v20;
	v18 =	vadd.f32 v18, v19;
	_ =	sdelay $0x1  }
0xaa: {  	s2 =	sadd.s32 s28, s30;
	v17 =	vadd.f32 v18, v17  }
0xab: {  	s2 =	sshrl.u32 s2, $0x3  }
0xac: {  	s11 =	simm.s32 $0x0;
	s2 =	sadd.s32 s6, s2;
	[tilespmem:s31+$0x0] =	vst v17;
	s31 =	simm.s32 $0x73A0  }
0xad: {  	[hbm4b:s2+s11] =	stream.linear.scatter [tilespmem:s31], [sflag:$0x3], $0x190, $0x38;
	[tilespmem:$0x1FBD0] =	vst v63  }
0xae: {  	_ =	swait.ge [sflag:s12], $0x190  }
0xaf: {  	[sflag:s12] =	ssyncset.done $0x0  }
0xb0: {  	s22 =	sadd.s32 $0x320, s30;
	[sflag:s12] =	ssyncadd.s32 $0xFFFFFE70  }
0xb1: {  	[tilespmem:s15], [sflag:$0x1] =	stream.indirect.gather [spmem:s1], $0x10, s22, s14, $0xb8;
	[tilespmem:$0x1FBD0] =	vst v63  }
0xb2: {  	v17 =	vmov s11;
	s22 =	sadd.s32 $0xAF0, s30  }
0xb3: {  	v17 =	vshll.u32 v17, $0x4;
	[tilespmem:s16], [sflag:$0x1] =	stream.indirect.gather [spmem:s3], $0x10, s22, s14, $0xb8;
	[tilespmem:$0x1FBD0] =	vst v63  }
0xb4: {  	v20 =	vor.u32 v1, v17;
	_ =	swait.ge [sflag:s20], $0x1900  }
0xb5: {  	v17 =	vor.u32 v0, v20;
	[sflag:s20] =	ssyncset.done $0x0  }
0xb6: {  	v18 =	vor.u32 v2, v20;
	[sflag:s20] =	ssyncadd.s32 $0xFFFFE700  }
0xb7: {  	v21 =	vor.u32 v9, v20;
	_ =	swait.ge [sflag:s20], $0x1900  }
0xb8: {  	v19 =	vor.u32 v12, v20;
	[sflag:s20] =	ssyncset.done $0x0  }
0xb9: {  	[sflag:s20] =	ssyncadd.s32 $0xFFFFE700  }
0xba: {  	v22 =	vor.u32 v5, v20;
	v23 =	vld.idx.msk [tilespmem:v17+s17+$0x0], $0xffff  }
0xbb: {  	v24 =	vld.idx.msk [tilespmem:v18+s17+$0x0], $0xffff  }
0xbc: {  	v25 =	vor.u32 v8, v20;
	v29 =	vld.idx.msk [tilespmem:v21+s17+$0x0], $0xffff  }
0xbd: {  	v26 =	vld.idx.msk [tilespmem:v19+s17+$0x0], $0xffff  }
0xbe: {  	v27 =	vld.idx.msk [tilespmem:v19+s18+$0x0], $0xffff  }
0xbf: {  	v30 =	vor.u32 v4, v20;
	v28 =	vld.idx.msk [tilespmem:v22+s18+$0x0], $0xffff  }
0xc0: {  	v22 =	vld.idx.msk [tilespmem:v22+s17+$0x0], $0xffff  }
0xc1: {  	v31 =	vld.idx.msk [tilespmem:v25+s17+$0x0], $0xffff  }
0xc2: {  	v25 =	vld.idx.msk [tilespmem:v25+s18+$0x0], $0xffff  }
0xc3: {  	v58 =	vor.u32 v6, v20;
	v53 =	vld.idx.msk [tilespmem:v18+s18+$0x0], $0xffff  }
0xc4: {  	v19 =	vor.u32 v3, v20;
	v56 =	vld.idx.msk [tilespmem:v30+s17+$0x0], $0xffff  }
0xc5: {  	v57 =	vld.idx.msk [tilespmem:v17+s18+$0x0], $0xffff  }
0xc6: {  	v39 =	vor.u32 v7, v20;
	v30 =	vld.idx.msk [tilespmem:v30+s18+$0x0], $0xffff  }
0xc7: {  	v40 =	vld.idx.msk [tilespmem:v21+s18+$0x0], $0xffff  }
0xc8: {  	v41 =	vor.u32 v10, v20;
	v59 =	vld.idx.msk [tilespmem:v58+s18+$0x0], $0xffff  }
0xc9: {  	v55 =	vld.idx.msk [tilespmem:v19+s18+$0x0], $0xffff  }
0xca: {  	v54 =	vor.u32 v11, v20;
	v42 =	vor.u32 v13, v20;
	v38 =	vld.idx.msk [tilespmem:v19+s17+$0x0], $0xffff;
	v28 =	vmul.bf16 v28, v22  }
0xcb: {  	v43 =	vor.u32 v15, v20;
	v61 =	vld.idx.msk [tilespmem:v39+s17+$0x0], $0xffff;
	v21 =	vmul.bf16 v25, v31;
	v18 =	vmul.bf16 v27, v26  }
0xcc: {  	v17 =	vor.u32 v14, v20;
	v62 =	vld.idx.msk [tilespmem:v39+s18+$0x0], $0xffff;
	v23 =	vmul.bf16 v57, v23;
	v24 =	vmul.bf16 v53, v24  }
0xcd: {  	v44 =	vld.idx.msk [tilespmem:v41+s18+$0x0], $0xffff;
	v22 =	vor.u32 v16, v20;
	v35 =	vmul.bf16 v30, v56;
	v34 =	vmul.bf16 v40, v29  }
0xce: {  	v25 =	vld.idx.msk [tilespmem:v58+s17+$0x0], $0xffff;
	v31 =	vunpack.i.l.bf16.f32 v28;
	v60 =	vunpack.i.l.bf16.f32 v21;
	v27 =	vunpack.i.l.bf16.f32 v23  }
0xcf: {  	v41 =	vld.idx.msk [tilespmem:v41+s17+$0x0], $0xffff;
	v21 =	vunpack.i.u.bf16.f32 v21;
	v32 =	vunpack.i.l.bf16.f32 v24;
	v26 =	vmul.bf16 v55, v38  }
0xd0: {  	v19 =	vld.idx.msk [tilespmem:v54+s18+$0x0], $0xffff;
	v20 =	vunpack.i.u.bf16.f32 v28;
	v24 =	vunpack.i.u.bf16.f32 v24;
	v30 =	vunpack.i.l.bf16.f32 v35  }
0xd1: {  	v29 =	vld.idx.msk [tilespmem:v42+s17+$0x0], $0xffff;
	v27 =	vadd.f32 $0.0e+00, v27;
	v28 =	vadd.f32 $0.0e+00, v32;
	v63 =	vunpack.i.l.bf16.f32 v26  }
0xd2: {  	v23 =	vunpack.i.u.bf16.f32 v23;
	v32 =	vadd.f32 $0.0e+00, v30;
	v30 =	vld.idx.msk [tilespmem:v43+s18+$0x0], $0xffff;
	v39 =	vadd.f32 $0.0e+00, v63  }
0xd3: {  	v23 =	vadd.f32 v27, v23;
	v27 =	vld.idx.msk [tilespmem:v43+s17+$0x0], $0xffff;
	v33 =	vmul.bf16 v59, v25;
	v45 =	vunpack.i.u.bf16.f32 v26  }
0xd4: {  	v36 =	vunpack.i.u.bf16.f32 v35;
	v46 =	vadd.f32 v28, v24;
	v26 =	vld.idx.msk [tilespmem:v54+s17+$0x0], $0xffff;
	v39 =	vadd.f32 v39, v45  }
0xd5: {  	v35 =	vmul.bf16 v44, v41;
	v25 =	vld.idx.msk [tilespmem:v42+s18+$0x0], $0xffff;
	v28 =	vadd.f32 v31, v23;
	v31 =	vunpack.i.l.bf16.f32 v33  }
0xd6: {  	s2 =	simm.s32 $0x10;
	s30 =	simm.s32 $0x73A0;
	v24 =	vmul.bf16 v62, v61;
	v23 =	vld.idx.msk [tilespmem:v22+s17+$0x0], $0xffff;
	v31 =	vadd.f32 v31, v46;
	v37 =	vadd.f32 v60, v39  }
.LBB2_11:
0xd7: {  	p3 =	sne.s32 s2, $0x180  }
0xd8: {  	v32 =	vadd.f32 v32, v36;
	v33 =	vunpack.i.u.bf16.f32 v33;
	v36 =	vunpack.i.l.bf16.f32 v34;
	v22 =	vld.idx.msk [tilespmem:v22+s18+$0x0], $0xffff;
	s31 =	sadd.s32 $0x10, s31;
	s11 =	smov.u32 s2;
	s2 =	sadd.s32 $0x10, s2  }
0xd9: {  	v19 =	vmul.bf16 v19, v26;
	v21 =	vadd.f32 v37, v21;
	v37 =	vunpack.i.l.bf16.f32 v35  }
0xda: {  	v26 =	vunpack.i.u.bf16.f32 v34;
	v34 =	vunpack.i.l.bf16.f32 v24;
	v27 =	vmul.bf16 v30, v27;
	v38 =	vld.idx.msk [tilespmem:v17+s17+$0x0], $0xffff  }
0xdb: {  	v30 =	vadd.f32 v36, v32;
	v32 =	vunpack.i.u.bf16.f32 v35;
	v35 =	vunpack.i.u.bf16.f32 v19;
	v17 =	vld.idx.msk [tilespmem:v17+s18+$0x0], $0xffff  }
0xdc: {  	v20 =	vadd.f32 v28, v20;
	v28 =	vunpack.i.l.bf16.f32 v18;
	v19 =	vunpack.i.l.bf16.f32 v19  }
0xdd: {  	v24 =	vunpack.i.u.bf16.f32 v24;
	v31 =	vadd.f32 v31, v33;
	v26 =	vadd.f32 v30, v26  }
0xde: {  	v20 =	vadd.f32 v34, v20;
	v25 =	vmul.bf16 v25, v29;
	v22 =	vmul.bf16 v22, v23  }
0xdf: {  	v18 =	vunpack.i.u.bf16.f32 v18;
	v23 =	vadd.f32 v37, v31;
	v26 =	vadd.f32 v28, v26  }
0xe0: {  	v20 =	vadd.f32 v20, v24;
	v24 =	vunpack.i.l.bf16.f32 v25;
	v28 =	vunpack.i.l.bf16.f32 v22  }
0xe1: {  	v29 =	vunpack.i.l.bf16.f32 v27;
	v23 =	vadd.f32 v23, v32;
	v17 =	vmul.bf16 v17, v38  }
0xe2: {  	v25 =	vunpack.i.u.bf16.f32 v25;
	v22 =	vunpack.i.u.bf16.f32 v22;
	v18 =	vadd.f32 v26, v18  }
0xe3: {  	v20 =	vadd.f32 v24, v20;
	v26 =	vunpack.i.u.bf16.f32 v27;
	v24 =	vunpack.i.l.bf16.f32 v17  }
0xe4: {  	v19 =	vadd.f32 v19, v21;
	v18 =	vadd.f32 v28, v18  }
0xe5: {  	v20 =	vadd.f32 v20, v25;
	v21 =	vadd.f32 v24, v23  }
0xe6: {  	v19 =	vadd.f32 v19, v35;
	v17 =	vunpack.i.u.bf16.f32 v17;
	v18 =	vadd.f32 v18, v22  }
0xe7: {  	v17 =	vadd.f32 v21, v17  }
0xe8: {  	v19 =	vadd.f32 v29, v19  }
0xe9: {  	v21 =	vmov s11;
	v20 =	vadd.f32 v17, v20  }
0xea: {  	v19 =	vadd.f32 v19, v26;
	v17 =	vshll.u32 v21, $0x4  }
0xeb: {  	v22 =	vor.u32 v1, v17  }
0xec: {  	v18 =	vadd.f32 v18, v19;
	v21 =	vor.u32 v0, v22;
	v23 =	vor.u32 v2, v22  }
0xed: {  	v24 =	vor.u32 v4, v22;
	v19 =	vor.u32 v5, v22;
	v17 =	vor.u32 v14, v22  }
0xee: {  	v25 =	vor.u32 v9, v22;
	v26 =	vor.u32 v7, v22;
	v18 =	vadd.f32 v18, v20  }
0xef: {  	v20 =	vor.u32 v12, v22;
	v29 =	vor.u32 v13, v22;
	v28 =	vor.u32 v15, v22  }
0xf0: {  	[tilespmem:s30+$0x0] =	vst v18;
	s30 =	smov.u32 s31  }
0xf1: {  	v30 =	vor.u32 v3, v22;
	v18 =	vor.u32 v8, v22;
	v27 =	vld.idx.msk [tilespmem:v21+s17+$0x0], $0xffff  }
0xf2: {  	v31 =	vld.idx.msk [tilespmem:v23+s17+$0x0], $0xffff  }
0xf3: {  	v34 =	vld.idx.msk [tilespmem:v25+s17+$0x0], $0xffff  }
0xf4: {  	v32 =	vld.idx.msk [tilespmem:v20+s17+$0x0], $0xffff  }
0xf5: {  	v20 =	vld.idx.msk [tilespmem:v20+s18+$0x0], $0xffff  }
0xf6: {  	v33 =	vld.idx.msk [tilespmem:v19+s18+$0x0], $0xffff  }
0xf7: {  	v35 =	vld.idx.msk [tilespmem:v19+s17+$0x0], $0xffff  }
0xf8: {  	v19 =	vld.idx.msk [tilespmem:v18+s17+$0x0], $0xffff  }
0xf9: {  	v36 =	vld.idx.msk [tilespmem:v18+s18+$0x0], $0xffff  }
0xfa: {  	v37 =	vor.u32 v11, v22;
	v23 =	vld.idx.msk [tilespmem:v23+s18+$0x0], $0xffff  }
0xfb: {  	v18 =	vmul.bf16 v20, v32;
	v38 =	vld.idx.msk [tilespmem:v30+s18+$0x0], $0xffff  }
0xfc: {  	v32 =	vld.idx.msk [tilespmem:v24+s17+$0x0], $0xffff  }
0xfd: {  	v20 =	vld.idx.msk [tilespmem:v21+s18+$0x0], $0xffff;
	v21 =	vor.u32 v6, v22  }
0xfe: {  	v30 =	vld.idx.msk [tilespmem:v30+s17+$0x0], $0xffff  }
0xff: {  	v36 =	vmul.bf16 v36, v19;
	v19 =	vld.idx.msk [tilespmem:v37+s18+$0x0], $0xffff  }
0x100: {  	v24 =	vld.idx.msk [tilespmem:v24+s18+$0x0], $0xffff  }
0x101: {  	v33 =	vmul.bf16 v33, v35;
	v35 =	vor.u32 v10, v22;
	v25 =	vld.idx.msk [tilespmem:v25+s18+$0x0], $0xffff  }
0x102: {  	v39 =	vld.idx.msk [tilespmem:v21+s17+$0x0], $0xffff  }
0x103: {  	v40 =	vunpack.i.l.bf16.f32 v33;
	v27 =	vmul.bf16 v20, v27;
	v41 =	vld.idx.msk [tilespmem:v21+s18+$0x0], $0xffff  }
0x104: {  	v23 =	vmul.bf16 v23, v31;
	v30 =	vmul.bf16 v38, v30;
	v38 =	vunpack.i.l.bf16.f32 v36;
	v31 =	vld.idx.msk [tilespmem:v26+s17+$0x0], $0xffff  }
0x105: {  	v22 =	vor.u32 v16, v22;
	v21 =	vunpack.i.u.bf16.f32 v36;
	v42 =	vunpack.i.l.bf16.f32 v27;
	v36 =	vld.idx.msk [tilespmem:v26+s18+$0x0], $0xffff  }
0x106: {  	v20 =	vunpack.i.u.bf16.f32 v33;
	v26 =	vunpack.i.l.bf16.f32 v23;
	v43 =	vunpack.i.l.bf16.f32 v30;
	v44 =	vld.idx.msk [tilespmem:v35+s18+$0x0], $0xffff  }
0x107: {  	v33 =	vadd.f32 $0.0e+00, v42;
	v23 =	vunpack.i.u.bf16.f32 v23;
	v42 =	vmul.bf16 v24, v32;
	v35 =	vld.idx.msk [tilespmem:v35+s17+$0x0], $0xffff  }
0x108: {  	v24 =	vunpack.i.u.bf16.f32 v27;
	v45 =	vunpack.i.u.bf16.f32 v30;
	v32 =	vadd.f32 $0.0e+00, v26;
	v26 =	vld.idx.msk [tilespmem:v37+s17+$0x0], $0xffff  }
.Ltmp4:
0x109: {  	v24 =	vadd.f32 v33, v24;
	v30 =	vunpack.i.l.bf16.f32 v42;
	v37 =	vadd.f32 $0.0e+00, v43;
	v27 =	vld.idx.msk [tilespmem:v28+s17+$0x0], $0xffff;
	(pc) =	sbr.rel @p3 .LBB2_11-.Ltmp4, $4  }
0x10a: {  	v43 =	vadd.f32 v32, v23;
	v32 =	vadd.f32 $0.0e+00, v30;
	v33 =	vmul.bf16 v41, v39;
	v30 =	vld.idx.msk [tilespmem:v28+s18+$0x0], $0xffff  }
0x10b: {  	v37 =	vadd.f32 v37, v45;
	v28 =	vadd.f32 v40, v24;
	v24 =	vmul.bf16 v36, v31;
	v23 =	vld.idx.msk [tilespmem:v22+s17+$0x0], $0xffff  }
0x10c: {  	v34 =	vmul.bf16 v25, v34;
	v36 =	vunpack.i.u.bf16.f32 v42;
	v31 =	vunpack.i.l.bf16.f32 v33;
	v25 =	vld.idx.msk [tilespmem:v29+s18+$0x0], $0xffff  }
0x10d: {  	v31 =	vadd.f32 v31, v43;
	v37 =	vadd.f32 v38, v37;
	v35 =	vmul.bf16 v44, v35;
	v29 =	vld.idx.msk [tilespmem:v29+s17+$0x0], $0xffff  }
0x10e: {  	_ = 	snop  }
0x10f: {  	v32 =	vadd.f32 v32, v36;
	v33 =	vunpack.i.u.bf16.f32 v33  }
0x110: {  	v48 =	vunpack.i.l.bf16.f32 v34;
	v19 =	vmul.bf16 v19, v26;
	v50 =	vunpack.i.u.bf16.f32 v34  }
0x111: {  	v51 =	vunpack.i.l.bf16.f32 v24;
	v20 =	vadd.f32 v28, v20;
	v56 =	vunpack.i.l.bf16.f32 v18  }
0x112: {  	v22 =	vld.idx.msk [tilespmem:v22+s18+$0x0], $0xffff;
	v57 =	vunpack.i.u.bf16.f32 v24;
	v18 =	vunpack.i.u.bf16.f32 v18;
	v21 =	vadd.f32 v37, v21  }
0x113: {  	v54 =	vld.idx.msk [tilespmem:v17+s17+$0x0], $0xffff;
	v49 =	vunpack.i.l.bf16.f32 v35;
	v27 =	vmul.bf16 v30, v27;
	v31 =	vadd.f32 v31, v33  }
0x114: {  	v17 =	vld.idx.msk [tilespmem:v17+s18+$0x0], $0xffff;
	v53 =	vunpack.i.u.bf16.f32 v35;
	v52 =	vadd.f32 v48, v32;
	v55 =	vunpack.i.u.bf16.f32 v19  }
0x115: {  	v19 =	vunpack.i.l.bf16.f32 v19;
	v20 =	vadd.f32 v51, v20;
	v58 =	vadd.f32 v49, v31  }
0x116: {  	v19 =	vadd.f32 v19, v21;
	v61 =	vunpack.i.l.bf16.f32 v27;
	v26 =	vadd.f32 v52, v50  }
0x117: {  	v63 =	vunpack.i.u.bf16.f32 v27;
	v25 =	vmul.bf16 v25, v29;
	v20 =	vadd.f32 v20, v57  }
0x118: {  	v22 =	vmul.bf16 v22, v23;
	v23 =	vadd.f32 v58, v53;
	v26 =	vadd.f32 v56, v26  }
0x119: {  	v17 =	vmul.bf16 v17, v54;
	v19 =	vadd.f32 v19, v55;
	v59 =	vunpack.i.l.bf16.f32 v25  }
0x11a: {  	v25 =	vunpack.i.u.bf16.f32 v25;
	v60 =	vunpack.i.l.bf16.f32 v22;
	v18 =	vadd.f32 v26, v18  }
0x11b: {  	v20 =	vadd.f32 v59, v20;
	v62 =	vunpack.i.l.bf16.f32 v17;
	v19 =	vadd.f32 v61, v19  }
0x11c: {  	v22 =	vunpack.i.u.bf16.f32 v22;
	v23 =	vadd.f32 v62, v23;
	v18 =	vadd.f32 v60, v18  }
0x11d: {  	v17 =	vunpack.i.u.bf16.f32 v17;
	v20 =	vadd.f32 v20, v25;
	v19 =	vadd.f32 v19, v63  }
0x11e: {  	v17 =	vadd.f32 v23, v17;
	v18 =	vadd.f32 v18, v22;
	_ =	sdelay $0x1  }
0x11f: {  	v17 =	vadd.f32 v17, v20;
	v18 =	vadd.f32 v18, v19;
	_ =	sdelay $0x1  }
0x120: {  	s2 =	sadd.s32 s28, s29;
	v17 =	vadd.f32 v18, v17  }
0x121: {  	s2 =	sshrl.u32 s2, $0x3  }
.Ltmp5:
0x122: {  	s2 =	sadd.s32 s6, s2;
	[tilespmem:s30+$0x0] =	vst v17;
	(pc) =	sbr.rel @p2 .LBB2_8-.Ltmp5, $4  }
0x123: {  	[hbm4b:s2+s4] =	stream.linear.scatter [tilespmem:s21], [sflag:$0x3], $0x190, $0x38;
	[tilespmem:$0x1FBD0] =	vst v63  }
0x124: {  	_ =	swait.ge [sflag:s12], $0x190  }
0x125: {  	[sflag:s12] =	ssyncset.done $0x0  }
0x126: {  	p3 =	por $0x0, $0x0;
	s30 =	simm.s32 $0x320;
	[sflag:s12] =	ssyncadd.s32 $0xFFFFFE70  }
0x127: {  	s2 =	simm.s32 $0x0  }
0x128: {  	v17 =	vmov s2  }
0x129: {  	v17 =	vshll.u32 v17, $0x4  }
0x12a: {  	_ =	swait.ge [sflag:s19], $0x1900;
	v20 =	vor.u32 v1, v17  }
0x12b: {  	[sflag:s19] =	ssyncset.done $0x0;
	v17 =	vor.u32 v0, v20  }
0x12c: {  	[sflag:s19] =	ssyncadd.s32 $0xFFFFE700;
	v18 =	vor.u32 v2, v20  }
0x12d: {  	_ =	swait.ge [sflag:s19], $0x1900;
	v21 =	vor.u32 v9, v20  }
0x12e: {  	[sflag:s19] =	ssyncset.done $0x0;
	v19 =	vor.u32 v12, v20  }
0x12f: {  	[sflag:s19] =	ssyncadd.s32 $0xFFFFE700  }
0x130: {  	v22 =	vor.u32 v5, v20;
	v23 =	vld.idx.msk [tilespmem:v17+s15+$0x0], $0xffff  }
0x131: {  	v24 =	vld.idx.msk [tilespmem:v18+s15+$0x0], $0xffff  }
0x132: {  	v25 =	vor.u32 v8, v20;
	v30 =	vld.idx.msk [tilespmem:v21+s15+$0x0], $0xffff  }
0x133: {  	v26 =	vld.idx.msk [tilespmem:v19+s15+$0x0], $0xffff  }
0x134: {  	v27 =	vld.idx.msk [tilespmem:v19+s16+$0x0], $0xffff  }
0x135: {  	v29 =	vor.u32 v4, v20;
	v28 =	vld.idx.msk [tilespmem:v22+s16+$0x0], $0xffff  }
0x136: {  	v22 =	vld.idx.msk [tilespmem:v22+s15+$0x0], $0xffff  }
0x137: {  	v31 =	vld.idx.msk [tilespmem:v25+s15+$0x0], $0xffff  }
0x138: {  	v25 =	vld.idx.msk [tilespmem:v25+s16+$0x0], $0xffff  }
0x139: {  	v37 =	vor.u32 v6, v20;
	v32 =	vld.idx.msk [tilespmem:v18+s16+$0x0], $0xffff  }
0x13a: {  	v19 =	vor.u32 v3, v20;
	v35 =	vld.idx.msk [tilespmem:v29+s15+$0x0], $0xffff  }
0x13b: {  	v36 =	vld.idx.msk [tilespmem:v17+s16+$0x0], $0xffff  }
0x13c: {  	v39 =	vor.u32 v7, v20;
	v29 =	vld.idx.msk [tilespmem:v29+s16+$0x0], $0xffff  }
0x13d: {  	v40 =	vld.idx.msk [tilespmem:v21+s16+$0x0], $0xffff  }
0x13e: {  	v41 =	vor.u32 v10, v20;
	v59 =	vld.idx.msk [tilespmem:v37+s16+$0x0], $0xffff  }
0x13f: {  	v34 =	vld.idx.msk [tilespmem:v19+s16+$0x0], $0xffff  }
0x140: {  	v33 =	vor.u32 v11, v20;
	v42 =	vor.u32 v13, v20;
	v38 =	vld.idx.msk [tilespmem:v19+s15+$0x0], $0xffff;
	v28 =	vmul.bf16 v28, v22  }
0x141: {  	v43 =	vor.u32 v15, v20;
	v61 =	vld.idx.msk [tilespmem:v39+s15+$0x0], $0xffff;
	v21 =	vmul.bf16 v25, v31;
	v18 =	vmul.bf16 v27, v26  }
0x142: {  	v17 =	vor.u32 v14, v20;
	v62 =	vld.idx.msk [tilespmem:v39+s16+$0x0], $0xffff;
	v23 =	vmul.bf16 v36, v23;
	v24 =	vmul.bf16 v32, v24  }
0x143: {  	v44 =	vld.idx.msk [tilespmem:v41+s16+$0x0], $0xffff;
	v22 =	vor.u32 v16, v20;
	v35 =	vmul.bf16 v29, v35;
	v31 =	vunpack.i.l.bf16.f32 v28  }
0x144: {  	v25 =	vld.idx.msk [tilespmem:v37+s15+$0x0], $0xffff;
	v60 =	vunpack.i.l.bf16.f32 v21;
	v27 =	vunpack.i.l.bf16.f32 v23;
	v21 =	vunpack.i.u.bf16.f32 v21  }
0x145: {  	v41 =	vld.idx.msk [tilespmem:v41+s15+$0x0], $0xffff;
	v32 =	vunpack.i.l.bf16.f32 v24;
	v20 =	vunpack.i.u.bf16.f32 v28;
	v26 =	vmul.bf16 v34, v38  }
0x146: {  	v19 =	vld.idx.msk [tilespmem:v33+s16+$0x0], $0xffff;
	v23 =	vunpack.i.u.bf16.f32 v23;
	v29 =	vunpack.i.l.bf16.f32 v35;
	v27 =	vadd.f32 $0.0e+00, v27  }
0x147: {  	v28 =	vadd.f32 $0.0e+00, v32;
	v32 =	vadd.f32 $0.0e+00, v29;
	v29 =	vld.idx.msk [tilespmem:v43+s16+$0x0], $0xffff;
	v63 =	vunpack.i.l.bf16.f32 v26  }
0x148: {  	v24 =	vunpack.i.u.bf16.f32 v24;
	v23 =	vadd.f32 v27, v23;
	v27 =	vld.idx.msk [tilespmem:v43+s15+$0x0], $0xffff;
	v39 =	vadd.f32 $0.0e+00, v63  }
0x149: {  	v36 =	vunpack.i.u.bf16.f32 v35;
	v45 =	vunpack.i.u.bf16.f32 v26;
	v26 =	vld.idx.msk [tilespmem:v33+s15+$0x0], $0xffff;
	v33 =	vmul.bf16 v59, v25  }
0x14a: {  	v46 =	vadd.f32 v28, v24;
	v34 =	vmul.bf16 v40, v30;
	v30 =	vld.idx.msk [tilespmem:v42+s15+$0x0], $0xffff;
	v39 =	vadd.f32 v39, v45  }
0x14b: {  	v35 =	vmul.bf16 v44, v41;
	v28 =	vadd.f32 v31, v23;
	v23 =	vld.idx.msk [tilespmem:v22+s15+$0x0], $0xffff;
	v31 =	vunpack.i.l.bf16.f32 v33  }
0x14c: {  	s11 =	simm.s32 $0x10;
	s28 =	simm.s32 $0x73A0;
	s2 =	simm.s32 $0x73A0;
	v24 =	vmul.bf16 v62, v61;
	v25 =	vld.idx.msk [tilespmem:v42+s16+$0x0], $0xffff;
	v31 =	vadd.f32 v31, v46;
	v37 =	vadd.f32 v60, v39  }
.LBB2_14:
0x14d: {  	p2 =	sne.s32 s11, $0x180  }
0x14e: {  	v32 =	vadd.f32 v32, v36;
	v33 =	vunpack.i.u.bf16.f32 v33;
	v36 =	vunpack.i.l.bf16.f32 v34;
	v22 =	vld.idx.msk [tilespmem:v22+s16+$0x0], $0xffff;
	s2 =	sadd.s32 $0x10, s2;
	s22 =	smov.u32 s11;
	s11 =	sadd.s32 $0x10, s11  }
0x14f: {  	v19 =	vmul.bf16 v19, v26;
	v21 =	vadd.f32 v37, v21;
	v37 =	vunpack.i.l.bf16.f32 v35  }
0x150: {  	v26 =	vunpack.i.u.bf16.f32 v34;
	v34 =	vunpack.i.l.bf16.f32 v24;
	v27 =	vmul.bf16 v29, v27;
	v38 =	vld.idx.msk [tilespmem:v17+s15+$0x0], $0xffff  }
0x151: {  	v29 =	vadd.f32 v36, v32;
	v32 =	vunpack.i.u.bf16.f32 v35;
	v35 =	vunpack.i.u.bf16.f32 v19;
	v17 =	vld.idx.msk [tilespmem:v17+s16+$0x0], $0xffff  }
0x152: {  	v20 =	vadd.f32 v28, v20;
	v28 =	vunpack.i.l.bf16.f32 v18;
	v19 =	vunpack.i.l.bf16.f32 v19  }
0x153: {  	v24 =	vunpack.i.u.bf16.f32 v24;
	v31 =	vadd.f32 v31, v33;
	v26 =	vadd.f32 v29, v26  }
0x154: {  	v20 =	vadd.f32 v34, v20;
	v25 =	vmul.bf16 v25, v30;
	v22 =	vmul.bf16 v22, v23  }
0x155: {  	v18 =	vunpack.i.u.bf16.f32 v18;
	v23 =	vadd.f32 v37, v31;
	v26 =	vadd.f32 v28, v26  }
0x156: {  	v20 =	vadd.f32 v20, v24;
	v24 =	vunpack.i.l.bf16.f32 v25;
	v28 =	vunpack.i.l.bf16.f32 v22  }
0x157: {  	v29 =	vunpack.i.l.bf16.f32 v27;
	v23 =	vadd.f32 v23, v32;
	v17 =	vmul.bf16 v17, v38  }
0x158: {  	v25 =	vunpack.i.u.bf16.f32 v25;
	v22 =	vunpack.i.u.bf16.f32 v22;
	v18 =	vadd.f32 v26, v18  }
0x159: {  	v20 =	vadd.f32 v24, v20;
	v26 =	vunpack.i.u.bf16.f32 v27;
	v24 =	vunpack.i.l.bf16.f32 v17  }
0x15a: {  	v19 =	vadd.f32 v19, v21;
	v18 =	vadd.f32 v28, v18  }
0x15b: {  	v20 =	vadd.f32 v20, v25;
	v21 =	vadd.f32 v24, v23  }
0x15c: {  	v19 =	vadd.f32 v19, v35;
	v17 =	vunpack.i.u.bf16.f32 v17;
	v18 =	vadd.f32 v18, v22  }
0x15d: {  	v17 =	vadd.f32 v21, v17  }
0x15e: {  	v19 =	vadd.f32 v29, v19  }
0x15f: {  	v21 =	vmov s22;
	v20 =	vadd.f32 v17, v20  }
0x160: {  	v19 =	vadd.f32 v19, v26;
	v17 =	vshll.u32 v21, $0x4  }
0x161: {  	v22 =	vor.u32 v1, v17  }
0x162: {  	v18 =	vadd.f32 v18, v19;
	v21 =	vor.u32 v0, v22;
	v23 =	vor.u32 v2, v22  }
0x163: {  	v24 =	vor.u32 v4, v22;
	v19 =	vor.u32 v5, v22;
	v17 =	vor.u32 v14, v22  }
0x164: {  	v25 =	vor.u32 v9, v22;
	v26 =	vor.u32 v7, v22;
	v18 =	vadd.f32 v18, v20  }
0x165: {  	v20 =	vor.u32 v12, v22;
	v30 =	vor.u32 v13, v22;
	v28 =	vor.u32 v15, v22  }
0x166: {  	[tilespmem:s28+$0x0] =	vst v18;
	s28 =	smov.u32 s2  }
0x167: {  	v29 =	vor.u32 v3, v22;
	v18 =	vor.u32 v8, v22;
	v27 =	vld.idx.msk [tilespmem:v21+s15+$0x0], $0xffff  }
0x168: {  	v31 =	vld.idx.msk [tilespmem:v23+s15+$0x0], $0xffff  }
0x169: {  	v34 =	vld.idx.msk [tilespmem:v25+s15+$0x0], $0xffff  }
0x16a: {  	v32 =	vld.idx.msk [tilespmem:v20+s15+$0x0], $0xffff  }
0x16b: {  	v20 =	vld.idx.msk [tilespmem:v20+s16+$0x0], $0xffff  }
0x16c: {  	v33 =	vld.idx.msk [tilespmem:v19+s16+$0x0], $0xffff  }
0x16d: {  	v35 =	vld.idx.msk [tilespmem:v19+s15+$0x0], $0xffff  }
0x16e: {  	v19 =	vld.idx.msk [tilespmem:v18+s15+$0x0], $0xffff  }
0x16f: {  	v36 =	vld.idx.msk [tilespmem:v18+s16+$0x0], $0xffff  }
0x170: {  	v37 =	vor.u32 v11, v22;
	v23 =	vld.idx.msk [tilespmem:v23+s16+$0x0], $0xffff  }
0x171: {  	v18 =	vmul.bf16 v20, v32;
	v38 =	vld.idx.msk [tilespmem:v29+s16+$0x0], $0xffff  }
0x172: {  	v32 =	vld.idx.msk [tilespmem:v24+s15+$0x0], $0xffff  }
0x173: {  	v20 =	vld.idx.msk [tilespmem:v21+s16+$0x0], $0xffff;
	v21 =	vor.u32 v6, v22  }
0x174: {  	v29 =	vld.idx.msk [tilespmem:v29+s15+$0x0], $0xffff  }
0x175: {  	v36 =	vmul.bf16 v36, v19;
	v19 =	vld.idx.msk [tilespmem:v37+s16+$0x0], $0xffff  }
0x176: {  	v24 =	vld.idx.msk [tilespmem:v24+s16+$0x0], $0xffff  }
0x177: {  	v33 =	vmul.bf16 v33, v35;
	v35 =	vor.u32 v10, v22;
	v25 =	vld.idx.msk [tilespmem:v25+s16+$0x0], $0xffff  }
0x178: {  	v39 =	vld.idx.msk [tilespmem:v21+s15+$0x0], $0xffff  }
0x179: {  	v40 =	vunpack.i.l.bf16.f32 v33;
	v27 =	vmul.bf16 v20, v27;
	v41 =	vld.idx.msk [tilespmem:v21+s16+$0x0], $0xffff  }
0x17a: {  	v23 =	vmul.bf16 v23, v31;
	v29 =	vmul.bf16 v38, v29;
	v38 =	vunpack.i.l.bf16.f32 v36;
	v31 =	vld.idx.msk [tilespmem:v26+s15+$0x0], $0xffff  }
0x17b: {  	v22 =	vor.u32 v16, v22;
	v21 =	vunpack.i.u.bf16.f32 v36;
	v42 =	vunpack.i.l.bf16.f32 v27;
	v36 =	vld.idx.msk [tilespmem:v26+s16+$0x0], $0xffff  }
0x17c: {  	v20 =	vunpack.i.u.bf16.f32 v33;
	v26 =	vunpack.i.l.bf16.f32 v23;
	v43 =	vunpack.i.l.bf16.f32 v29;
	v44 =	vld.idx.msk [tilespmem:v35+s16+$0x0], $0xffff  }
0x17d: {  	v33 =	vadd.f32 $0.0e+00, v42;
	v23 =	vunpack.i.u.bf16.f32 v23;
	v42 =	vmul.bf16 v24, v32;
	v35 =	vld.idx.msk [tilespmem:v35+s15+$0x0], $0xffff  }
0x17e: {  	v24 =	vunpack.i.u.bf16.f32 v27;
	v45 =	vunpack.i.u.bf16.f32 v29;
	v32 =	vadd.f32 $0.0e+00, v26;
	v26 =	vld.idx.msk [tilespmem:v37+s15+$0x0], $0xffff  }
.Ltmp6:
0x17f: {  	v24 =	vadd.f32 v33, v24;
	v29 =	vunpack.i.l.bf16.f32 v42;
	v37 =	vadd.f32 $0.0e+00, v43;
	v27 =	vld.idx.msk [tilespmem:v28+s15+$0x0], $0xffff;
	(pc) =	sbr.rel @p2 .LBB2_14-.Ltmp6, $4  }
0x180: {  	v43 =	vadd.f32 v32, v23;
	v32 =	vadd.f32 $0.0e+00, v29;
	v33 =	vmul.bf16 v41, v39;
	v29 =	vld.idx.msk [tilespmem:v28+s16+$0x0], $0xffff  }
0x181: {  	v37 =	vadd.f32 v37, v45;
	v28 =	vadd.f32 v40, v24;
	v24 =	vmul.bf16 v36, v31;
	v23 =	vld.idx.msk [tilespmem:v22+s15+$0x0], $0xffff  }
0x182: {  	v34 =	vmul.bf16 v25, v34;
	v36 =	vunpack.i.u.bf16.f32 v42;
	v31 =	vunpack.i.l.bf16.f32 v33;
	v25 =	vld.idx.msk [tilespmem:v30+s16+$0x0], $0xffff  }
0x183: {  	v31 =	vadd.f32 v31, v43;
	v37 =	vadd.f32 v38, v37;
	v35 =	vmul.bf16 v44, v35;
	v30 =	vld.idx.msk [tilespmem:v30+s15+$0x0], $0xffff  }
0x184: {  	_ = 	snop  }
0x185: {  	v32 =	vadd.f32 v32, v36;
	v33 =	vunpack.i.u.bf16.f32 v33  }
0x186: {  	v48 =	vunpack.i.l.bf16.f32 v34;
	v19 =	vmul.bf16 v19, v26;
	v50 =	vunpack.i.u.bf16.f32 v34  }
0x187: {  	v51 =	vunpack.i.l.bf16.f32 v24;
	v20 =	vadd.f32 v28, v20;
	v56 =	vunpack.i.l.bf16.f32 v18  }
0x188: {  	v22 =	vld.idx.msk [tilespmem:v22+s16+$0x0], $0xffff;
	v57 =	vunpack.i.u.bf16.f32 v24;
	v18 =	vunpack.i.u.bf16.f32 v18;
	v21 =	vadd.f32 v37, v21  }
0x189: {  	v54 =	vld.idx.msk [tilespmem:v17+s15+$0x0], $0xffff;
	v49 =	vunpack.i.l.bf16.f32 v35;
	v27 =	vmul.bf16 v29, v27;
	v31 =	vadd.f32 v31, v33  }
0x18a: {  	v17 =	vld.idx.msk [tilespmem:v17+s16+$0x0], $0xffff;
	v53 =	vunpack.i.u.bf16.f32 v35;
	v52 =	vadd.f32 v48, v32;
	v55 =	vunpack.i.u.bf16.f32 v19  }
0x18b: {  	v19 =	vunpack.i.l.bf16.f32 v19;
	v20 =	vadd.f32 v51, v20;
	v58 =	vadd.f32 v49, v31  }
0x18c: {  	v19 =	vadd.f32 v19, v21;
	v61 =	vunpack.i.l.bf16.f32 v27;
	v26 =	vadd.f32 v52, v50  }
0x18d: {  	v63 =	vunpack.i.u.bf16.f32 v27;
	v25 =	vmul.bf16 v25, v30;
	v20 =	vadd.f32 v20, v57  }
0x18e: {  	v22 =	vmul.bf16 v22, v23;
	v23 =	vadd.f32 v58, v53;
	v26 =	vadd.f32 v56, v26  }
0x18f: {  	v17 =	vmul.bf16 v17, v54;
	v19 =	vadd.f32 v19, v55;
	v59 =	vunpack.i.l.bf16.f32 v25  }
0x190: {  	v25 =	vunpack.i.u.bf16.f32 v25;
	v60 =	vunpack.i.l.bf16.f32 v22;
	v18 =	vadd.f32 v26, v18  }
0x191: {  	v20 =	vadd.f32 v59, v20;
	v62 =	vunpack.i.l.bf16.f32 v17;
	v19 =	vadd.f32 v61, v19  }
0x192: {  	v22 =	vunpack.i.u.bf16.f32 v22;
	v23 =	vadd.f32 v62, v23;
	v18 =	vadd.f32 v60, v18  }
0x193: {  	v17 =	vunpack.i.u.bf16.f32 v17;
	v20 =	vadd.f32 v20, v25;
	v19 =	vadd.f32 v19, v63  }
0x194: {  	v17 =	vadd.f32 v23, v17;
	v18 =	vadd.f32 v18, v22;
	_ =	sdelay $0x1  }
0x195: {  	v17 =	vadd.f32 v17, v20;
	v18 =	vadd.f32 v18, v19;
	_ =	sdelay $0x1  }
0x196: {  	s25 =	sadd.s32 $0x1, s25;
	v17 =	vadd.f32 v18, v17  }
0x197: {  	s2 =	sadd.s32 s6, s26;
	p2 =	sne.s32 s25, $0x19  }
.Ltmp7:
0x198: {  	s2 =	sadd.s32 $0xC8, s2;
	[tilespmem:s28+$0x0] =	vst v17;
	(pc) =	sbr.rel @p2 .LBB2_7-.Ltmp7, $4  }
0x199: {  	[hbm4b:s2+s4] =	stream.linear.scatter [tilespmem:s21], [sflag:$0x3], $0x190, $0x38;
	[tilespmem:$0x1FBD0] =	vst v63  }
0x19a: {  	_ =	swait.ge [sflag:s12], $0x190  }
0x19b: {  	[sflag:s12] =	ssyncset.done $0x0  }
0x19c: {  	[sflag:s12] =	ssyncadd.s32 $0xFFFFFE70  }
0x19d: {  	s23 =	sadd.s32 $0x1, s23  }
0x19e: {  	p2 =	sne.s32 s23, s9  }
.Ltmp8:
0x19f: {  	_ = 	snop;
	(pc) =	sbr.rel @p2 .LBB2_1-.Ltmp8, $1  }
0x1a0: {  	_ =	sdelay $0x3  }
0x1a1: {  	_ =	sfence.sel $0x180000  }
0x1a2: {  	[bflag:$0x0] =	sbarrier.arrive $0xFFFF  }
0x1a3: {  	_ =	strace $0x90000047  }
0x1a4: {  	[bflag:$0x2] =	sbarrier.arrive $0xFFFF  }
0x1a5: {  	s0 =	rddreg [dreg:$0x4]  }
0x1a6: {  	s0 =	sadd.s32 @!p1 $0x100000, s0  }
0x1a7: {  	[sflag:s0] =	ssyncadd.tile.s32 @!p1 $0x1;
	_ =	shalt  }
.Lfunc_end2:
_tile_overlayer_lowered:
.L_overlay_start_2:
0x1a8: {  	(tag) =	ssettag $0x2  }
0x1a9: {  	s0 =	rddreg [dreg:$0x0];
	s2 =	stileid.u32  }
0x1aa: {  	s1 =	rddreg [dreg:$0x1];
	p0 =	sne.s32 s2, $0x0  }
0x1ab: {  	s3 =	rddreg [dreg:$0x2];
	[bflag:$0x3] =	sbarrier.arrive $0xFFFF;
	s2 =	simm.s32 @!p0 $0x1C03  }
0x1ac: {  	[timem:s3], [sflag:s2] =	dma.local @!p0 [hbm:s0], s1  }
0x1ad: {  	s0 =	simm.s32 @!p0 $0x3  }
0x1ae: {  	_ =	swait.ge @!p0 [sflag:s0], s1  }
0x1af: {  	s1 =	ssub.s32 @!p0 $0x0, s1;
	[sflag:s0] =	ssyncset.done @!p0 $0x0  }
0x1b0: {  	[sflag:s0] =	ssyncadd.s32 @!p0 s1  }
0x1b1: {  	[bflag:$0x3] =	sbarrier.arrive $0xFFFF  }
0x1b2: {  	_ =	shalt  }

</sc_bundles>
